<compile_context>
chip_gen: v7x
topology: tpu7x:2x2x1
jax: 0.10.2.dev20260603
libtpu: 0.0.44.dev20260713+nightly
codegen_flags: <defaults>
</compile_context>

<pallas_src>
import functools
import numpy as np
import jax
import jax.numpy as jnp
from jax import lax
from jax.experimental import pallas as pl
from jax.experimental.pallas import tpu as pltpu
from jax.experimental.pallas import tpu_sc as plsc

K = 5
DIRS = [(dx, dy, dz)
        for dx in (-1, 0, 1) for dy in (-1, 0, 1) for dz in (-1, 0, 1)
        if not (dx == 0 and dy == 0 and dz == 0)]

LANES = 16
VOX = 13 ** 3
VOXP = 2208


def _widx(d):
    e = [(c + 1) * 2 for c in d]
    return (e[0] * K + e[1]) * K + e[2]


def _np_mask_flat(G, npad=None):
    n = G ** 3
    cx, cy, cz = np.indices((G, G, G))
    cx, cy, cz = cx.ravel(), cy.ravel(), cz.ravel()
    rows = []
    for (dx, dy, dz) in DIRS:
        ok = ((cx - dx >= 0) & (cx - dx < G) &
              (cy - dy >= 0) & (cy - dy < G) &
              (cz - dz >= 0) & (cz - dz < G))
        rows.append(ok.astype(np.float32))
    m = np.stack(rows, axis=0)
    if npad is not None and npad > n:
        m = np.concatenate([m, np.zeros((26, npad - n), np.float32)], axis=1)
    return m


def _np_invdeg(G, npad=None):
    m = _np_mask_flat(G)[:, :G ** 3]
    deg = np.maximum(m.sum(axis=0), 1.0)
    inv = (1.0 / deg).astype(np.float32)[:, None]
    if npad is not None and npad > G ** 3:
        inv = np.concatenate(
            [inv, np.ones((npad - G ** 3, 1), np.float32)], axis=0)
    return inv


_TAKE_ROWS = {
    (13, 7): [[0, 2, 4, 6, 7, 9, 11], [1, 3, 5, 6, 8, 10, 12]],
    (7, 5): [[0, 1, 3, 4, 6], [0, 2, 3, 5, 6]],
    (5, 2): [[0, 2], [1, 3], [1, 4]],
}
_TAKE_WINS = {
    (13, 7): [[(0, 1), (2, 3), (4, 5), (6, 8), (9, 10), (11, 12)],
              [(1, 2), (3, 4), (5, 7), (8, 9), (10, 11), (12, 13)]],
    (7, 5): [[(0, 2), (3, 5), (6, 7)], [(0, 1), (2, 4), (5, 7)]],
    (5, 2): [[(0, 1), (2, 3)], [(1, 2), (3, 4)], [(1, 2), (4, 5)]],
}


def _np_take(rows, G1):
    t = np.zeros((len(rows), G1), np.float32)
    t[np.arange(len(rows)), rows] = 1.0
    return t


def _pool_consts(G1, G2):
    takes = _TAKE_ROWS[(G1, G2)]
    sely = [np.kron(_np_take(r, G1), np.eye(G1, dtype=np.float32))
            for r in takes]
    selz = [np.kron(np.eye(G2, dtype=np.float32), _np_take(r, G1))
            for r in takes]
    return sely, selz


def _elu(x):
    return jnp.where(x > 0, x, jnp.exp(jnp.minimum(x, 0.0)) - 1.0)


def _mm(a, b):
    return jnp.dot(a, b, preferred_element_type=jnp.float32)


def _pool_stage(h, G1, G2, sely, selz):
    blk = G1 * G1
    wins = _TAKE_WINS[(G1, G2)]
    parts = [jnp.concatenate([h[s * blk:e * blk] for (s, e) in w], axis=0)
             for w in wins]
    h = functools.reduce(jnp.maximum, parts)
    outs = []
    for b in range(G2):
        chunk = h[b * blk:(b + 1) * blk]
        outs.append(functools.reduce(
            jnp.maximum, [_mm(s, chunk) for s in sely]))
    h = jnp.concatenate(outs, axis=0)
    outs = []
    for b in range(G2):
        chunk = h[b * G2 * G1:(b + 1) * G2 * G1]
        outs.append(functools.reduce(
            jnp.maximum, [_mm(s, chunk) for s in selz]))
    return jnp.concatenate(outs, axis=0)


def _conv_dense(h, G, W, root, bias, mask, inv_deg):
    n = G ** 3
    cin = h.shape[1]
    zed = None
    agg = None
    for k, (dx, dy, dz) in enumerate(DIRS):
        o = (dx * G + dy) * G + dz
        if o > 0:
            sh = jnp.concatenate(
                [jnp.zeros((o, cin), h.dtype), h[:n - o]], axis=0)
        else:
            sh = jnp.concatenate(
                [h[-o:], jnp.zeros((-o, cin), h.dtype)], axis=0)
        sh = sh * mask[k * n:(k + 1) * n]
        t = _mm(sh, W[_widx((dx, dy, dz))])
        agg = t if agg is None else agg + t
    return agg * inv_deg + _mm(h, root) + bias


def _tc_body(part_ref, W1_ref, root1_ref, b1_ref, W2_ref, root2_ref, b2_ref,
             W3_ref, root3_ref, b3_ref, fc1w_ref, fc1b_ref, fc2w_ref, fc2b_ref,
             m1_ref, id1_ref, m2_ref, id2_ref, m3_ref, id3_ref,
             sy1a_ref, sy1b_ref, sz1a_ref, sz1b_ref,
             sy2a_ref, sy2b_ref, sz2a_ref, sz2b_ref,
             sy3a_ref, sy3b_ref, sy3c_ref, sz3a_ref, sz3b_ref, sz3c_ref,
             out_ref):
    part = part_ref[...]
    vox = jnp.max(part, axis=0, keepdims=True)
    vox = jnp.where(vox > -jnp.inf, vox, 0.0)

    PAD = 184
    vox_ext = jnp.concatenate(
        [jnp.zeros((1, PAD), jnp.float32), vox,
         jnp.zeros((1, PAD), jnp.float32)], axis=1)
    m1 = m1_ref[...]
    rows = []
    wrows = []
    for k, (dx, dy, dz) in enumerate(DIRS):
        o = (dx * 169 + dy * 13 + dz)
        rows.append(vox_ext[:, PAD - o:PAD - o + VOXP] * m1[k:k + 1, :])
        wrows.append(W1_ref[...][_widx((dx, dy, dz))])
    hcat_t = jnp.concatenate(rows, axis=0)
    wcat1 = jnp.concatenate(wrows, axis=0)
    dn = (((0,), (0,)), ((), ()))
    agg1 = lax.dot_general(hcat_t, wcat1, dn,
                           preferred_element_type=jnp.float32)
    root1t = lax.dot_general(vox, root1_ref[...], dn,
                             preferred_element_type=jnp.float32)
    h = _elu(agg1 * id1_ref[...] + root1t + b1_ref[...])

    h = _pool_stage(h, 13, 7, [sy1a_ref[...], sy1b_ref[...]],
                    [sz1a_ref[...], sz1b_ref[...]])
    h = _elu(_conv_dense(h, 7, W2_ref[...], root2_ref[...], b2_ref[...],
                         m2_ref[...], id2_ref[...]))
    h = _pool_stage(h, 7, 5, [sy2a_ref[...], sy2b_ref[...]],
                    [sz2a_ref[...], sz2b_ref[...]])
    h = _elu(_conv_dense(h, 5, W3_ref[...], root3_ref[...], b3_ref[...],
                         m3_ref[...], id3_ref[...]))
    h = _pool_stage(h, 5, 2,
                    [sy3a_ref[...], sy3b_ref[...], sy3c_ref[...]],
                    [sz3a_ref[...], sz3b_ref[...], sz3c_ref[...]])

    fc1w = fc1w_ref[...]
    z = None
    for i in range(8):
        t = _mm(h[i:i + 1, :], fc1w[i * 128:(i + 1) * 128])
        z = t if z is None else z + t
    z = _elu(z + fc1b_ref[...])
    z = _mm(z, fc2w_ref[...]) + fc2b_ref[...]
    m = jnp.max(z, axis=1, keepdims=True)
    lse = jnp.log(jnp.sum(jnp.exp(z - m), axis=1, keepdims=True)) + m
    out_ref[...] = z - lse


def _dense_tc(part, W1, root1, b1, W2, root2, b2, W3, root3, b3,
              fc1_w, fc1_b, fc2_w, fc2_b, interpret=False):
    m1 = _np_mask_flat(13, VOXP)
    id1 = _np_invdeg(13, VOXP)
    m2 = _np_mask_flat(7).reshape(26 * 343, 1)
    id2 = _np_invdeg(7)
    m3 = _np_mask_flat(5).reshape(26 * 125, 1)
    id3 = _np_invdeg(5)
    sy1, sz1 = _pool_consts(13, 7)
    sy2, sz2 = _pool_consts(7, 5)
    sy3, sz3 = _pool_consts(5, 2)
    consts = [m1, id1, m2, id2, m3, id3,
              sy1[0], sy1[1], sz1[0], sz1[1],
              sy2[0], sy2[1], sz2[0], sz2[1],
              sy3[0], sy3[1], sy3[2], sz3[0], sz3[1], sz3[2]]
    return pl.pallas_call(
        _tc_body,
        out_shape=jax.ShapeDtypeStruct((1, 10), jnp.float32),
        interpret=interpret,
    )(part, W1, root1, b1, W2, root2, b2, W3, root3, b3,
      fc1_w, fc1_b, fc2_w, fc2_b,
      *[jnp.asarray(c) for c in consts])


def _sc_voxel_max(xf, px, py, pz, n_per_w, n_chunks):
    info = plsc.get_sparse_core_info()
    NC, NS = info.num_cores, info.num_subcores
    mesh = plsc.VectorSubcoreMesh(core_axis_name="c", subcore_axis_name="s")

    @functools.partial(
        pl.kernel, mesh=mesh,
        compiler_params=pltpu.CompilerParams(needs_layout_passes=False),
        out_type=jax.ShapeDtypeStruct((NC * NS, VOXP), jnp.float32),
        scratch_types=[
            pltpu.VMEM((n_per_w,), jnp.float32),
            pltpu.VMEM((n_per_w,), jnp.float32),
            pltpu.VMEM((n_per_w,), jnp.float32),
            pltpu.VMEM((n_per_w,), jnp.float32),
            pltpu.VMEM((LANES * VOXP,), jnp.float32),
            pltpu.VMEM((VOXP,), jnp.float32),
            pltpu.SemaphoreType.DMA,
        ],
    )
    def k(x_hbm, px_hbm, py_hbm, pz_hbm, out_hbm,
          xv, pxv, pyv, pzv, acc, row, sem):
        wid = lax.axis_index("s") * NC + lax.axis_index("c")
        base = wid * n_per_w
        cps = [pltpu.async_copy(x_hbm.at[pl.ds(base, n_per_w)], xv, sem),
               pltpu.async_copy(px_hbm.at[pl.ds(base, n_per_w)], pxv, sem),
               pltpu.async_copy(py_hbm.at[pl.ds(base, n_per_w)], pyv, sem),
               pltpu.async_copy(pz_hbm.at[pl.ds(base, n_per_w)], pzv, sem)]

        neg = jnp.full((LANES,), -jnp.inf, jnp.float32)

        def init(c, _):
            for u in range(16):
                acc[pl.ds((c * 16 + u) * LANES, LANES)] = neg
            return 0
        lax.fori_loop(0, LANES * VOXP // (LANES * 16), init, 0)
        for cp in cps:
            cp.wait()

        rowbase = lax.iota(jnp.int32, LANES) * VOXP
        twelve = jnp.full((LANES,), 12, jnp.int32)
        zero = jnp.full((LANES,), 0, jnp.int32)

        def one(s):
            xc = xv[pl.ds(s, LANES)]
            cix = jnp.minimum(jnp.maximum(
                (pxv[pl.ds(s, LANES)] * 13.0).astype(jnp.int32), zero), twelve)
            ciy = jnp.minimum(jnp.maximum(
                (pyv[pl.ds(s, LANES)] * 13.0).astype(jnp.int32), zero), twelve)
            ciz = jnp.minimum(jnp.maximum(
                (pzv[pl.ds(s, LANES)] * 13.0).astype(jnp.int32), zero), twelve)
            cid = rowbase + (cix * 13 + ciy) * 13 + ciz
            old = plsc.load_gather(acc, [cid])
            plsc.store_scatter(acc, [cid], jnp.maximum(old, xc))

        UNROLL = 8
        def step(i, _):
            for u in range(UNROLL):
                one((i * UNROLL + u) * LANES)
            return 0
        lax.fori_loop(0, n_chunks // UNROLL, step, 0)
        for r in range(n_chunks % UNROLL):
            one((n_chunks - n_chunks % UNROLL + r) * LANES)

        def red(c, _):
            s = c * LANES
            m = acc[pl.ds(s, LANES)]
            for j in range(1, LANES):
                m = jnp.maximum(m, acc[pl.ds(j * VOXP + s, LANES)])
            row[pl.ds(s, LANES)] = m
            return 0
        lax.fori_loop(0, VOXP // LANES, red, 0)
        pltpu.sync_copy(row, out_hbm.at[wid])

    return k(xf, px, py, pz)


def kernel(x, pos, edge_index1, u1, edge_index2, u2, edge_index3, u3,
           W1, root1, b1, W2, root2, b2, W3, root3, b3,
           fc1_w, fc1_b, fc2_w, fc2_b):
    N = x.shape[0]
    NW = 32
    n_per_w = -(-N // NW)
    n_per_w = -(-n_per_w // LANES) * LANES
    npad = NW * n_per_w
    xf = jnp.concatenate(
        [x[:, 0], jnp.full((npad - N,), -jnp.inf, jnp.float32)])
    post = jnp.concatenate(
        [pos.T, jnp.full((3, npad - N), 0.5, jnp.float32)], axis=1)
    part = _sc_voxel_max(xf, post[0], post[1], post[2],
                         n_per_w, n_per_w // LANES)
    return _dense_tc(part, W1, root1, b1, W2, root2, b2, W3, root3, b3,
                     fc1_w, fc1_b, fc2_w, fc2_b)

# --- scband reference (transcript-rebuilt; emitter-appended) ---
"""Pipeline reference for scband-net-40965398069469 (READ-ONLY COPY).

The authoritative reference and input builder live on the scoring server;
editing this copy changes nothing except your own understanding.
"""

import jax, jax.numpy as jnp
import numpy as np

K = 5

def _grid_edges(G):
    idx = np.arange(G ** 3).reshape(G, G, G)
    srcs, dsts, us = [], [], []
    for dx in (-1, 0, 1):
        for dy in (-1, 0, 1):
            for dz in (-1, 0, 1):
                if dx == 0 and dy == 0 and dz == 0:
                    continue
                sA = lambda d: slice(max(0, -d), G - max(0, d))
                sB = lambda d: slice(max(0, d), G - max(0, -d))
                s = idx[sA(dx), sA(dy), sA(dz)].ravel()
                t = idx[sB(dx), sB(dy), sB(dz)].ravel()
                srcs.append(s)
                dsts.append(t)
                us.append(np.tile(np.array([dx, dy, dz], np.float32) / 2.0 + 0.5, (s.size, 1)))
    ei = np.stack([np.concatenate(srcs), np.concatenate(dsts)], 0).astype(np.int32)
    return ei, np.concatenate(us, 0).astype(np.float32)

def setup_inputs(seed: int = 0):
    key = jax.random.key(seed)
    ks = [jax.random.fold_in(key, i) for i in range(16)]
    N = 100000
    ei1, u1 = _grid_edges(13)
    ei2, u2 = _grid_edges(7)
    ei3, u3 = _grid_edges(5)
    return {
        'x': jax.random.normal(ks[0], (N, 1), jnp.float32),
        'pos': jax.random.uniform(ks[1], (N, 3), jnp.float32),
        'edge_index1': jnp.asarray(ei1), 'u1': jnp.asarray(u1),
        'edge_index2': jnp.asarray(ei2), 'u2': jnp.asarray(u2),
        'edge_index3': jnp.asarray(ei3), 'u3': jnp.asarray(u3),
        'W1': jax.random.normal(ks[2], (125, 1, 64), jnp.float32) * 0.1,
        'root1': jax.random.normal(ks[3], (1, 64), jnp.float32) * 0.1,
        'b1': jnp.zeros((64,), jnp.float32),
        'W2': jax.random.normal(ks[4], (125, 64, 64), jnp.float32) * 0.05,
        'root2': jax.random.normal(ks[5], (64, 64), jnp.float32) * 0.05,
        'b2': jnp.zeros((64,), jnp.float32),
        'W3': jax.random.normal(ks[6], (125, 64, 128), jnp.float32) * 0.05,
        'root3': jax.random.normal(ks[7], (64, 128), jnp.float32) * 0.05,
        'b3': jnp.zeros((128,), jnp.float32),
        'fc1_w': jax.random.normal(ks[8], (1024, 256), jnp.float32) * 0.03,
        'fc1_b': jnp.zeros((256,), jnp.float32),
        'fc2_w': jax.random.normal(ks[9], (256, 10), jnp.float32) * 0.06,
        'fc2_b': jnp.zeros((10,), jnp.float32),
    }

def _spline_conv(x, src, dst, u, W, root, bias, n):
    p = u * (K - 1)
    i0 = jnp.clip(jnp.floor(p), 0, K - 2).astype(jnp.int32)
    frac = p - i0.astype(p.dtype)
    msg = x[src]
    acc = jnp.zeros((src.shape[0], W.shape[2]), x.dtype)
    for b in range(8):
        bits = [(b >> j) & 1 for j in range(3)]
        widx = (i0[:, 0] + bits[0]) * K * K + (i0[:, 1] + bits[1]) * K + (i0[:, 2] + bits[2])
        w = jnp.ones((u.shape[0],), x.dtype)
        for j in range(3):
            w = w * (frac[:, j] if bits[j] else (1.0 - frac[:, j]))
        acc = acc + w[:, None] * jnp.einsum('ec,eco->eo', msg, W[widx])
    agg = jax.ops.segment_sum(acc, dst, num_segments=n)
    deg = jax.ops.segment_sum(jnp.ones((dst.shape[0],), x.dtype), dst, num_segments=n)
    return agg / jnp.clip(deg, 1.0)[:, None] + x @ root + bias

def _voxel_pool_points(x, pos, G):
    c = jnp.clip(jnp.floor(pos * G), 0, G - 1).astype(jnp.int32)
    cid = (c[:, 0] * G + c[:, 1]) * G + c[:, 2]
    pooled = jax.ops.segment_max(x, cid, num_segments=G ** 3)
    return jnp.where(jnp.isfinite(pooled), pooled, 0.0)

def _grid_pool(x, G1, G2):
    g = np.arange(G1)
    cc = np.stack(np.meshgrid(g, g, g, indexing='ij'), -1).reshape(-1, 3)
    centers = (cc + 0.5) / G1
    c2 = np.clip(np.floor(centers * G2).astype(np.int64), 0, G2 - 1)
    cid = (c2[:, 0] * G2 + c2[:, 1]) * G2 + c2[:, 2]
    pooled = jax.ops.segment_max(x, jnp.asarray(cid), num_segments=G2 ** 3)
    return jnp.where(jnp.isfinite(pooled), pooled, 0.0)

def reference(x, pos, edge_index1, u1, edge_index2, u2, edge_index3, u3, W1, root1, b1, W2, root2, b2, W3, root3, b3, fc1_w, fc1_b, fc2_w, fc2_b):
    h = _voxel_pool_points(x, pos, 13)
    h = jax.nn.elu(_spline_conv(h, edge_index1[0], edge_index1[1], u1, W1, root1, b1, 13 ** 3))
    h = _grid_pool(h, 13, 7)
    h = jax.nn.elu(_spline_conv(h, edge_index2[0], edge_index2[1], u2, W2, root2, b2, 7 ** 3))
    h = _grid_pool(h, 7, 5)
    h = jax.nn.elu(_spline_conv(h, edge_index3[0], edge_index3[1], u3, W3, root3, b3, 5 ** 3))
    h = _grid_pool(h, 5, 2)
    z = h.reshape(1, 8 * 128)
    z = jax.nn.elu(z @ fc1_w + fc1_b)
    z = z @ fc2_w + fc2_b
    return jax.nn.log_softmax(z, axis=1)

if False:  # reference __main__ guard neutralized (emitter)
    out = reference(**setup_inputs())
    print(out.shape)

if __name__ == "__main__":
    import jax
    _d = setup_inputs()
    print(jax.jit(kernel)(*tuple(_d.values())))

</pallas_src>

<mosaic_0001>
#map = affine_map<(d0, d1) -> (0)>
#map1 = affine_map<(d0, d1) -> (0, 0)>
module attributes {stable_mosaic.version = 14 : i64} {
  func.func @k(%arg0: i32, %arg1: i32, %arg2: memref<100352xf32, #tpu.memory_space<hbm>>, %arg3: memref<100352xf32, #tpu.memory_space<hbm>>, %arg4: memref<100352xf32, #tpu.memory_space<hbm>>, %arg5: memref<100352xf32, #tpu.memory_space<hbm>>, %arg6: memref<32x2208xf32, #tpu.memory_space<hbm>>, %arg7: memref<3136xf32, #tpu.memory_space<vmem>>, %arg8: memref<3136xf32, #tpu.memory_space<vmem>>, %arg9: memref<3136xf32, #tpu.memory_space<vmem>>, %arg10: memref<3136xf32, #tpu.memory_space<vmem>>, %arg11: memref<35328xf32, #tpu.memory_space<vmem>>, %arg12: memref<2208xf32, #tpu.memory_space<vmem>>, %arg13: memref<!tpu.dma_semaphore, #tpu.memory_space<semaphore_mem>>) attributes {dimension_semantics = [#tpu.dimension_semantics<core_parallel>, #tpu.dimension_semantics<subcore_parallel>], iteration_bounds = array<i64: 2, 16>, scalar_prefetch = 0 : i64, scratch_operands = 7 : i64, tpu.core_type = #tpu.core_type<sc_vector_subcore>, window_params = [{transform_indices = #map}, {transform_indices = #map}, {transform_indices = #map}, {transform_indices = #map}, {transform_indices = #map1}]} {
    %mul3A = arith.constant 2 : i32
    %mul3A_0 = arith.muli %arg1, %mul3A : i32
    %add3A = arith.addi %mul3A_0, %arg0 : i32
    %mul3A_1 = arith.constant 3136 : i32
    %mul3A_2 = arith.muli %add3A, %mul3A_1 : i32
    %dma_start3A = tpu.memref_slice %arg2[%mul3A_2] : memref<100352xf32, #tpu.memory_space<hbm>> -> memref<3136xf32, #tpu.memory_space<hbm>>
    %dma_start3A_3 = tpu.memref_slice %arg2[%mul3A_2] : memref<100352xf32, #tpu.memory_space<hbm>> -> memref<3136xf32, #tpu.memory_space<hbm>>
    tpu.enqueue_dma source(%dma_start3A_3 : memref<3136xf32, #tpu.memory_space<hbm>>) target(%arg7 : memref<3136xf32, #tpu.memory_space<vmem>>) target_semaphore(%arg13 : memref<!tpu.dma_semaphore, #tpu.memory_space<semaphore_mem>>)
    %dma_start3A_4 = tpu.memref_slice %arg3[%mul3A_2] : memref<100352xf32, #tpu.memory_space<hbm>> -> memref<3136xf32, #tpu.memory_space<hbm>>
    %dma_start3A_5 = tpu.memref_slice %arg3[%mul3A_2] : memref<100352xf32, #tpu.memory_space<hbm>> -> memref<3136xf32, #tpu.memory_space<hbm>>
    tpu.enqueue_dma source(%dma_start3A_5 : memref<3136xf32, #tpu.memory_space<hbm>>) target(%arg8 : memref<3136xf32, #tpu.memory_space<vmem>>) target_semaphore(%arg13 : memref<!tpu.dma_semaphore, #tpu.memory_space<semaphore_mem>>)
    %dma_start3A_6 = tpu.memref_slice %arg4[%mul3A_2] : memref<100352xf32, #tpu.memory_space<hbm>> -> memref<3136xf32, #tpu.memory_space<hbm>>
    %dma_start3A_7 = tpu.memref_slice %arg4[%mul3A_2] : memref<100352xf32, #tpu.memory_space<hbm>> -> memref<3136xf32, #tpu.memory_space<hbm>>
    tpu.enqueue_dma source(%dma_start3A_7 : memref<3136xf32, #tpu.memory_space<hbm>>) target(%arg9 : memref<3136xf32, #tpu.memory_space<vmem>>) target_semaphore(%arg13 : memref<!tpu.dma_semaphore, #tpu.memory_space<semaphore_mem>>)
    %dma_start3A_8 = tpu.memref_slice %arg5[%mul3A_2] : memref<100352xf32, #tpu.memory_space<hbm>> -> memref<3136xf32, #tpu.memory_space<hbm>>
    %dma_start3A_9 = tpu.memref_slice %arg5[%mul3A_2] : memref<100352xf32, #tpu.memory_space<hbm>> -> memref<3136xf32, #tpu.memory_space<hbm>>
    tpu.enqueue_dma source(%dma_start3A_9 : memref<3136xf32, #tpu.memory_space<hbm>>) target(%arg10 : memref<3136xf32, #tpu.memory_space<vmem>>) target_semaphore(%arg13 : memref<!tpu.dma_semaphore, #tpu.memory_space<semaphore_mem>>)
    %broadcast_in_dim3A = arith.constant 0xFF800000 : f32
    %broadcast_in_dim3A_10 = vector.broadcast %broadcast_in_dim3A : f32 to vector<16xf32>
    %scan3A = arith.constant 0 : i32
    %scan3A_11 = arith.constant 0 : i32
    %scan3A_12 = arith.constant 138 : i32
    %scan3A_13 = arith.addi %scan3A_11, %scan3A_12 : i32
    %scan3A_14 = arith.constant 1 : i32
    %scan3A_15 = scf.for %scan3A_188 = %scan3A_11 to %scan3A_13 step %scan3A_14 iter_args(%scan3A_189 = %scan3A) -> (i32)  : i32 {
      %mul3A_190 = arith.constant 16 : i32
      %mul3A_191 = arith.muli %scan3A_188, %mul3A_190 : i32
      %add3A_192 = arith.constant 0 : i32
      %add3A_193 = arith.addi %mul3A_191, %add3A_192 : i32
      %mul3A_194 = arith.constant 16 : i32
      %mul3A_195 = arith.muli %add3A_193, %mul3A_194 : i32
      %swap3A = arith.index_cast %mul3A_195 : i32 to index
      %swap3A_196 = tpu.vector_load %arg11[%swap3A] {strides = array<i32>} : memref<35328xf32, #tpu.memory_space<vmem>>, vector<16xf32>,
      tpu.vector_store %arg11[%swap3A], %broadcast_in_dim3A_10 {strides = array<i32>} : memref<35328xf32, #tpu.memory_space<vmem>>, vector<16xf32>,
      %mul3A_197 = arith.constant 16 : i32
      %mul3A_198 = arith.muli %scan3A_188, %mul3A_197 : i32
      %add3A_199 = arith.constant 1 : i32
      %add3A_200 = arith.addi %mul3A_198, %add3A_199 : i32
      %mul3A_201 = arith.constant 16 : i32
      %mul3A_202 = arith.muli %add3A_200, %mul3A_201 : i32
      %swap3A_203 = arith.index_cast %mul3A_202 : i32 to index
      %swap3A_204 = tpu.vector_load %arg11[%swap3A_203] {strides = array<i32>} : memref<35328xf32, #tpu.memory_space<vmem>>, vector<16xf32>,
      tpu.vector_store %arg11[%swap3A_203], %broadcast_in_dim3A_10 {strides = array<i32>} : memref<35328xf32, #tpu.memory_space<vmem>>, vector<16xf32>,
      %mul3A_205 = arith.constant 16 : i32
      %mul3A_206 = arith.muli %scan3A_188, %mul3A_205 : i32
      %add3A_207 = arith.constant 2 : i32
      %add3A_208 = arith.addi %mul3A_206, %add3A_207 : i32
      %mul3A_209 = arith.constant 16 : i32
      %mul3A_210 = arith.muli %add3A_208, %mul3A_209 : i32
      %swap3A_211 = arith.index_cast %mul3A_210 : i32 to index
      %swap3A_212 = tpu.vector_load %arg11[%swap3A_211] {strides = array<i32>} : memref<35328xf32, #tpu.memory_space<vmem>>, vector<16xf32>,
      tpu.vector_store %arg11[%swap3A_211], %broadcast_in_dim3A_10 {strides = array<i32>} : memref<35328xf32, #tpu.memory_space<vmem>>, vector<16xf32>,
      %mul3A_213 = arith.constant 16 : i32
      %mul3A_214 = arith.muli %scan3A_188, %mul3A_213 : i32
      %add3A_215 = arith.constant 3 : i32
      %add3A_216 = arith.addi %mul3A_214, %add3A_215 : i32
      %mul3A_217 = arith.constant 16 : i32
      %mul3A_218 = arith.muli %add3A_216, %mul3A_217 : i32
      %swap3A_219 = arith.index_cast %mul3A_218 : i32 to index
      %swap3A_220 = tpu.vector_load %arg11[%swap3A_219] {strides = array<i32>} : memref<35328xf32, #tpu.memory_space<vmem>>, vector<16xf32>,
      tpu.vector_store %arg11[%swap3A_219], %broadcast_in_dim3A_10 {strides = array<i32>} : memref<35328xf32, #tpu.memory_space<vmem>>, vector<16xf32>,
      %mul3A_221 = arith.constant 16 : i32
      %mul3A_222 = arith.muli %scan3A_188, %mul3A_221 : i32
      %add3A_223 = arith.constant 4 : i32
      %add3A_224 = arith.addi %mul3A_222, %add3A_223 : i32
      %mul3A_225 = arith.constant 16 : i32
      %mul3A_226 = arith.muli %add3A_224, %mul3A_225 : i32
      %swap3A_227 = arith.index_cast %mul3A_226 : i32 to index
      %swap3A_228 = tpu.vector_load %arg11[%swap3A_227] {strides = array<i32>} : memref<35328xf32, #tpu.memory_space<vmem>>, vector<16xf32>,
      tpu.vector_store %arg11[%swap3A_227], %broadcast_in_dim3A_10 {strides = array<i32>} : memref<35328xf32, #tpu.memory_space<vmem>>, vector<16xf32>,
      %mul3A_229 = arith.constant 16 : i32
      %mul3A_230 = arith.muli %scan3A_188, %mul3A_229 : i32
      %add3A_231 = arith.constant 5 : i32
      %add3A_232 = arith.addi %mul3A_230, %add3A_231 : i32
      %mul3A_233 = arith.constant 16 : i32
      %mul3A_234 = arith.muli %add3A_232, %mul3A_233 : i32
      %swap3A_235 = arith.index_cast %mul3A_234 : i32 to index
      %swap3A_236 = tpu.vector_load %arg11[%swap3A_235] {strides = array<i32>} : memref<35328xf32, #tpu.memory_space<vmem>>, vector<16xf32>,
      tpu.vector_store %arg11[%swap3A_235], %broadcast_in_dim3A_10 {strides = array<i32>} : memref<35328xf32, #tpu.memory_space<vmem>>, vector<16xf32>,
      %mul3A_237 = arith.constant 16 : i32
      %mul3A_238 = arith.muli %scan3A_188, %mul3A_237 : i32
      %add3A_239 = arith.constant 6 : i32
      %add3A_240 = arith.addi %mul3A_238, %add3A_239 : i32
      %mul3A_241 = arith.constant 16 : i32
      %mul3A_242 = arith.muli %add3A_240, %mul3A_241 : i32
      %swap3A_243 = arith.index_cast %mul3A_242 : i32 to index
      %swap3A_244 = tpu.vector_load %arg11[%swap3A_243] {strides = array<i32>} : memref<35328xf32, #tpu.memory_space<vmem>>, vector<16xf32>,
      tpu.vector_store %arg11[%swap3A_243], %broadcast_in_dim3A_10 {strides = array<i32>} : memref<35328xf32, #tpu.memory_space<vmem>>, vector<16xf32>,
      %mul3A_245 = arith.constant 16 : i32
      %mul3A_246 = arith.muli %scan3A_188, %mul3A_245 : i32
      %add3A_247 = arith.constant 7 : i32
      %add3A_248 = arith.addi %mul3A_246, %add3A_247 : i32
      %mul3A_249 = arith.constant 16 : i32
      %mul3A_250 = arith.muli %add3A_248, %mul3A_249 : i32
      %swap3A_251 = arith.index_cast %mul3A_250 : i32 to index
      %swap3A_252 = tpu.vector_load %arg11[%swap3A_251] {strides = array<i32>} : memref<35328xf32, #tpu.memory_space<vmem>>, vector<16xf32>,
      tpu.vector_store %arg11[%swap3A_251], %broadcast_in_dim3A_10 {strides = array<i32>} : memref<35328xf32, #tpu.memory_space<vmem>>, vector<16xf32>,
      %mul3A_253 = arith.constant 16 : i32
      %mul3A_254 = arith.muli %scan3A_188, %mul3A_253 : i32
      %add3A_255 = arith.constant 8 : i32
      %add3A_256 = arith.addi %mul3A_254, %add3A_255 : i32
      %mul3A_257 = arith.constant 16 : i32
      %mul3A_258 = arith.muli %add3A_256, %mul3A_257 : i32
      %swap3A_259 = arith.index_cast %mul3A_258 : i32 to index
      %swap3A_260 = tpu.vector_load %arg11[%swap3A_259] {strides = array<i32>} : memref<35328xf32, #tpu.memory_space<vmem>>, vector<16xf32>,
      tpu.vector_store %arg11[%swap3A_259], %broadcast_in_dim3A_10 {strides = array<i32>} : memref<35328xf32, #tpu.memory_space<vmem>>, vector<16xf32>,
      %mul3A_261 = arith.constant 16 : i32
      %mul3A_262 = arith.muli %scan3A_188, %mul3A_261 : i32
      %add3A_263 = arith.constant 9 : i32
      %add3A_264 = arith.addi %mul3A_262, %add3A_263 : i32
      %mul3A_265 = arith.constant 16 : i32
      %mul3A_266 = arith.muli %add3A_264, %mul3A_265 : i32
      %swap3A_267 = arith.index_cast %mul3A_266 : i32 to index
      %swap3A_268 = tpu.vector_load %arg11[%swap3A_267] {strides = array<i32>} : memref<35328xf32, #tpu.memory_space<vmem>>, vector<16xf32>,
      tpu.vector_store %arg11[%swap3A_267], %broadcast_in_dim3A_10 {strides = array<i32>} : memref<35328xf32, #tpu.memory_space<vmem>>, vector<16xf32>,
      %mul3A_269 = arith.constant 16 : i32
      %mul3A_270 = arith.muli %scan3A_188, %mul3A_269 : i32
      %add3A_271 = arith.constant 10 : i32
      %add3A_272 = arith.addi %mul3A_270, %add3A_271 : i32
      %mul3A_273 = arith.constant 16 : i32
      %mul3A_274 = arith.muli %add3A_272, %mul3A_273 : i32
      %swap3A_275 = arith.index_cast %mul3A_274 : i32 to index
      %swap3A_276 = tpu.vector_load %arg11[%swap3A_275] {strides = array<i32>} : memref<35328xf32, #tpu.memory_space<vmem>>, vector<16xf32>,
      tpu.vector_store %arg11[%swap3A_275], %broadcast_in_dim3A_10 {strides = array<i32>} : memref<35328xf32, #tpu.memory_space<vmem>>, vector<16xf32>,
      %mul3A_277 = arith.constant 16 : i32
      %mul3A_278 = arith.muli %scan3A_188, %mul3A_277 : i32
      %add3A_279 = arith.constant 11 : i32
      %add3A_280 = arith.addi %mul3A_278, %add3A_279 : i32
      %mul3A_281 = arith.constant 16 : i32
      %mul3A_282 = arith.muli %add3A_280, %mul3A_281 : i32
      %swap3A_283 = arith.index_cast %mul3A_282 : i32 to index
      %swap3A_284 = tpu.vector_load %arg11[%swap3A_283] {strides = array<i32>} : memref<35328xf32, #tpu.memory_space<vmem>>, vector<16xf32>,
      tpu.vector_store %arg11[%swap3A_283], %broadcast_in_dim3A_10 {strides = array<i32>} : memref<35328xf32, #tpu.memory_space<vmem>>, vector<16xf32>,
      %mul3A_285 = arith.constant 16 : i32
      %mul3A_286 = arith.muli %scan3A_188, %mul3A_285 : i32
      %add3A_287 = arith.constant 12 : i32
      %add3A_288 = arith.addi %mul3A_286, %add3A_287 : i32
      %mul3A_289 = arith.constant 16 : i32
      %mul3A_290 = arith.muli %add3A_288, %mul3A_289 : i32
      %swap3A_291 = arith.index_cast %mul3A_290 : i32 to index
      %swap3A_292 = tpu.vector_load %arg11[%swap3A_291] {strides = array<i32>} : memref<35328xf32, #tpu.memory_space<vmem>>, vector<16xf32>,
      tpu.vector_store %arg11[%swap3A_291], %broadcast_in_dim3A_10 {strides = array<i32>} : memref<35328xf32, #tpu.memory_space<vmem>>, vector<16xf32>,
      %mul3A_293 = arith.constant 16 : i32
      %mul3A_294 = arith.muli %scan3A_188, %mul3A_293 : i32
      %add3A_295 = arith.constant 13 : i32
      %add3A_296 = arith.addi %mul3A_294, %add3A_295 : i32
      %mul3A_297 = arith.constant 16 : i32
      %mul3A_298 = arith.muli %add3A_296, %mul3A_297 : i32
      %swap3A_299 = arith.index_cast %mul3A_298 : i32 to index
      %swap3A_300 = tpu.vector_load %arg11[%swap3A_299] {strides = array<i32>} : memref<35328xf32, #tpu.memory_space<vmem>>, vector<16xf32>,
      tpu.vector_store %arg11[%swap3A_299], %broadcast_in_dim3A_10 {strides = array<i32>} : memref<35328xf32, #tpu.memory_space<vmem>>, vector<16xf32>,
      %mul3A_301 = arith.constant 16 : i32
      %mul3A_302 = arith.muli %scan3A_188, %mul3A_301 : i32
      %add3A_303 = arith.constant 14 : i32
      %add3A_304 = arith.addi %mul3A_302, %add3A_303 : i32
      %mul3A_305 = arith.constant 16 : i32
      %mul3A_306 = arith.muli %add3A_304, %mul3A_305 : i32
      %swap3A_307 = arith.index_cast %mul3A_306 : i32 to index
      %swap3A_308 = tpu.vector_load %arg11[%swap3A_307] {strides = array<i32>} : memref<35328xf32, #tpu.memory_space<vmem>>, vector<16xf32>,
      tpu.vector_store %arg11[%swap3A_307], %broadcast_in_dim3A_10 {strides = array<i32>} : memref<35328xf32, #tpu.memory_space<vmem>>, vector<16xf32>,
      %mul3A_309 = arith.constant 16 : i32
      %mul3A_310 = arith.muli %scan3A_188, %mul3A_309 : i32
      %add3A_311 = arith.constant 15 : i32
      %add3A_312 = arith.addi %mul3A_310, %add3A_311 : i32
      %mul3A_313 = arith.constant 16 : i32
      %mul3A_314 = arith.muli %add3A_312, %mul3A_313 : i32
      %swap3A_315 = arith.index_cast %mul3A_314 : i32 to index
      %swap3A_316 = tpu.vector_load %arg11[%swap3A_315] {strides = array<i32>} : memref<35328xf32, #tpu.memory_space<vmem>>, vector<16xf32>,
      tpu.vector_store %arg11[%swap3A_315], %broadcast_in_dim3A_10 {strides = array<i32>} : memref<35328xf32, #tpu.memory_space<vmem>>, vector<16xf32>,
      %scan3A_317 = arith.constant 0 : i32
      scf.yield %scan3A_317 : i32
    }
    %scan3A_16 = arith.constant 138 : i32
    %dma_wait3A = tpu.memref_slice %arg2[%mul3A_2] : memref<100352xf32, #tpu.memory_space<hbm>> -> memref<3136xf32, #tpu.memory_space<hbm>>
    %dma_wait3A_17 = tpu.memref_slice %arg2[%mul3A_2] : memref<100352xf32, #tpu.memory_space<hbm>> -> memref<3136xf32, #tpu.memory_space<hbm>>
    tpu.wait_dma2 semaphore(%arg13 : memref<!tpu.dma_semaphore, #tpu.memory_space<semaphore_mem>>) src(%dma_wait3A_17 : memref<3136xf32, #tpu.memory_space<hbm>>) dst(%arg7 : memref<3136xf32, #tpu.memory_space<vmem>>)
    %dma_wait3A_18 = tpu.memref_slice %arg3[%mul3A_2] : memref<100352xf32, #tpu.memory_space<hbm>> -> memref<3136xf32, #tpu.memory_space<hbm>>
    %dma_wait3A_19 = tpu.memref_slice %arg3[%mul3A_2] : memref<100352xf32, #tpu.memory_space<hbm>> -> memref<3136xf32, #tpu.memory_space<hbm>>
    tpu.wait_dma2 semaphore(%arg13 : memref<!tpu.dma_semaphore, #tpu.memory_space<semaphore_mem>>) src(%dma_wait3A_19 : memref<3136xf32, #tpu.memory_space<hbm>>) dst(%arg8 : memref<3136xf32, #tpu.memory_space<vmem>>)
    %dma_wait3A_20 = tpu.memref_slice %arg4[%mul3A_2] : memref<100352xf32, #tpu.memory_space<hbm>> -> memref<3136xf32, #tpu.memory_space<hbm>>
    %dma_wait3A_21 = tpu.memref_slice %arg4[%mul3A_2] : memref<100352xf32, #tpu.memory_space<hbm>> -> memref<3136xf32, #tpu.memory_space<hbm>>
    tpu.wait_dma2 semaphore(%arg13 : memref<!tpu.dma_semaphore, #tpu.memory_space<semaphore_mem>>) src(%dma_wait3A_21 : memref<3136xf32, #tpu.memory_space<hbm>>) dst(%arg9 : memref<3136xf32, #tpu.memory_space<vmem>>)
    %dma_wait3A_22 = tpu.memref_slice %arg5[%mul3A_2] : memref<100352xf32, #tpu.memory_space<hbm>> -> memref<3136xf32, #tpu.memory_space<hbm>>
    %dma_wait3A_23 = tpu.memref_slice %arg5[%mul3A_2] : memref<100352xf32, #tpu.memory_space<hbm>> -> memref<3136xf32, #tpu.memory_space<hbm>>
    tpu.wait_dma2 semaphore(%arg13 : memref<!tpu.dma_semaphore, #tpu.memory_space<semaphore_mem>>) src(%dma_wait3A_23 : memref<3136xf32, #tpu.memory_space<hbm>>) dst(%arg10 : memref<3136xf32, #tpu.memory_space<vmem>>)
    %iota3A = tpu.iota {dimensions = array<i32: 0>} : vector<16xi32>
    %mul3A_24 = arith.constant 2208 : i32
    %mul3A_25 = vector.broadcast %mul3A_24 : i32 to vector<16xi32>
    %mul3A_26 = arith.muli %iota3A, %mul3A_25 : vector<16xi32>
    %broadcast_in_dim3A_27 = arith.constant 12 : i32
    %broadcast_in_dim3A_28 = vector.broadcast %broadcast_in_dim3A_27 : i32 to vector<16xi32>
    %broadcast_in_dim3A_29 = arith.constant 0 : i32
    %broadcast_in_dim3A_30 = vector.broadcast %broadcast_in_dim3A_29 : i32 to vector<16xi32>
    %scan3A_31 = arith.constant 0 : i32
    %scan3A_32 = arith.constant 0 : i32
    %scan3A_33 = arith.constant 24 : i32
    %scan3A_34 = arith.addi %scan3A_32, %scan3A_33 : i32
    %scan3A_35 = arith.constant 1 : i32
    %scan3A_36 = scf.for %scan3A_188 = %scan3A_32 to %scan3A_34 step %scan3A_35 iter_args(%scan3A_189 = %scan3A_31) -> (i32)  : i32 {
      %mul3A_190 = arith.constant 8 : i32
      %mul3A_191 = arith.muli %scan3A_188, %mul3A_190 : i32
      %add3A_192 = arith.constant 0 : i32
      %add3A_193 = arith.addi %mul3A_191, %add3A_192 : i32
      %mul3A_194 = arith.constant 16 : i32
      %mul3A_195 = arith.muli %add3A_193, %mul3A_194 : i32
      %get3A_196 = arith.index_cast %mul3A_195 : i32 to index
      %get3A_197 = tpu.vector_load %arg7[%get3A_196] {strides = array<i32>} : memref<3136xf32, #tpu.memory_space<vmem>>, vector<16xf32>,
      %get3A_198 = arith.index_cast %mul3A_195 : i32 to index
      %get3A_199 = tpu.vector_load %arg8[%get3A_198] {strides = array<i32>} : memref<3136xf32, #tpu.memory_space<vmem>>, vector<16xf32>,
      %mul3A_200 = arith.constant 1.300000e+01 : f32
      %mul3A_201 = vector.broadcast %mul3A_200 : f32 to vector<16xf32>
      %mul3A_202 = arith.mulf %get3A_199, %mul3A_201 : vector<16xf32>
      %convert_element_type3A_203 = arith.fptosi %mul3A_202 : vector<16xf32> to vector<16xi32>
      %max3A_204 = arith.maxsi %convert_element_type3A_203, %broadcast_in_dim3A_30 : vector<16xi32>
      %min3A_205 = arith.minsi %max3A_204, %broadcast_in_dim3A_28 : vector<16xi32>
      %get3A_206 = arith.index_cast %mul3A_195 : i32 to index
      %get3A_207 = tpu.vector_load %arg9[%get3A_206] {strides = array<i32>} : memref<3136xf32, #tpu.memory_space<vmem>>, vector<16xf32>,
      %mul3A_208 = arith.constant 1.300000e+01 : f32
      %mul3A_209 = vector.broadcast %mul3A_208 : f32 to vector<16xf32>
      %mul3A_210 = arith.mulf %get3A_207, %mul3A_209 : vector<16xf32>
      %convert_element_type3A_211 = arith.fptosi %mul3A_210 : vector<16xf32> to vector<16xi32>
      %max3A_212 = arith.maxsi %convert_element_type3A_211, %broadcast_in_dim3A_30 : vector<16xi32>
      %min3A_213 = arith.minsi %max3A_212, %broadcast_in_dim3A_28 : vector<16xi32>
      %get3A_214 = arith.index_cast %mul3A_195 : i32 to index
      %get3A_215 = tpu.vector_load %arg10[%get3A_214] {strides = array<i32>} : memref<3136xf32, #tpu.memory_space<vmem>>, vector<16xf32>,
      %mul3A_216 = arith.constant 1.300000e+01 : f32
      %mul3A_217 = vector.broadcast %mul3A_216 : f32 to vector<16xf32>
      %mul3A_218 = arith.mulf %get3A_215, %mul3A_217 : vector<16xf32>
      %convert_element_type3A_219 = arith.fptosi %mul3A_218 : vector<16xf32> to vector<16xi32>
      %max3A_220 = arith.maxsi %convert_element_type3A_219, %broadcast_in_dim3A_30 : vector<16xi32>
      %min3A_221 = arith.minsi %max3A_220, %broadcast_in_dim3A_28 : vector<16xi32>
      %mul3A_222 = arith.constant 13 : i32
      %mul3A_223 = vector.broadcast %mul3A_222 : i32 to vector<16xi32>
      %mul3A_224 = arith.muli %min3A_205, %mul3A_223 : vector<16xi32>
      %add3A_225 = arith.addi %mul3A_224, %min3A_213 : vector<16xi32>
      %mul3A_226 = arith.constant 13 : i32
      %mul3A_227 = vector.broadcast %mul3A_226 : i32 to vector<16xi32>
      %mul3A_228 = arith.muli %add3A_225, %mul3A_227 : vector<16xi32>
      %add3A_229 = arith.addi %mul3A_26, %mul3A_228 : vector<16xi32>
      %add3A_230 = arith.addi %add3A_229, %min3A_221 : vector<16xi32>
      %gather3A_231 = tpu.vector_load_idx %arg11[%add3A_230] : memref<35328xf32, #tpu.memory_space<vmem>>[vector<16xi32>], vector<16xf32>,
      %max3A_232 = arith.maximumf %gather3A_231, %get3A_197 : vector<16xf32>
      tpu.vector_store_idx %arg11[%add3A_230], %max3A_232 : memref<35328xf32, #tpu.memory_space<vmem>>[vector<16xi32>], vector<16xf32>,
      %mul3A_233 = arith.constant 8 : i32
      %mul3A_234 = arith.muli %scan3A_188, %mul3A_233 : i32
      %add3A_235 = arith.constant 1 : i32
      %add3A_236 = arith.addi %mul3A_234, %add3A_235 : i32
      %mul3A_237 = arith.constant 16 : i32
      %mul3A_238 = arith.muli %add3A_236, %mul3A_237 : i32
      %get3A_239 = arith.index_cast %mul3A_238 : i32 to index
      %get3A_240 = tpu.vector_load %arg7[%get3A_239] {strides = array<i32>} : memref<3136xf32, #tpu.memory_space<vmem>>, vector<16xf32>,
      %get3A_241 = arith.index_cast %mul3A_238 : i32 to index
      %get3A_242 = tpu.vector_load %arg8[%get3A_241] {strides = array<i32>} : memref<3136xf32, #tpu.memory_space<vmem>>, vector<16xf32>,
      %mul3A_243 = arith.constant 1.300000e+01 : f32
      %mul3A_244 = vector.broadcast %mul3A_243 : f32 to vector<16xf32>
      %mul3A_245 = arith.mulf %get3A_242, %mul3A_244 : vector<16xf32>
      %convert_element_type3A_246 = arith.fptosi %mul3A_245 : vector<16xf32> to vector<16xi32>
      %max3A_247 = arith.maxsi %convert_element_type3A_246, %broadcast_in_dim3A_30 : vector<16xi32>
      %min3A_248 = arith.minsi %max3A_247, %broadcast_in_dim3A_28 : vector<16xi32>
      %get3A_249 = arith.index_cast %mul3A_238 : i32 to index
      %get3A_250 = tpu.vector_load %arg9[%get3A_249] {strides = array<i32>} : memref<3136xf32, #tpu.memory_space<vmem>>, vector<16xf32>,
      %mul3A_251 = arith.constant 1.300000e+01 : f32
      %mul3A_252 = vector.broadcast %mul3A_251 : f32 to vector<16xf32>
      %mul3A_253 = arith.mulf %get3A_250, %mul3A_252 : vector<16xf32>
      %convert_element_type3A_254 = arith.fptosi %mul3A_253 : vector<16xf32> to vector<16xi32>
      %max3A_255 = arith.maxsi %convert_element_type3A_254, %broadcast_in_dim3A_30 : vector<16xi32>
      %min3A_256 = arith.minsi %max3A_255, %broadcast_in_dim3A_28 : vector<16xi32>
      %get3A_257 = arith.index_cast %mul3A_238 : i32 to index
      %get3A_258 = tpu.vector_load %arg10[%get3A_257] {strides = array<i32>} : memref<3136xf32, #tpu.memory_space<vmem>>, vector<16xf32>,
      %mul3A_259 = arith.constant 1.300000e+01 : f32
      %mul3A_260 = vector.broadcast %mul3A_259 : f32 to vector<16xf32>
      %mul3A_261 = arith.mulf %get3A_258, %mul3A_260 : vector<16xf32>
      %convert_element_type3A_262 = arith.fptosi %mul3A_261 : vector<16xf32> to vector<16xi32>
      %max3A_263 = arith.maxsi %convert_element_type3A_262, %broadcast_in_dim3A_30 : vector<16xi32>
      %min3A_264 = arith.minsi %max3A_263, %broadcast_in_dim3A_28 : vector<16xi32>
      %mul3A_265 = arith.constant 13 : i32
      %mul3A_266 = vector.broadcast %mul3A_265 : i32 to vector<16xi32>
      %mul3A_267 = arith.muli %min3A_248, %mul3A_266 : vector<16xi32>
      %add3A_268 = arith.addi %mul3A_267, %min3A_256 : vector<16xi32>
      %mul3A_269 = arith.constant 13 : i32
      %mul3A_270 = vector.broadcast %mul3A_269 : i32 to vector<16xi32>
      %mul3A_271 = arith.muli %add3A_268, %mul3A_270 : vector<16xi32>
      %add3A_272 = arith.addi %mul3A_26, %mul3A_271 : vector<16xi32>
      %add3A_273 = arith.addi %add3A_272, %min3A_264 : vector<16xi32>
      %gather3A_274 = tpu.vector_load_idx %arg11[%add3A_273] : memref<35328xf32, #tpu.memory_space<vmem>>[vector<16xi32>], vector<16xf32>,
      %max3A_275 = arith.maximumf %gather3A_274, %get3A_240 : vector<16xf32>
      tpu.vector_store_idx %arg11[%add3A_273], %max3A_275 : memref<35328xf32, #tpu.memory_space<vmem>>[vector<16xi32>], vector<16xf32>,
      %mul3A_276 = arith.constant 8 : i32
      %mul3A_277 = arith.muli %scan3A_188, %mul3A_276 : i32
      %add3A_278 = arith.constant 2 : i32
      %add3A_279 = arith.addi %mul3A_277, %add3A_278 : i32
      %mul3A_280 = arith.constant 16 : i32
      %mul3A_281 = arith.muli %add3A_279, %mul3A_280 : i32
      %get3A_282 = arith.index_cast %mul3A_281 : i32 to index
      %get3A_283 = tpu.vector_load %arg7[%get3A_282] {strides = array<i32>} : memref<3136xf32, #tpu.memory_space<vmem>>, vector<16xf32>,
      %get3A_284 = arith.index_cast %mul3A_281 : i32 to index
      %get3A_285 = tpu.vector_load %arg8[%get3A_284] {strides = array<i32>} : memref<3136xf32, #tpu.memory_space<vmem>>, vector<16xf32>,
      %mul3A_286 = arith.constant 1.300000e+01 : f32
      %mul3A_287 = vector.broadcast %mul3A_286 : f32 to vector<16xf32>
      %mul3A_288 = arith.mulf %get3A_285, %mul3A_287 : vector<16xf32>
      %convert_element_type3A_289 = arith.fptosi %mul3A_288 : vector<16xf32> to vector<16xi32>
      %max3A_290 = arith.maxsi %convert_element_type3A_289, %broadcast_in_dim3A_30 : vector<16xi32>
      %min3A_291 = arith.minsi %max3A_290, %broadcast_in_dim3A_28 : vector<16xi32>
      %get3A_292 = arith.index_cast %mul3A_281 : i32 to index
      %get3A_293 = tpu.vector_load %arg9[%get3A_292] {strides = array<i32>} : memref<3136xf32, #tpu.memory_space<vmem>>, vector<16xf32>,
      %mul3A_294 = arith.constant 1.300000e+01 : f32
      %mul3A_295 = vector.broadcast %mul3A_294 : f32 to vector<16xf32>
      %mul3A_296 = arith.mulf %get3A_293, %mul3A_295 : vector<16xf32>
      %convert_element_type3A_297 = arith.fptosi %mul3A_296 : vector<16xf32> to vector<16xi32>
      %max3A_298 = arith.maxsi %convert_element_type3A_297, %broadcast_in_dim3A_30 : vector<16xi32>
      %min3A_299 = arith.minsi %max3A_298, %broadcast_in_dim3A_28 : vector<16xi32>
      %get3A_300 = arith.index_cast %mul3A_281 : i32 to index
      %get3A_301 = tpu.vector_load %arg10[%get3A_300] {strides = array<i32>} : memref<3136xf32, #tpu.memory_space<vmem>>, vector<16xf32>,
      %mul3A_302 = arith.constant 1.300000e+01 : f32
      %mul3A_303 = vector.broadcast %mul3A_302 : f32 to vector<16xf32>
      %mul3A_304 = arith.mulf %get3A_301, %mul3A_303 : vector<16xf32>
      %convert_element_type3A_305 = arith.fptosi %mul3A_304 : vector<16xf32> to vector<16xi32>
      %max3A_306 = arith.maxsi %convert_element_type3A_305, %broadcast_in_dim3A_30 : vector<16xi32>
      %min3A_307 = arith.minsi %max3A_306, %broadcast_in_dim3A_28 : vector<16xi32>
      %mul3A_308 = arith.constant 13 : i32
      %mul3A_309 = vector.broadcast %mul3A_308 : i32 to vector<16xi32>
      %mul3A_310 = arith.muli %min3A_291, %mul3A_309 : vector<16xi32>
      %add3A_311 = arith.addi %mul3A_310, %min3A_299 : vector<16xi32>
      %mul3A_312 = arith.constant 13 : i32
      %mul3A_313 = vector.broadcast %mul3A_312 : i32 to vector<16xi32>
      %mul3A_314 = arith.muli %add3A_311, %mul3A_313 : vector<16xi32>
      %add3A_315 = arith.addi %mul3A_26, %mul3A_314 : vector<16xi32>
      %add3A_316 = arith.addi %add3A_315, %min3A_307 : vector<16xi32>
      %gather3A_317 = tpu.vector_load_idx %arg11[%add3A_316] : memref<35328xf32, #tpu.memory_space<vmem>>[vector<16xi32>], vector<16xf32>,
      %max3A_318 = arith.maximumf %gather3A_317, %get3A_283 : vector<16xf32>
      tpu.vector_store_idx %arg11[%add3A_316], %max3A_318 : memref<35328xf32, #tpu.memory_space<vmem>>[vector<16xi32>], vector<16xf32>,
      %mul3A_319 = arith.constant 8 : i32
      %mul3A_320 = arith.muli %scan3A_188, %mul3A_319 : i32
      %add3A_321 = arith.constant 3 : i32
      %add3A_322 = arith.addi %mul3A_320, %add3A_321 : i32
      %mul3A_323 = arith.constant 16 : i32
      %mul3A_324 = arith.muli %add3A_322, %mul3A_323 : i32
      %get3A_325 = arith.index_cast %mul3A_324 : i32 to index
      %get3A_326 = tpu.vector_load %arg7[%get3A_325] {strides = array<i32>} : memref<3136xf32, #tpu.memory_space<vmem>>, vector<16xf32>,
      %get3A_327 = arith.index_cast %mul3A_324 : i32 to index
      %get3A_328 = tpu.vector_load %arg8[%get3A_327] {strides = array<i32>} : memref<3136xf32, #tpu.memory_space<vmem>>, vector<16xf32>,
      %mul3A_329 = arith.constant 1.300000e+01 : f32
      %mul3A_330 = vector.broadcast %mul3A_329 : f32 to vector<16xf32>
      %mul3A_331 = arith.mulf %get3A_328, %mul3A_330 : vector<16xf32>
      %convert_element_type3A_332 = arith.fptosi %mul3A_331 : vector<16xf32> to vector<16xi32>
      %max3A_333 = arith.maxsi %convert_element_type3A_332, %broadcast_in_dim3A_30 : vector<16xi32>
      %min3A_334 = arith.minsi %max3A_333, %broadcast_in_dim3A_28 : vector<16xi32>
      %get3A_335 = arith.index_cast %mul3A_324 : i32 to index
      %get3A_336 = tpu.vector_load %arg9[%get3A_335] {strides = array<i32>} : memref<3136xf32, #tpu.memory_space<vmem>>, vector<16xf32>,
      %mul3A_337 = arith.constant 1.300000e+01 : f32
      %mul3A_338 = vector.broadcast %mul3A_337 : f32 to vector<16xf32>
      %mul3A_339 = arith.mulf %get3A_336, %mul3A_338 : vector<16xf32>
      %convert_element_type3A_340 = arith.fptosi %mul3A_339 : vector<16xf32> to vector<16xi32>
      %max3A_341 = arith.maxsi %convert_element_type3A_340, %broadcast_in_dim3A_30 : vector<16xi32>
      %min3A_342 = arith.minsi %max3A_341, %broadcast_in_dim3A_28 : vector<16xi32>
      %get3A_343 = arith.index_cast %mul3A_324 : i32 to index
      %get3A_344 = tpu.vector_load %arg10[%get3A_343] {strides = array<i32>} : memref<3136xf32, #tpu.memory_space<vmem>>, vector<16xf32>,
      %mul3A_345 = arith.constant 1.300000e+01 : f32
      %mul3A_346 = vector.broadcast %mul3A_345 : f32 to vector<16xf32>
      %mul3A_347 = arith.mulf %get3A_344, %mul3A_346 : vector<16xf32>
      %convert_element_type3A_348 = arith.fptosi %mul3A_347 : vector<16xf32> to vector<16xi32>
      %max3A_349 = arith.maxsi %convert_element_type3A_348, %broadcast_in_dim3A_30 : vector<16xi32>
      %min3A_350 = arith.minsi %max3A_349, %broadcast_in_dim3A_28 : vector<16xi32>
      %mul3A_351 = arith.constant 13 : i32
      %mul3A_352 = vector.broadcast %mul3A_351 : i32 to vector<16xi32>
      %mul3A_353 = arith.muli %min3A_334, %mul3A_352 : vector<16xi32>
      %add3A_354 = arith.addi %mul3A_353, %min3A_342 : vector<16xi32>
      %mul3A_355 = arith.constant 13 : i32
      %mul3A_356 = vector.broadcast %mul3A_355 : i32 to vector<16xi32>
      %mul3A_357 = arith.muli %add3A_354, %mul3A_356 : vector<16xi32>
      %add3A_358 = arith.addi %mul3A_26, %mul3A_357 : vector<16xi32>
      %add3A_359 = arith.addi %add3A_358, %min3A_350 : vector<16xi32>
      %gather3A_360 = tpu.vector_load_idx %arg11[%add3A_359] : memref<35328xf32, #tpu.memory_space<vmem>>[vector<16xi32>], vector<16xf32>,
      %max3A_361 = arith.maximumf %gather3A_360, %get3A_326 : vector<16xf32>
      tpu.vector_store_idx %arg11[%add3A_359], %max3A_361 : memref<35328xf32, #tpu.memory_space<vmem>>[vector<16xi32>], vector<16xf32>,
      %mul3A_362 = arith.constant 8 : i32
      %mul3A_363 = arith.muli %scan3A_188, %mul3A_362 : i32
      %add3A_364 = arith.constant 4 : i32
      %add3A_365 = arith.addi %mul3A_363, %add3A_364 : i32
      %mul3A_366 = arith.constant 16 : i32
      %mul3A_367 = arith.muli %add3A_365, %mul3A_366 : i32
      %get3A_368 = arith.index_cast %mul3A_367 : i32 to index
      %get3A_369 = tpu.vector_load %arg7[%get3A_368] {strides = array<i32>} : memref<3136xf32, #tpu.memory_space<vmem>>, vector<16xf32>,
      %get3A_370 = arith.index_cast %mul3A_367 : i32 to index
      %get3A_371 = tpu.vector_load %arg8[%get3A_370] {strides = array<i32>} : memref<3136xf32, #tpu.memory_space<vmem>>, vector<16xf32>,
      %mul3A_372 = arith.constant 1.300000e+01 : f32
      %mul3A_373 = vector.broadcast %mul3A_372 : f32 to vector<16xf32>
      %mul3A_374 = arith.mulf %get3A_371, %mul3A_373 : vector<16xf32>
      %convert_element_type3A_375 = arith.fptosi %mul3A_374 : vector<16xf32> to vector<16xi32>
      %max3A_376 = arith.maxsi %convert_element_type3A_375, %broadcast_in_dim3A_30 : vector<16xi32>
      %min3A_377 = arith.minsi %max3A_376, %broadcast_in_dim3A_28 : vector<16xi32>
      %get3A_378 = arith.index_cast %mul3A_367 : i32 to index
      %get3A_379 = tpu.vector_load %arg9[%get3A_378] {strides = array<i32>} : memref<3136xf32, #tpu.memory_space<vmem>>, vector<16xf32>,
      %mul3A_380 = arith.constant 1.300000e+01 : f32
      %mul3A_381 = vector.broadcast %mul3A_380 : f32 to vector<16xf32>
      %mul3A_382 = arith.mulf %get3A_379, %mul3A_381 : vector<16xf32>
      %convert_element_type3A_383 = arith.fptosi %mul3A_382 : vector<16xf32> to vector<16xi32>
      %max3A_384 = arith.maxsi %convert_element_type3A_383, %broadcast_in_dim3A_30 : vector<16xi32>
      %min3A_385 = arith.minsi %max3A_384, %broadcast_in_dim3A_28 : vector<16xi32>
      %get3A_386 = arith.index_cast %mul3A_367 : i32 to index
      %get3A_387 = tpu.vector_load %arg10[%get3A_386] {strides = array<i32>} : memref<3136xf32, #tpu.memory_space<vmem>>, vector<16xf32>,
      %mul3A_388 = arith.constant 1.300000e+01 : f32
      %mul3A_389 = vector.broadcast %mul3A_388 : f32 to vector<16xf32>
      %mul3A_390 = arith.mulf %get3A_387, %mul3A_389 : vector<16xf32>
      %convert_element_type3A_391 = arith.fptosi %mul3A_390 : vector<16xf32> to vector<16xi32>
      %max3A_392 = arith.maxsi %convert_element_type3A_391, %broadcast_in_dim3A_30 : vector<16xi32>
      %min3A_393 = arith.minsi %max3A_392, %broadcast_in_dim3A_28 : vector<16xi32>
      %mul3A_394 = arith.constant 13 : i32
      %mul3A_395 = vector.broadcast %mul3A_394 : i32 to vector<16xi32>
      %mul3A_396 = arith.muli %min3A_377, %mul3A_395 : vector<16xi32>
      %add3A_397 = arith.addi %mul3A_396, %min3A_385 : vector<16xi32>
      %mul3A_398 = arith.constant 13 : i32
      %mul3A_399 = vector.broadcast %mul3A_398 : i32 to vector<16xi32>
      %mul3A_400 = arith.muli %add3A_397, %mul3A_399 : vector<16xi32>
      %add3A_401 = arith.addi %mul3A_26, %mul3A_400 : vector<16xi32>
      %add3A_402 = arith.addi %add3A_401, %min3A_393 : vector<16xi32>
      %gather3A_403 = tpu.vector_load_idx %arg11[%add3A_402] : memref<35328xf32, #tpu.memory_space<vmem>>[vector<16xi32>], vector<16xf32>,
      %max3A_404 = arith.maximumf %gather3A_403, %get3A_369 : vector<16xf32>
      tpu.vector_store_idx %arg11[%add3A_402], %max3A_404 : memref<35328xf32, #tpu.memory_space<vmem>>[vector<16xi32>], vector<16xf32>,
      %mul3A_405 = arith.constant 8 : i32
      %mul3A_406 = arith.muli %scan3A_188, %mul3A_405 : i32
      %add3A_407 = arith.constant 5 : i32
      %add3A_408 = arith.addi %mul3A_406, %add3A_407 : i32
      %mul3A_409 = arith.constant 16 : i32
      %mul3A_410 = arith.muli %add3A_408, %mul3A_409 : i32
      %get3A_411 = arith.index_cast %mul3A_410 : i32 to index
      %get3A_412 = tpu.vector_load %arg7[%get3A_411] {strides = array<i32>} : memref<3136xf32, #tpu.memory_space<vmem>>, vector<16xf32>,
      %get3A_413 = arith.index_cast %mul3A_410 : i32 to index
      %get3A_414 = tpu.vector_load %arg8[%get3A_413] {strides = array<i32>} : memref<3136xf32, #tpu.memory_space<vmem>>, vector<16xf32>,
      %mul3A_415 = arith.constant 1.300000e+01 : f32
      %mul3A_416 = vector.broadcast %mul3A_415 : f32 to vector<16xf32>
      %mul3A_417 = arith.mulf %get3A_414, %mul3A_416 : vector<16xf32>
      %convert_element_type3A_418 = arith.fptosi %mul3A_417 : vector<16xf32> to vector<16xi32>
      %max3A_419 = arith.maxsi %convert_element_type3A_418, %broadcast_in_dim3A_30 : vector<16xi32>
      %min3A_420 = arith.minsi %max3A_419, %broadcast_in_dim3A_28 : vector<16xi32>
      %get3A_421 = arith.index_cast %mul3A_410 : i32 to index
      %get3A_422 = tpu.vector_load %arg9[%get3A_421] {strides = array<i32>} : memref<3136xf32, #tpu.memory_space<vmem>>, vector<16xf32>,
      %mul3A_423 = arith.constant 1.300000e+01 : f32
      %mul3A_424 = vector.broadcast %mul3A_423 : f32 to vector<16xf32>
      %mul3A_425 = arith.mulf %get3A_422, %mul3A_424 : vector<16xf32>
      %convert_element_type3A_426 = arith.fptosi %mul3A_425 : vector<16xf32> to vector<16xi32>
      %max3A_427 = arith.maxsi %convert_element_type3A_426, %broadcast_in_dim3A_30 : vector<16xi32>
      %min3A_428 = arith.minsi %max3A_427, %broadcast_in_dim3A_28 : vector<16xi32>
      %get3A_429 = arith.index_cast %mul3A_410 : i32 to index
      %get3A_430 = tpu.vector_load %arg10[%get3A_429] {strides = array<i32>} : memref<3136xf32, #tpu.memory_space<vmem>>, vector<16xf32>,
      %mul3A_431 = arith.constant 1.300000e+01 : f32
      %mul3A_432 = vector.broadcast %mul3A_431 : f32 to vector<16xf32>
      %mul3A_433 = arith.mulf %get3A_430, %mul3A_432 : vector<16xf32>
      %convert_element_type3A_434 = arith.fptosi %mul3A_433 : vector<16xf32> to vector<16xi32>
      %max3A_435 = arith.maxsi %convert_element_type3A_434, %broadcast_in_dim3A_30 : vector<16xi32>
      %min3A_436 = arith.minsi %max3A_435, %broadcast_in_dim3A_28 : vector<16xi32>
      %mul3A_437 = arith.constant 13 : i32
      %mul3A_438 = vector.broadcast %mul3A_437 : i32 to vector<16xi32>
      %mul3A_439 = arith.muli %min3A_420, %mul3A_438 : vector<16xi32>
      %add3A_440 = arith.addi %mul3A_439, %min3A_428 : vector<16xi32>
      %mul3A_441 = arith.constant 13 : i32
      %mul3A_442 = vector.broadcast %mul3A_441 : i32 to vector<16xi32>
      %mul3A_443 = arith.muli %add3A_440, %mul3A_442 : vector<16xi32>
      %add3A_444 = arith.addi %mul3A_26, %mul3A_443 : vector<16xi32>
      %add3A_445 = arith.addi %add3A_444, %min3A_436 : vector<16xi32>
      %gather3A_446 = tpu.vector_load_idx %arg11[%add3A_445] : memref<35328xf32, #tpu.memory_space<vmem>>[vector<16xi32>], vector<16xf32>,
      %max3A_447 = arith.maximumf %gather3A_446, %get3A_412 : vector<16xf32>
      tpu.vector_store_idx %arg11[%add3A_445], %max3A_447 : memref<35328xf32, #tpu.memory_space<vmem>>[vector<16xi32>], vector<16xf32>,
      %mul3A_448 = arith.constant 8 : i32
      %mul3A_449 = arith.muli %scan3A_188, %mul3A_448 : i32
      %add3A_450 = arith.constant 6 : i32
      %add3A_451 = arith.addi %mul3A_449, %add3A_450 : i32
      %mul3A_452 = arith.constant 16 : i32
      %mul3A_453 = arith.muli %add3A_451, %mul3A_452 : i32
      %get3A_454 = arith.index_cast %mul3A_453 : i32 to index
      %get3A_455 = tpu.vector_load %arg7[%get3A_454] {strides = array<i32>} : memref<3136xf32, #tpu.memory_space<vmem>>, vector<16xf32>,
      %get3A_456 = arith.index_cast %mul3A_453 : i32 to index
      %get3A_457 = tpu.vector_load %arg8[%get3A_456] {strides = array<i32>} : memref<3136xf32, #tpu.memory_space<vmem>>, vector<16xf32>,
      %mul3A_458 = arith.constant 1.300000e+01 : f32
      %mul3A_459 = vector.broadcast %mul3A_458 : f32 to vector<16xf32>
      %mul3A_460 = arith.mulf %get3A_457, %mul3A_459 : vector<16xf32>
      %convert_element_type3A_461 = arith.fptosi %mul3A_460 : vector<16xf32> to vector<16xi32>
      %max3A_462 = arith.maxsi %convert_element_type3A_461, %broadcast_in_dim3A_30 : vector<16xi32>
      %min3A_463 = arith.minsi %max3A_462, %broadcast_in_dim3A_28 : vector<16xi32>
      %get3A_464 = arith.index_cast %mul3A_453 : i32 to index
      %get3A_465 = tpu.vector_load %arg9[%get3A_464] {strides = array<i32>} : memref<3136xf32, #tpu.memory_space<vmem>>, vector<16xf32>,
      %mul3A_466 = arith.constant 1.300000e+01 : f32
      %mul3A_467 = vector.broadcast %mul3A_466 : f32 to vector<16xf32>
      %mul3A_468 = arith.mulf %get3A_465, %mul3A_467 : vector<16xf32>
      %convert_element_type3A_469 = arith.fptosi %mul3A_468 : vector<16xf32> to vector<16xi32>
      %max3A_470 = arith.maxsi %convert_element_type3A_469, %broadcast_in_dim3A_30 : vector<16xi32>
      %min3A_471 = arith.minsi %max3A_470, %broadcast_in_dim3A_28 : vector<16xi32>
      %get3A_472 = arith.index_cast %mul3A_453 : i32 to index
      %get3A_473 = tpu.vector_load %arg10[%get3A_472] {strides = array<i32>} : memref<3136xf32, #tpu.memory_space<vmem>>, vector<16xf32>,
      %mul3A_474 = arith.constant 1.300000e+01 : f32
      %mul3A_475 = vector.broadcast %mul3A_474 : f32 to vector<16xf32>
      %mul3A_476 = arith.mulf %get3A_473, %mul3A_475 : vector<16xf32>
      %convert_element_type3A_477 = arith.fptosi %mul3A_476 : vector<16xf32> to vector<16xi32>
      %max3A_478 = arith.maxsi %convert_element_type3A_477, %broadcast_in_dim3A_30 : vector<16xi32>
      %min3A_479 = arith.minsi %max3A_478, %broadcast_in_dim3A_28 : vector<16xi32>
      %mul3A_480 = arith.constant 13 : i32
      %mul3A_481 = vector.broadcast %mul3A_480 : i32 to vector<16xi32>
      %mul3A_482 = arith.muli %min3A_463, %mul3A_481 : vector<16xi32>
      %add3A_483 = arith.addi %mul3A_482, %min3A_471 : vector<16xi32>
      %mul3A_484 = arith.constant 13 : i32
      %mul3A_485 = vector.broadcast %mul3A_484 : i32 to vector<16xi32>
      %mul3A_486 = arith.muli %add3A_483, %mul3A_485 : vector<16xi32>
      %add3A_487 = arith.addi %mul3A_26, %mul3A_486 : vector<16xi32>
      %add3A_488 = arith.addi %add3A_487, %min3A_479 : vector<16xi32>
      %gather3A_489 = tpu.vector_load_idx %arg11[%add3A_488] : memref<35328xf32, #tpu.memory_space<vmem>>[vector<16xi32>], vector<16xf32>,
      %max3A_490 = arith.maximumf %gather3A_489, %get3A_455 : vector<16xf32>
      tpu.vector_store_idx %arg11[%add3A_488], %max3A_490 : memref<35328xf32, #tpu.memory_space<vmem>>[vector<16xi32>], vector<16xf32>,
      %mul3A_491 = arith.constant 8 : i32
      %mul3A_492 = arith.muli %scan3A_188, %mul3A_491 : i32
      %add3A_493 = arith.constant 7 : i32
      %add3A_494 = arith.addi %mul3A_492, %add3A_493 : i32
      %mul3A_495 = arith.constant 16 : i32
      %mul3A_496 = arith.muli %add3A_494, %mul3A_495 : i32
      %get3A_497 = arith.index_cast %mul3A_496 : i32 to index
      %get3A_498 = tpu.vector_load %arg7[%get3A_497] {strides = array<i32>} : memref<3136xf32, #tpu.memory_space<vmem>>, vector<16xf32>,
      %get3A_499 = arith.index_cast %mul3A_496 : i32 to index
      %get3A_500 = tpu.vector_load %arg8[%get3A_499] {strides = array<i32>} : memref<3136xf32, #tpu.memory_space<vmem>>, vector<16xf32>,
      %mul3A_501 = arith.constant 1.300000e+01 : f32
      %mul3A_502 = vector.broadcast %mul3A_501 : f32 to vector<16xf32>
      %mul3A_503 = arith.mulf %get3A_500, %mul3A_502 : vector<16xf32>
      %convert_element_type3A_504 = arith.fptosi %mul3A_503 : vector<16xf32> to vector<16xi32>
      %max3A_505 = arith.maxsi %convert_element_type3A_504, %broadcast_in_dim3A_30 : vector<16xi32>
      %min3A_506 = arith.minsi %max3A_505, %broadcast_in_dim3A_28 : vector<16xi32>
      %get3A_507 = arith.index_cast %mul3A_496 : i32 to index
      %get3A_508 = tpu.vector_load %arg9[%get3A_507] {strides = array<i32>} : memref<3136xf32, #tpu.memory_space<vmem>>, vector<16xf32>,
      %mul3A_509 = arith.constant 1.300000e+01 : f32
      %mul3A_510 = vector.broadcast %mul3A_509 : f32 to vector<16xf32>
      %mul3A_511 = arith.mulf %get3A_508, %mul3A_510 : vector<16xf32>
      %convert_element_type3A_512 = arith.fptosi %mul3A_511 : vector<16xf32> to vector<16xi32>
      %max3A_513 = arith.maxsi %convert_element_type3A_512, %broadcast_in_dim3A_30 : vector<16xi32>
      %min3A_514 = arith.minsi %max3A_513, %broadcast_in_dim3A_28 : vector<16xi32>
      %get3A_515 = arith.index_cast %mul3A_496 : i32 to index
      %get3A_516 = tpu.vector_load %arg10[%get3A_515] {strides = array<i32>} : memref<3136xf32, #tpu.memory_space<vmem>>, vector<16xf32>,
      %mul3A_517 = arith.constant 1.300000e+01 : f32
      %mul3A_518 = vector.broadcast %mul3A_517 : f32 to vector<16xf32>
      %mul3A_519 = arith.mulf %get3A_516, %mul3A_518 : vector<16xf32>
      %convert_element_type3A_520 = arith.fptosi %mul3A_519 : vector<16xf32> to vector<16xi32>
      %max3A_521 = arith.maxsi %convert_element_type3A_520, %broadcast_in_dim3A_30 : vector<16xi32>
      %min3A_522 = arith.minsi %max3A_521, %broadcast_in_dim3A_28 : vector<16xi32>
      %mul3A_523 = arith.constant 13 : i32
      %mul3A_524 = vector.broadcast %mul3A_523 : i32 to vector<16xi32>
      %mul3A_525 = arith.muli %min3A_506, %mul3A_524 : vector<16xi32>
      %add3A_526 = arith.addi %mul3A_525, %min3A_514 : vector<16xi32>
      %mul3A_527 = arith.constant 13 : i32
      %mul3A_528 = vector.broadcast %mul3A_527 : i32 to vector<16xi32>
      %mul3A_529 = arith.muli %add3A_526, %mul3A_528 : vector<16xi32>
      %add3A_530 = arith.addi %mul3A_26, %mul3A_529 : vector<16xi32>
      %add3A_531 = arith.addi %add3A_530, %min3A_522 : vector<16xi32>
      %gather3A_532 = tpu.vector_load_idx %arg11[%add3A_531] : memref<35328xf32, #tpu.memory_space<vmem>>[vector<16xi32>], vector<16xf32>,
      %max3A_533 = arith.maximumf %gather3A_532, %get3A_498 : vector<16xf32>
      tpu.vector_store_idx %arg11[%add3A_531], %max3A_533 : memref<35328xf32, #tpu.memory_space<vmem>>[vector<16xi32>], vector<16xf32>,
      %scan3A_534 = arith.constant 0 : i32
      scf.yield %scan3A_534 : i32
    }
    %scan3A_37 = arith.constant 24 : i32
    %get3A = arith.constant 3072 : index
    %get3A_38 = tpu.vector_load %arg7[%get3A] {strides = array<i32>} : memref<3136xf32, #tpu.memory_space<vmem>>, vector<16xf32>,
    %get3A_39 = arith.constant 3072 : index
    %get3A_40 = tpu.vector_load %arg8[%get3A_39] {strides = array<i32>} : memref<3136xf32, #tpu.memory_space<vmem>>, vector<16xf32>,
    %mul3A_41 = arith.constant 1.300000e+01 : f32
    %mul3A_42 = vector.broadcast %mul3A_41 : f32 to vector<16xf32>
    %mul3A_43 = arith.mulf %get3A_40, %mul3A_42 : vector<16xf32>
    %convert_element_type3A = arith.fptosi %mul3A_43 : vector<16xf32> to vector<16xi32>
    %max3A = arith.maxsi %convert_element_type3A, %broadcast_in_dim3A_30 : vector<16xi32>
    %min3A = arith.minsi %max3A, %broadcast_in_dim3A_28 : vector<16xi32>
    %get3A_44 = arith.constant 3072 : index
    %get3A_45 = tpu.vector_load %arg9[%get3A_44] {strides = array<i32>} : memref<3136xf32, #tpu.memory_space<vmem>>, vector<16xf32>,
    %mul3A_46 = arith.constant 1.300000e+01 : f32
    %mul3A_47 = vector.broadcast %mul3A_46 : f32 to vector<16xf32>
    %mul3A_48 = arith.mulf %get3A_45, %mul3A_47 : vector<16xf32>
    %convert_element_type3A_49 = arith.fptosi %mul3A_48 : vector<16xf32> to vector<16xi32>
    %max3A_50 = arith.maxsi %convert_element_type3A_49, %broadcast_in_dim3A_30 : vector<16xi32>
    %min3A_51 = arith.minsi %max3A_50, %broadcast_in_dim3A_28 : vector<16xi32>
    %get3A_52 = arith.constant 3072 : index
    %get3A_53 = tpu.vector_load %arg10[%get3A_52] {strides = array<i32>} : memref<3136xf32, #tpu.memory_space<vmem>>, vector<16xf32>,
    %mul3A_54 = arith.constant 1.300000e+01 : f32
    %mul3A_55 = vector.broadcast %mul3A_54 : f32 to vector<16xf32>
    %mul3A_56 = arith.mulf %get3A_53, %mul3A_55 : vector<16xf32>
    %convert_element_type3A_57 = arith.fptosi %mul3A_56 : vector<16xf32> to vector<16xi32>
    %max3A_58 = arith.maxsi %convert_element_type3A_57, %broadcast_in_dim3A_30 : vector<16xi32>
    %min3A_59 = arith.minsi %max3A_58, %broadcast_in_dim3A_28 : vector<16xi32>
    %mul3A_60 = arith.constant 13 : i32
    %mul3A_61 = vector.broadcast %mul3A_60 : i32 to vector<16xi32>
    %mul3A_62 = arith.muli %min3A, %mul3A_61 : vector<16xi32>
    %add3A_63 = arith.addi %mul3A_62, %min3A_51 : vector<16xi32>
    %mul3A_64 = arith.constant 13 : i32
    %mul3A_65 = vector.broadcast %mul3A_64 : i32 to vector<16xi32>
    %mul3A_66 = arith.muli %add3A_63, %mul3A_65 : vector<16xi32>
    %add3A_67 = arith.addi %mul3A_26, %mul3A_66 : vector<16xi32>
    %add3A_68 = arith.addi %add3A_67, %min3A_59 : vector<16xi32>
    %gather3A = tpu.vector_load_idx %arg11[%add3A_68] : memref<35328xf32, #tpu.memory_space<vmem>>[vector<16xi32>], vector<16xf32>,
    %max3A_69 = arith.maximumf %gather3A, %get3A_38 : vector<16xf32>
    tpu.vector_store_idx %arg11[%add3A_68], %max3A_69 : memref<35328xf32, #tpu.memory_space<vmem>>[vector<16xi32>], vector<16xf32>,
    %get3A_70 = arith.constant 3088 : index
    %get3A_71 = tpu.vector_load %arg7[%get3A_70] {strides = array<i32>} : memref<3136xf32, #tpu.memory_space<vmem>>, vector<16xf32>,
    %get3A_72 = arith.constant 3088 : index
    %get3A_73 = tpu.vector_load %arg8[%get3A_72] {strides = array<i32>} : memref<3136xf32, #tpu.memory_space<vmem>>, vector<16xf32>,
    %mul3A_74 = arith.constant 1.300000e+01 : f32
    %mul3A_75 = vector.broadcast %mul3A_74 : f32 to vector<16xf32>
    %mul3A_76 = arith.mulf %get3A_73, %mul3A_75 : vector<16xf32>
    %convert_element_type3A_77 = arith.fptosi %mul3A_76 : vector<16xf32> to vector<16xi32>
    %max3A_78 = arith.maxsi %convert_element_type3A_77, %broadcast_in_dim3A_30 : vector<16xi32>
    %min3A_79 = arith.minsi %max3A_78, %broadcast_in_dim3A_28 : vector<16xi32>
    %get3A_80 = arith.constant 3088 : index
    %get3A_81 = tpu.vector_load %arg9[%get3A_80] {strides = array<i32>} : memref<3136xf32, #tpu.memory_space<vmem>>, vector<16xf32>,
    %mul3A_82 = arith.constant 1.300000e+01 : f32
    %mul3A_83 = vector.broadcast %mul3A_82 : f32 to vector<16xf32>
    %mul3A_84 = arith.mulf %get3A_81, %mul3A_83 : vector<16xf32>
    %convert_element_type3A_85 = arith.fptosi %mul3A_84 : vector<16xf32> to vector<16xi32>
    %max3A_86 = arith.maxsi %convert_element_type3A_85, %broadcast_in_dim3A_30 : vector<16xi32>
    %min3A_87 = arith.minsi %max3A_86, %broadcast_in_dim3A_28 : vector<16xi32>
    %get3A_88 = arith.constant 3088 : index
    %get3A_89 = tpu.vector_load %arg10[%get3A_88] {strides = array<i32>} : memref<3136xf32, #tpu.memory_space<vmem>>, vector<16xf32>,
    %mul3A_90 = arith.constant 1.300000e+01 : f32
    %mul3A_91 = vector.broadcast %mul3A_90 : f32 to vector<16xf32>
    %mul3A_92 = arith.mulf %get3A_89, %mul3A_91 : vector<16xf32>
    %convert_element_type3A_93 = arith.fptosi %mul3A_92 : vector<16xf32> to vector<16xi32>
    %max3A_94 = arith.maxsi %convert_element_type3A_93, %broadcast_in_dim3A_30 : vector<16xi32>
    %min3A_95 = arith.minsi %max3A_94, %broadcast_in_dim3A_28 : vector<16xi32>
    %mul3A_96 = arith.constant 13 : i32
    %mul3A_97 = vector.broadcast %mul3A_96 : i32 to vector<16xi32>
    %mul3A_98 = arith.muli %min3A_79, %mul3A_97 : vector<16xi32>
    %add3A_99 = arith.addi %mul3A_98, %min3A_87 : vector<16xi32>
    %mul3A_100 = arith.constant 13 : i32
    %mul3A_101 = vector.broadcast %mul3A_100 : i32 to vector<16xi32>
    %mul3A_102 = arith.muli %add3A_99, %mul3A_101 : vector<16xi32>
    %add3A_103 = arith.addi %mul3A_26, %mul3A_102 : vector<16xi32>
    %add3A_104 = arith.addi %add3A_103, %min3A_95 : vector<16xi32>
    %gather3A_105 = tpu.vector_load_idx %arg11[%add3A_104] : memref<35328xf32, #tpu.memory_space<vmem>>[vector<16xi32>], vector<16xf32>,
    %max3A_106 = arith.maximumf %gather3A_105, %get3A_71 : vector<16xf32>
    tpu.vector_store_idx %arg11[%add3A_104], %max3A_106 : memref<35328xf32, #tpu.memory_space<vmem>>[vector<16xi32>], vector<16xf32>,
    %get3A_107 = arith.constant 3104 : index
    %get3A_108 = tpu.vector_load %arg7[%get3A_107] {strides = array<i32>} : memref<3136xf32, #tpu.memory_space<vmem>>, vector<16xf32>,
    %get3A_109 = arith.constant 3104 : index
    %get3A_110 = tpu.vector_load %arg8[%get3A_109] {strides = array<i32>} : memref<3136xf32, #tpu.memory_space<vmem>>, vector<16xf32>,
    %mul3A_111 = arith.constant 1.300000e+01 : f32
    %mul3A_112 = vector.broadcast %mul3A_111 : f32 to vector<16xf32>
    %mul3A_113 = arith.mulf %get3A_110, %mul3A_112 : vector<16xf32>
    %convert_element_type3A_114 = arith.fptosi %mul3A_113 : vector<16xf32> to vector<16xi32>
    %max3A_115 = arith.maxsi %convert_element_type3A_114, %broadcast_in_dim3A_30 : vector<16xi32>
    %min3A_116 = arith.minsi %max3A_115, %broadcast_in_dim3A_28 : vector<16xi32>
    %get3A_117 = arith.constant 3104 : index
    %get3A_118 = tpu.vector_load %arg9[%get3A_117] {strides = array<i32>} : memref<3136xf32, #tpu.memory_space<vmem>>, vector<16xf32>,
    %mul3A_119 = arith.constant 1.300000e+01 : f32
    %mul3A_120 = vector.broadcast %mul3A_119 : f32 to vector<16xf32>
    %mul3A_121 = arith.mulf %get3A_118, %mul3A_120 : vector<16xf32>
    %convert_element_type3A_122 = arith.fptosi %mul3A_121 : vector<16xf32> to vector<16xi32>
    %max3A_123 = arith.maxsi %convert_element_type3A_122, %broadcast_in_dim3A_30 : vector<16xi32>
    %min3A_124 = arith.minsi %max3A_123, %broadcast_in_dim3A_28 : vector<16xi32>
    %get3A_125 = arith.constant 3104 : index
    %get3A_126 = tpu.vector_load %arg10[%get3A_125] {strides = array<i32>} : memref<3136xf32, #tpu.memory_space<vmem>>, vector<16xf32>,
    %mul3A_127 = arith.constant 1.300000e+01 : f32
    %mul3A_128 = vector.broadcast %mul3A_127 : f32 to vector<16xf32>
    %mul3A_129 = arith.mulf %get3A_126, %mul3A_128 : vector<16xf32>
    %convert_element_type3A_130 = arith.fptosi %mul3A_129 : vector<16xf32> to vector<16xi32>
    %max3A_131 = arith.maxsi %convert_element_type3A_130, %broadcast_in_dim3A_30 : vector<16xi32>
    %min3A_132 = arith.minsi %max3A_131, %broadcast_in_dim3A_28 : vector<16xi32>
    %mul3A_133 = arith.constant 13 : i32
    %mul3A_134 = vector.broadcast %mul3A_133 : i32 to vector<16xi32>
    %mul3A_135 = arith.muli %min3A_116, %mul3A_134 : vector<16xi32>
    %add3A_136 = arith.addi %mul3A_135, %min3A_124 : vector<16xi32>
    %mul3A_137 = arith.constant 13 : i32
    %mul3A_138 = vector.broadcast %mul3A_137 : i32 to vector<16xi32>
    %mul3A_139 = arith.muli %add3A_136, %mul3A_138 : vector<16xi32>
    %add3A_140 = arith.addi %mul3A_26, %mul3A_139 : vector<16xi32>
    %add3A_141 = arith.addi %add3A_140, %min3A_132 : vector<16xi32>
    %gather3A_142 = tpu.vector_load_idx %arg11[%add3A_141] : memref<35328xf32, #tpu.memory_space<vmem>>[vector<16xi32>], vector<16xf32>,
    %max3A_143 = arith.maximumf %gather3A_142, %get3A_108 : vector<16xf32>
    tpu.vector_store_idx %arg11[%add3A_141], %max3A_143 : memref<35328xf32, #tpu.memory_space<vmem>>[vector<16xi32>], vector<16xf32>,
    %get3A_144 = arith.constant 3120 : index
    %get3A_145 = tpu.vector_load %arg7[%get3A_144] {strides = array<i32>} : memref<3136xf32, #tpu.memory_space<vmem>>, vector<16xf32>,
    %get3A_146 = arith.constant 3120 : index
    %get3A_147 = tpu.vector_load %arg8[%get3A_146] {strides = array<i32>} : memref<3136xf32, #tpu.memory_space<vmem>>, vector<16xf32>,
    %mul3A_148 = arith.constant 1.300000e+01 : f32
    %mul3A_149 = vector.broadcast %mul3A_148 : f32 to vector<16xf32>
    %mul3A_150 = arith.mulf %get3A_147, %mul3A_149 : vector<16xf32>
    %convert_element_type3A_151 = arith.fptosi %mul3A_150 : vector<16xf32> to vector<16xi32>
    %max3A_152 = arith.maxsi %convert_element_type3A_151, %broadcast_in_dim3A_30 : vector<16xi32>
    %min3A_153 = arith.minsi %max3A_152, %broadcast_in_dim3A_28 : vector<16xi32>
    %get3A_154 = arith.constant 3120 : index
    %get3A_155 = tpu.vector_load %arg9[%get3A_154] {strides = array<i32>} : memref<3136xf32, #tpu.memory_space<vmem>>, vector<16xf32>,
    %mul3A_156 = arith.constant 1.300000e+01 : f32
    %mul3A_157 = vector.broadcast %mul3A_156 : f32 to vector<16xf32>
    %mul3A_158 = arith.mulf %get3A_155, %mul3A_157 : vector<16xf32>
    %convert_element_type3A_159 = arith.fptosi %mul3A_158 : vector<16xf32> to vector<16xi32>
    %max3A_160 = arith.maxsi %convert_element_type3A_159, %broadcast_in_dim3A_30 : vector<16xi32>
    %min3A_161 = arith.minsi %max3A_160, %broadcast_in_dim3A_28 : vector<16xi32>
    %get3A_162 = arith.constant 3120 : index
    %get3A_163 = tpu.vector_load %arg10[%get3A_162] {strides = array<i32>} : memref<3136xf32, #tpu.memory_space<vmem>>, vector<16xf32>,
    %mul3A_164 = arith.constant 1.300000e+01 : f32
    %mul3A_165 = vector.broadcast %mul3A_164 : f32 to vector<16xf32>
    %mul3A_166 = arith.mulf %get3A_163, %mul3A_165 : vector<16xf32>
    %convert_element_type3A_167 = arith.fptosi %mul3A_166 : vector<16xf32> to vector<16xi32>
    %max3A_168 = arith.maxsi %convert_element_type3A_167, %broadcast_in_dim3A_30 : vector<16xi32>
    %min3A_169 = arith.minsi %max3A_168, %broadcast_in_dim3A_28 : vector<16xi32>
    %mul3A_170 = arith.constant 13 : i32
    %mul3A_171 = vector.broadcast %mul3A_170 : i32 to vector<16xi32>
    %mul3A_172 = arith.muli %min3A_153, %mul3A_171 : vector<16xi32>
    %add3A_173 = arith.addi %mul3A_172, %min3A_161 : vector<16xi32>
    %mul3A_174 = arith.constant 13 : i32
    %mul3A_175 = vector.broadcast %mul3A_174 : i32 to vector<16xi32>
    %mul3A_176 = arith.muli %add3A_173, %mul3A_175 : vector<16xi32>
    %add3A_177 = arith.addi %mul3A_26, %mul3A_176 : vector<16xi32>
    %add3A_178 = arith.addi %add3A_177, %min3A_169 : vector<16xi32>
    %gather3A_179 = tpu.vector_load_idx %arg11[%add3A_178] : memref<35328xf32, #tpu.memory_space<vmem>>[vector<16xi32>], vector<16xf32>,
    %max3A_180 = arith.maximumf %gather3A_179, %get3A_145 : vector<16xf32>
    tpu.vector_store_idx %arg11[%add3A_178], %max3A_180 : memref<35328xf32, #tpu.memory_space<vmem>>[vector<16xi32>], vector<16xf32>,
    %scan3A_181 = arith.constant 0 : i32
    %scan3A_182 = arith.constant 0 : i32
    %scan3A_183 = arith.constant 138 : i32
    %scan3A_184 = arith.addi %scan3A_182, %scan3A_183 : i32
    %scan3A_185 = arith.constant 1 : i32
    %scan3A_186 = scf.for %scan3A_188 = %scan3A_182 to %scan3A_184 step %scan3A_185 iter_args(%scan3A_189 = %scan3A_181) -> (i32)  : i32 {
      %mul3A_190 = arith.constant 16 : i32
      %mul3A_191 = arith.muli %scan3A_188, %mul3A_190 : i32
      %get3A_192 = arith.index_cast %mul3A_191 : i32 to index
      %get3A_193 = tpu.vector_load %arg11[%get3A_192] {strides = array<i32>} : memref<35328xf32, #tpu.memory_space<vmem>>, vector<16xf32>,
      %add3A_194 = arith.constant 2208 : i32
      %add3A_195 = arith.addi %add3A_194, %mul3A_191 : i32
      %get3A_196 = arith.index_cast %add3A_195 : i32 to index
      %get3A_197 = tpu.vector_load %arg11[%get3A_196] {strides = array<i32>} : memref<35328xf32, #tpu.memory_space<vmem>>, vector<16xf32>,
      %max3A_198 = arith.maximumf %get3A_193, %get3A_197 : vector<16xf32>
      %add3A_199 = arith.constant 4416 : i32
      %add3A_200 = arith.addi %add3A_199, %mul3A_191 : i32
      %get3A_201 = arith.index_cast %add3A_200 : i32 to index
      %get3A_202 = tpu.vector_load %arg11[%get3A_201] {strides = array<i32>} : memref<35328xf32, #tpu.memory_space<vmem>>, vector<16xf32>,
      %max3A_203 = arith.maximumf %max3A_198, %get3A_202 : vector<16xf32>
      %add3A_204 = arith.constant 6624 : i32
      %add3A_205 = arith.addi %add3A_204, %mul3A_191 : i32
      %get3A_206 = arith.index_cast %add3A_205 : i32 to index
      %get3A_207 = tpu.vector_load %arg11[%get3A_206] {strides = array<i32>} : memref<35328xf32, #tpu.memory_space<vmem>>, vector<16xf32>,
      %max3A_208 = arith.maximumf %max3A_203, %get3A_207 : vector<16xf32>
      %add3A_209 = arith.constant 8832 : i32
      %add3A_210 = arith.addi %add3A_209, %mul3A_191 : i32
      %get3A_211 = arith.index_cast %add3A_210 : i32 to index
      %get3A_212 = tpu.vector_load %arg11[%get3A_211] {strides = array<i32>} : memref<35328xf32, #tpu.memory_space<vmem>>, vector<16xf32>,
      %max3A_213 = arith.maximumf %max3A_208, %get3A_212 : vector<16xf32>
      %add3A_214 = arith.constant 11040 : i32
      %add3A_215 = arith.addi %add3A_214, %mul3A_191 : i32
      %get3A_216 = arith.index_cast %add3A_215 : i32 to index
      %get3A_217 = tpu.vector_load %arg11[%get3A_216] {strides = array<i32>} : memref<35328xf32, #tpu.memory_space<vmem>>, vector<16xf32>,
      %max3A_218 = arith.maximumf %max3A_213, %get3A_217 : vector<16xf32>
      %add3A_219 = arith.constant 13248 : i32
      %add3A_220 = arith.addi %add3A_219, %mul3A_191 : i32
      %get3A_221 = arith.index_cast %add3A_220 : i32 to index
      %get3A_222 = tpu.vector_load %arg11[%get3A_221] {strides = array<i32>} : memref<35328xf32, #tpu.memory_space<vmem>>, vector<16xf32>,
      %max3A_223 = arith.maximumf %max3A_218, %get3A_222 : vector<16xf32>
      %add3A_224 = arith.constant 15456 : i32
      %add3A_225 = arith.addi %add3A_224, %mul3A_191 : i32
      %get3A_226 = arith.index_cast %add3A_225 : i32 to index
      %get3A_227 = tpu.vector_load %arg11[%get3A_226] {strides = array<i32>} : memref<35328xf32, #tpu.memory_space<vmem>>, vector<16xf32>,
      %max3A_228 = arith.maximumf %max3A_223, %get3A_227 : vector<16xf32>
      %add3A_229 = arith.constant 17664 : i32
      %add3A_230 = arith.addi %add3A_229, %mul3A_191 : i32
      %get3A_231 = arith.index_cast %add3A_230 : i32 to index
      %get3A_232 = tpu.vector_load %arg11[%get3A_231] {strides = array<i32>} : memref<35328xf32, #tpu.memory_space<vmem>>, vector<16xf32>,
      %max3A_233 = arith.maximumf %max3A_228, %get3A_232 : vector<16xf32>
      %add3A_234 = arith.constant 19872 : i32
      %add3A_235 = arith.addi %add3A_234, %mul3A_191 : i32
      %get3A_236 = arith.index_cast %add3A_235 : i32 to index
      %get3A_237 = tpu.vector_load %arg11[%get3A_236] {strides = array<i32>} : memref<35328xf32, #tpu.memory_space<vmem>>, vector<16xf32>,
      %max3A_238 = arith.maximumf %max3A_233, %get3A_237 : vector<16xf32>
      %add3A_239 = arith.constant 22080 : i32
      %add3A_240 = arith.addi %add3A_239, %mul3A_191 : i32
      %get3A_241 = arith.index_cast %add3A_240 : i32 to index
      %get3A_242 = tpu.vector_load %arg11[%get3A_241] {strides = array<i32>} : memref<35328xf32, #tpu.memory_space<vmem>>, vector<16xf32>,
      %max3A_243 = arith.maximumf %max3A_238, %get3A_242 : vector<16xf32>
      %add3A_244 = arith.constant 24288 : i32
      %add3A_245 = arith.addi %add3A_244, %mul3A_191 : i32
      %get3A_246 = arith.index_cast %add3A_245 : i32 to index
      %get3A_247 = tpu.vector_load %arg11[%get3A_246] {strides = array<i32>} : memref<35328xf32, #tpu.memory_space<vmem>>, vector<16xf32>,
      %max3A_248 = arith.maximumf %max3A_243, %get3A_247 : vector<16xf32>
      %add3A_249 = arith.constant 26496 : i32
      %add3A_250 = arith.addi %add3A_249, %mul3A_191 : i32
      %get3A_251 = arith.index_cast %add3A_250 : i32 to index
      %get3A_252 = tpu.vector_load %arg11[%get3A_251] {strides = array<i32>} : memref<35328xf32, #tpu.memory_space<vmem>>, vector<16xf32>,
      %max3A_253 = arith.maximumf %max3A_248, %get3A_252 : vector<16xf32>
      %add3A_254 = arith.constant 28704 : i32
      %add3A_255 = arith.addi %add3A_254, %mul3A_191 : i32
      %get3A_256 = arith.index_cast %add3A_255 : i32 to index
      %get3A_257 = tpu.vector_load %arg11[%get3A_256] {strides = array<i32>} : memref<35328xf32, #tpu.memory_space<vmem>>, vector<16xf32>,
      %max3A_258 = arith.maximumf %max3A_253, %get3A_257 : vector<16xf32>
      %add3A_259 = arith.constant 30912 : i32
      %add3A_260 = arith.addi %add3A_259, %mul3A_191 : i32
      %get3A_261 = arith.index_cast %add3A_260 : i32 to index
      %get3A_262 = tpu.vector_load %arg11[%get3A_261] {strides = array<i32>} : memref<35328xf32, #tpu.memory_space<vmem>>, vector<16xf32>,
      %max3A_263 = arith.maximumf %max3A_258, %get3A_262 : vector<16xf32>
      %add3A_264 = arith.constant 33120 : i32
      %add3A_265 = arith.addi %add3A_264, %mul3A_191 : i32
      %get3A_266 = arith.index_cast %add3A_265 : i32 to index
      %get3A_267 = tpu.vector_load %arg11[%get3A_266] {strides = array<i32>} : memref<35328xf32, #tpu.memory_space<vmem>>, vector<16xf32>,
      %max3A_268 = arith.maximumf %max3A_263, %get3A_267 : vector<16xf32>
      %swap3A = arith.index_cast %mul3A_191 : i32 to index
      %swap3A_269 = tpu.vector_load %arg12[%swap3A] {strides = array<i32>} : memref<2208xf32, #tpu.memory_space<vmem>>, vector<16xf32>,
      tpu.vector_store %arg12[%swap3A], %max3A_268 {strides = array<i32>} : memref<2208xf32, #tpu.memory_space<vmem>>, vector<16xf32>,
      %scan3A_270 = arith.constant 0 : i32
      scf.yield %scan3A_270 : i32
    }
    %scan3A_187 = arith.constant 138 : i32
    "tpu.region"() ({
      %run_scoped3A = tpu.sem_alloc : memref<!tpu.dma_semaphore, #tpu.memory_space<semaphore_mem>>
      %dma_start3A_188 = arith.constant 0 : i32
      %dma_start3A_189 = tpu.memref_slice %arg6[%add3A, %dma_start3A_188] : memref<32x2208xf32, #tpu.memory_space<hbm>> -> memref<1x2208xf32, #tpu.memory_space<hbm>>
      %dma_start3A_190 = tpu.memref_squeeze %dma_start3A_189 : memref<1x2208xf32, #tpu.memory_space<hbm>> -> memref<2208xf32, #tpu.memory_space<hbm>>
      %dma_start3A_191 = arith.constant 0 : i32
      %dma_start3A_192 = tpu.memref_slice %arg6[%add3A, %dma_start3A_191] : memref<32x2208xf32, #tpu.memory_space<hbm>> -> memref<1x2208xf32, #tpu.memory_space<hbm>>
      %dma_start3A_193 = tpu.memref_squeeze %dma_start3A_192 : memref<1x2208xf32, #tpu.memory_space<hbm>> -> memref<2208xf32, #tpu.memory_space<hbm>>
      tpu.enqueue_dma source(%arg12 : memref<2208xf32, #tpu.memory_space<vmem>>) target(%dma_start3A_193 : memref<2208xf32, #tpu.memory_space<hbm>>) target_semaphore(%run_scoped3A : memref<!tpu.dma_semaphore, #tpu.memory_space<semaphore_mem>>)
      %dma_wait3A_194 = arith.constant 0 : i32
      %dma_wait3A_195 = tpu.memref_slice %arg6[%add3A, %dma_wait3A_194] : memref<32x2208xf32, #tpu.memory_space<hbm>> -> memref<1x2208xf32, #tpu.memory_space<hbm>>
      %dma_wait3A_196 = tpu.memref_squeeze %dma_wait3A_195 : memref<1x2208xf32, #tpu.memory_space<hbm>> -> memref<2208xf32, #tpu.memory_space<hbm>>
      %dma_wait3A_197 = arith.constant 0 : i32
      %dma_wait3A_198 = tpu.memref_slice %arg6[%add3A, %dma_wait3A_197] : memref<32x2208xf32, #tpu.memory_space<hbm>> -> memref<1x2208xf32, #tpu.memory_space<hbm>>
      %dma_wait3A_199 = tpu.memref_squeeze %dma_wait3A_198 : memref<1x2208xf32, #tpu.memory_space<hbm>> -> memref<2208xf32, #tpu.memory_space<hbm>>
      tpu.wait_dma2 semaphore(%run_scoped3A : memref<!tpu.dma_semaphore, #tpu.memory_space<semaphore_mem>>) src(%arg12 : memref<2208xf32, #tpu.memory_space<vmem>>) dst(%dma_wait3A_199 : memref<2208xf32, #tpu.memory_space<hbm>>)
      tpu.yield
    }) : () -> ()
    return
  }
}

module attributes {stable_mosaic.version = 14 : i64} {
  func.func @_tc_body(%arg0: memref<32x2208xf32, #tpu.memory_space<vmem>>, %arg1: memref<125x1x64xf32, #tpu.memory_space<vmem>>, %arg2: memref<1x64xf32, #tpu.memory_space<vmem>>, %arg3: memref<64xf32, #tpu.memory_space<vmem>>, %arg4: memref<125x64x64xf32, #tpu.memory_space<vmem>>, %arg5: memref<64x64xf32, #tpu.memory_space<vmem>>, %arg6: memref<64xf32, #tpu.memory_space<vmem>>, %arg7: memref<125x64x128xf32, #tpu.memory_space<vmem>>, %arg8: memref<64x128xf32, #tpu.memory_space<vmem>>, %arg9: memref<128xf32, #tpu.memory_space<vmem>>, %arg10: memref<1024x256xf32, #tpu.memory_space<vmem>>, %arg11: memref<256xf32, #tpu.memory_space<vmem>>, %arg12: memref<256x10xf32, #tpu.memory_space<vmem>>, %arg13: memref<10xf32, #tpu.memory_space<vmem>>, %arg14: memref<26x2208xf32, #tpu.memory_space<vmem>>, %arg15: memref<2208x1xf32, #tpu.memory_space<vmem>>, %arg16: memref<8918x1xf32, #tpu.memory_space<vmem>>, %arg17: memref<343x1xf32, #tpu.memory_space<vmem>>, %arg18: memref<3250x1xf32, #tpu.memory_space<vmem>>, %arg19: memref<125x1xf32, #tpu.memory_space<vmem>>, %arg20: memref<91x169xf32, #tpu.memory_space<vmem>>, %arg21: memref<91x169xf32, #tpu.memory_space<vmem>>, %arg22: memref<49x91xf32, #tpu.memory_space<vmem>>, %arg23: memref<49x91xf32, #tpu.memory_space<vmem>>, %arg24: memref<35x49xf32, #tpu.memory_space<vmem>>, %arg25: memref<35x49xf32, #tpu.memory_space<vmem>>, %arg26: memref<25x35xf32, #tpu.memory_space<vmem>>, %arg27: memref<25x35xf32, #tpu.memory_space<vmem>>, %arg28: memref<10x25xf32, #tpu.memory_space<vmem>>, %arg29: memref<10x25xf32, #tpu.memory_space<vmem>>, %arg30: memref<10x25xf32, #tpu.memory_space<vmem>>, %arg31: memref<4x10xf32, #tpu.memory_space<vmem>>, %arg32: memref<4x10xf32, #tpu.memory_space<vmem>>, %arg33: memref<4x10xf32, #tpu.memory_space<vmem>>, %arg34: memref<1x10xf32, #tpu.memory_space<vmem>>) attributes {dimension_semantics = [], scalar_prefetch = 0 : i64, scratch_operands = 0 : i64, tpu.core_type = #tpu.core_type<tc>} {
    %get3A = arith.constant 0 : index
    %get3A_0 = arith.constant 0 : index
    %get3A_1 = vector.load %arg0[%get3A, %get3A_0] : memref<32x2208xf32, #tpu.memory_space<vmem>>, vector<32x2208xf32>
    %reduce_max3A = arith.constant dense<0xFF800000> : vector<2208xf32>
    %reduce_max3A_2 = vector.multi_reduction <maximumf>, %get3A_1, %reduce_max3A [0] : vector<32x2208xf32> to vector<2208xf32>
    %broadcast_in_dim3A = vector.shape_cast %reduce_max3A_2 : vector<2208xf32> to vector<1x2208xf32>
    %gt3A = arith.constant 0xFF800000 : f32
    %gt3A_3 = vector.broadcast %gt3A : f32 to vector<1x2208xf32>
    %gt3A_4 = arith.cmpf ogt, %broadcast_in_dim3A, %gt3A_3 : vector<1x2208xf32>
    %jit3A = arith.constant 0.000000e+00 : f32
    %broadcast_in_dim3A_5 = vector.broadcast %jit3A : f32 to vector<1x2208xf32>
    %select_n3A = arith.select %gt3A_4, %broadcast_in_dim3A, %broadcast_in_dim3A_5 : vector<1x2208xi1>, vector<1x2208xf32>
    %broadcast_in_dim3A_6 = arith.constant 0.000000e+00 : f32
    %broadcast_in_dim3A_7 = vector.broadcast %broadcast_in_dim3A_6 : f32 to vector<1x184xf32>
    %broadcast_in_dim3A_8 = arith.constant 0.000000e+00 : f32
    %broadcast_in_dim3A_9 = vector.broadcast %broadcast_in_dim3A_8 : f32 to vector<1x184xf32>
    %concatenate3A = tpu.concatenate %broadcast_in_dim3A_7, %select_n3A, %broadcast_in_dim3A_9 in 1 : vector<1x184xf32>, vector<1x2208xf32>, vector<1x184xf32> -> vector<1x2576xf32>
    %get3A_10 = arith.constant 0 : index
    %get3A_11 = arith.constant 0 : index
    %get3A_12 = vector.load %arg14[%get3A_10, %get3A_11] : memref<26x2208xf32, #tpu.memory_space<vmem>>, vector<26x2208xf32>
    %slice3A = vector.extract_strided_slice %concatenate3A {offsets = [0, 367], sizes = [1, 2208], strides = [1, 1]} : vector<1x2576xf32> to vector<1x2208xf32>
    %slice3A_13 = vector.extract_strided_slice %get3A_12 {offsets = [0, 0], sizes = [1, 2208], strides = [1, 1]} : vector<26x2208xf32> to vector<1x2208xf32>
    %mul3A = arith.mulf %slice3A, %slice3A_13 : vector<1x2208xf32>
    %get3A_14 = arith.constant 0 : index
    %get3A_15 = arith.constant 0 : index
    %get3A_16 = arith.constant 0 : index
    %get3A_17 = vector.load %arg1[%get3A_14, %get3A_15, %get3A_16] : memref<125x1x64xf32, #tpu.memory_space<vmem>>, vector<125x1x64xf32>
    %slice3A_18 = vector.extract_strided_slice %get3A_17 {offsets = [0, 0, 0], sizes = [1, 1, 64], strides = [1, 1, 1]} : vector<125x1x64xf32> to vector<1x1x64xf32>
    %squeeze3A = vector.shape_cast %slice3A_18 : vector<1x1x64xf32> to vector<1x64xf32>
    %slice3A_19 = vector.extract_strided_slice %concatenate3A {offsets = [0, 366], sizes = [1, 2208], strides = [1, 1]} : vector<1x2576xf32> to vector<1x2208xf32>
    %slice3A_20 = vector.extract_strided_slice %get3A_12 {offsets = [1, 0], sizes = [1, 2208], strides = [1, 1]} : vector<26x2208xf32> to vector<1x2208xf32>
    %mul3A_21 = arith.mulf %slice3A_19, %slice3A_20 : vector<1x2208xf32>
    %get3A_22 = arith.constant 0 : index
    %get3A_23 = arith.constant 0 : index
    %get3A_24 = arith.constant 0 : index
    %get3A_25 = vector.load %arg1[%get3A_22, %get3A_23, %get3A_24] : memref<125x1x64xf32, #tpu.memory_space<vmem>>, vector<125x1x64xf32>
    %slice3A_26 = vector.extract_strided_slice %get3A_25 {offsets = [2, 0, 0], sizes = [1, 1, 64], strides = [1, 1, 1]} : vector<125x1x64xf32> to vector<1x1x64xf32>
    %squeeze3A_27 = vector.shape_cast %slice3A_26 : vector<1x1x64xf32> to vector<1x64xf32>
    %slice3A_28 = vector.extract_strided_slice %concatenate3A {offsets = [0, 365], sizes = [1, 2208], strides = [1, 1]} : vector<1x2576xf32> to vector<1x2208xf32>
    %slice3A_29 = vector.extract_strided_slice %get3A_12 {offsets = [2, 0], sizes = [1, 2208], strides = [1, 1]} : vector<26x2208xf32> to vector<1x2208xf32>
    %mul3A_30 = arith.mulf %slice3A_28, %slice3A_29 : vector<1x2208xf32>
    %get3A_31 = arith.constant 0 : index
    %get3A_32 = arith.constant 0 : index
    %get3A_33 = arith.constant 0 : index
    %get3A_34 = vector.load %arg1[%get3A_31, %get3A_32, %get3A_33] : memref<125x1x64xf32, #tpu.memory_space<vmem>>, vector<125x1x64xf32>
    %slice3A_35 = vector.extract_strided_slice %get3A_34 {offsets = [4, 0, 0], sizes = [1, 1, 64], strides = [1, 1, 1]} : vector<125x1x64xf32> to vector<1x1x64xf32>
    %squeeze3A_36 = vector.shape_cast %slice3A_35 : vector<1x1x64xf32> to vector<1x64xf32>
    %slice3A_37 = vector.extract_strided_slice %concatenate3A {offsets = [0, 354], sizes = [1, 2208], strides = [1, 1]} : vector<1x2576xf32> to vector<1x2208xf32>
    %slice3A_38 = vector.extract_strided_slice %get3A_12 {offsets = [3, 0], sizes = [1, 2208], strides = [1, 1]} : vector<26x2208xf32> to vector<1x2208xf32>
    %mul3A_39 = arith.mulf %slice3A_37, %slice3A_38 : vector<1x2208xf32>
    %get3A_40 = arith.constant 0 : index
    %get3A_41 = arith.constant 0 : index
    %get3A_42 = arith.constant 0 : index
    %get3A_43 = vector.load %arg1[%get3A_40, %get3A_41, %get3A_42] : memref<125x1x64xf32, #tpu.memory_space<vmem>>, vector<125x1x64xf32>
    %slice3A_44 = vector.extract_strided_slice %get3A_43 {offsets = [10, 0, 0], sizes = [1, 1, 64], strides = [1, 1, 1]} : vector<125x1x64xf32> to vector<1x1x64xf32>
    %squeeze3A_45 = vector.shape_cast %slice3A_44 : vector<1x1x64xf32> to vector<1x64xf32>
    %slice3A_46 = vector.extract_strided_slice %concatenate3A {offsets = [0, 353], sizes = [1, 2208], strides = [1, 1]} : vector<1x2576xf32> to vector<1x2208xf32>
    %slice3A_47 = vector.extract_strided_slice %get3A_12 {offsets = [4, 0], sizes = [1, 2208], strides = [1, 1]} : vector<26x2208xf32> to vector<1x2208xf32>
    %mul3A_48 = arith.mulf %slice3A_46, %slice3A_47 : vector<1x2208xf32>
    %get3A_49 = arith.constant 0 : index
    %get3A_50 = arith.constant 0 : index
    %get3A_51 = arith.constant 0 : index
    %get3A_52 = vector.load %arg1[%get3A_49, %get3A_50, %get3A_51] : memref<125x1x64xf32, #tpu.memory_space<vmem>>, vector<125x1x64xf32>
    %slice3A_53 = vector.extract_strided_slice %get3A_52 {offsets = [12, 0, 0], sizes = [1, 1, 64], strides = [1, 1, 1]} : vector<125x1x64xf32> to vector<1x1x64xf32>
    %squeeze3A_54 = vector.shape_cast %slice3A_53 : vector<1x1x64xf32> to vector<1x64xf32>
    %slice3A_55 = vector.extract_strided_slice %concatenate3A {offsets = [0, 352], sizes = [1, 2208], strides = [1, 1]} : vector<1x2576xf32> to vector<1x2208xf32>
    %slice3A_56 = vector.extract_strided_slice %get3A_12 {offsets = [5, 0], sizes = [1, 2208], strides = [1, 1]} : vector<26x2208xf32> to vector<1x2208xf32>
    %mul3A_57 = arith.mulf %slice3A_55, %slice3A_56 : vector<1x2208xf32>
    %get3A_58 = arith.constant 0 : index
    %get3A_59 = arith.constant 0 : index
    %get3A_60 = arith.constant 0 : index
    %get3A_61 = vector.load %arg1[%get3A_58, %get3A_59, %get3A_60] : memref<125x1x64xf32, #tpu.memory_space<vmem>>, vector<125x1x64xf32>
    %slice3A_62 = vector.extract_strided_slice %get3A_61 {offsets = [14, 0, 0], sizes = [1, 1, 64], strides = [1, 1, 1]} : vector<125x1x64xf32> to vector<1x1x64xf32>
    %squeeze3A_63 = vector.shape_cast %slice3A_62 : vector<1x1x64xf32> to vector<1x64xf32>
    %slice3A_64 = vector.extract_strided_slice %concatenate3A {offsets = [0, 341], sizes = [1, 2208], strides = [1, 1]} : vector<1x2576xf32> to vector<1x2208xf32>
    %slice3A_65 = vector.extract_strided_slice %get3A_12 {offsets = [6, 0], sizes = [1, 2208], strides = [1, 1]} : vector<26x2208xf32> to vector<1x2208xf32>
    %mul3A_66 = arith.mulf %slice3A_64, %slice3A_65 : vector<1x2208xf32>
    %get3A_67 = arith.constant 0 : index
    %get3A_68 = arith.constant 0 : index
    %get3A_69 = arith.constant 0 : index
    %get3A_70 = vector.load %arg1[%get3A_67, %get3A_68, %get3A_69] : memref<125x1x64xf32, #tpu.memory_space<vmem>>, vector<125x1x64xf32>
    %slice3A_71 = vector.extract_strided_slice %get3A_70 {offsets = [20, 0, 0], sizes = [1, 1, 64], strides = [1, 1, 1]} : vector<125x1x64xf32> to vector<1x1x64xf32>
    %squeeze3A_72 = vector.shape_cast %slice3A_71 : vector<1x1x64xf32> to vector<1x64xf32>
    %slice3A_73 = vector.extract_strided_slice %concatenate3A {offsets = [0, 340], sizes = [1, 2208], strides = [1, 1]} : vector<1x2576xf32> to vector<1x2208xf32>
    %slice3A_74 = vector.extract_strided_slice %get3A_12 {offsets = [7, 0], sizes = [1, 2208], strides = [1, 1]} : vector<26x2208xf32> to vector<1x2208xf32>
    %mul3A_75 = arith.mulf %slice3A_73, %slice3A_74 : vector<1x2208xf32>
    %get3A_76 = arith.constant 0 : index
    %get3A_77 = arith.constant 0 : index
    %get3A_78 = arith.constant 0 : index
    %get3A_79 = vector.load %arg1[%get3A_76, %get3A_77, %get3A_78] : memref<125x1x64xf32, #tpu.memory_space<vmem>>, vector<125x1x64xf32>
    %slice3A_80 = vector.extract_strided_slice %get3A_79 {offsets = [22, 0, 0], sizes = [1, 1, 64], strides = [1, 1, 1]} : vector<125x1x64xf32> to vector<1x1x64xf32>
    %squeeze3A_81 = vector.shape_cast %slice3A_80 : vector<1x1x64xf32> to vector<1x64xf32>
    %slice3A_82 = vector.extract_strided_slice %concatenate3A {offsets = [0, 339], sizes = [1, 2208], strides = [1, 1]} : vector<1x2576xf32> to vector<1x2208xf32>
    %slice3A_83 = vector.extract_strided_slice %get3A_12 {offsets = [8, 0], sizes = [1, 2208], strides = [1, 1]} : vector<26x2208xf32> to vector<1x2208xf32>
    %mul3A_84 = arith.mulf %slice3A_82, %slice3A_83 : vector<1x2208xf32>
    %get3A_85 = arith.constant 0 : index
    %get3A_86 = arith.constant 0 : index
    %get3A_87 = arith.constant 0 : index
    %get3A_88 = vector.load %arg1[%get3A_85, %get3A_86, %get3A_87] : memref<125x1x64xf32, #tpu.memory_space<vmem>>, vector<125x1x64xf32>
    %slice3A_89 = vector.extract_strided_slice %get3A_88 {offsets = [24, 0, 0], sizes = [1, 1, 64], strides = [1, 1, 1]} : vector<125x1x64xf32> to vector<1x1x64xf32>
    %squeeze3A_90 = vector.shape_cast %slice3A_89 : vector<1x1x64xf32> to vector<1x64xf32>
    %slice3A_91 = vector.extract_strided_slice %concatenate3A {offsets = [0, 198], sizes = [1, 2208], strides = [1, 1]} : vector<1x2576xf32> to vector<1x2208xf32>
    %slice3A_92 = vector.extract_strided_slice %get3A_12 {offsets = [9, 0], sizes = [1, 2208], strides = [1, 1]} : vector<26x2208xf32> to vector<1x2208xf32>
    %mul3A_93 = arith.mulf %slice3A_91, %slice3A_92 : vector<1x2208xf32>
    %get3A_94 = arith.constant 0 : index
    %get3A_95 = arith.constant 0 : index
    %get3A_96 = arith.constant 0 : index
    %get3A_97 = vector.load %arg1[%get3A_94, %get3A_95, %get3A_96] : memref<125x1x64xf32, #tpu.memory_space<vmem>>, vector<125x1x64xf32>
    %slice3A_98 = vector.extract_strided_slice %get3A_97 {offsets = [50, 0, 0], sizes = [1, 1, 64], strides = [1, 1, 1]} : vector<125x1x64xf32> to vector<1x1x64xf32>
    %squeeze3A_99 = vector.shape_cast %slice3A_98 : vector<1x1x64xf32> to vector<1x64xf32>
    %slice3A_100 = vector.extract_strided_slice %concatenate3A {offsets = [0, 197], sizes = [1, 2208], strides = [1, 1]} : vector<1x2576xf32> to vector<1x2208xf32>
    %slice3A_101 = vector.extract_strided_slice %get3A_12 {offsets = [10, 0], sizes = [1, 2208], strides = [1, 1]} : vector<26x2208xf32> to vector<1x2208xf32>
    %mul3A_102 = arith.mulf %slice3A_100, %slice3A_101 : vector<1x2208xf32>
    %get3A_103 = arith.constant 0 : index
    %get3A_104 = arith.constant 0 : index
    %get3A_105 = arith.constant 0 : index
    %get3A_106 = vector.load %arg1[%get3A_103, %get3A_104, %get3A_105] : memref<125x1x64xf32, #tpu.memory_space<vmem>>, vector<125x1x64xf32>
    %slice3A_107 = vector.extract_strided_slice %get3A_106 {offsets = [52, 0, 0], sizes = [1, 1, 64], strides = [1, 1, 1]} : vector<125x1x64xf32> to vector<1x1x64xf32>
    %squeeze3A_108 = vector.shape_cast %slice3A_107 : vector<1x1x64xf32> to vector<1x64xf32>
    %slice3A_109 = vector.extract_strided_slice %concatenate3A {offsets = [0, 196], sizes = [1, 2208], strides = [1, 1]} : vector<1x2576xf32> to vector<1x2208xf32>
    %slice3A_110 = vector.extract_strided_slice %get3A_12 {offsets = [11, 0], sizes = [1, 2208], strides = [1, 1]} : vector<26x2208xf32> to vector<1x2208xf32>
    %mul3A_111 = arith.mulf %slice3A_109, %slice3A_110 : vector<1x2208xf32>
    %get3A_112 = arith.constant 0 : index
    %get3A_113 = arith.constant 0 : index
    %get3A_114 = arith.constant 0 : index
    %get3A_115 = vector.load %arg1[%get3A_112, %get3A_113, %get3A_114] : memref<125x1x64xf32, #tpu.memory_space<vmem>>, vector<125x1x64xf32>
    %slice3A_116 = vector.extract_strided_slice %get3A_115 {offsets = [54, 0, 0], sizes = [1, 1, 64], strides = [1, 1, 1]} : vector<125x1x64xf32> to vector<1x1x64xf32>
    %squeeze3A_117 = vector.shape_cast %slice3A_116 : vector<1x1x64xf32> to vector<1x64xf32>
    %slice3A_118 = vector.extract_strided_slice %concatenate3A {offsets = [0, 185], sizes = [1, 2208], strides = [1, 1]} : vector<1x2576xf32> to vector<1x2208xf32>
    %slice3A_119 = vector.extract_strided_slice %get3A_12 {offsets = [12, 0], sizes = [1, 2208], strides = [1, 1]} : vector<26x2208xf32> to vector<1x2208xf32>
    %mul3A_120 = arith.mulf %slice3A_118, %slice3A_119 : vector<1x2208xf32>
    %get3A_121 = arith.constant 0 : index
    %get3A_122 = arith.constant 0 : index
    %get3A_123 = arith.constant 0 : index
    %get3A_124 = vector.load %arg1[%get3A_121, %get3A_122, %get3A_123] : memref<125x1x64xf32, #tpu.memory_space<vmem>>, vector<125x1x64xf32>
    %slice3A_125 = vector.extract_strided_slice %get3A_124 {offsets = [60, 0, 0], sizes = [1, 1, 64], strides = [1, 1, 1]} : vector<125x1x64xf32> to vector<1x1x64xf32>
    %squeeze3A_126 = vector.shape_cast %slice3A_125 : vector<1x1x64xf32> to vector<1x64xf32>
    %slice3A_127 = vector.extract_strided_slice %concatenate3A {offsets = [0, 183], sizes = [1, 2208], strides = [1, 1]} : vector<1x2576xf32> to vector<1x2208xf32>
    %slice3A_128 = vector.extract_strided_slice %get3A_12 {offsets = [13, 0], sizes = [1, 2208], strides = [1, 1]} : vector<26x2208xf32> to vector<1x2208xf32>
    %mul3A_129 = arith.mulf %slice3A_127, %slice3A_128 : vector<1x2208xf32>
    %get3A_130 = arith.constant 0 : index
    %get3A_131 = arith.constant 0 : index
    %get3A_132 = arith.constant 0 : index
    %get3A_133 = vector.load %arg1[%get3A_130, %get3A_131, %get3A_132] : memref<125x1x64xf32, #tpu.memory_space<vmem>>, vector<125x1x64xf32>
    %slice3A_134 = vector.extract_strided_slice %get3A_133 {offsets = [64, 0, 0], sizes = [1, 1, 64], strides = [1, 1, 1]} : vector<125x1x64xf32> to vector<1x1x64xf32>
    %squeeze3A_135 = vector.shape_cast %slice3A_134 : vector<1x1x64xf32> to vector<1x64xf32>
    %slice3A_136 = vector.extract_strided_slice %concatenate3A {offsets = [0, 172], sizes = [1, 2208], strides = [1, 1]} : vector<1x2576xf32> to vector<1x2208xf32>
    %slice3A_137 = vector.extract_strided_slice %get3A_12 {offsets = [14, 0], sizes = [1, 2208], strides = [1, 1]} : vector<26x2208xf32> to vector<1x2208xf32>
    %mul3A_138 = arith.mulf %slice3A_136, %slice3A_137 : vector<1x2208xf32>
    %get3A_139 = arith.constant 0 : index
    %get3A_140 = arith.constant 0 : index
    %get3A_141 = arith.constant 0 : index
    %get3A_142 = vector.load %arg1[%get3A_139, %get3A_140, %get3A_141] : memref<125x1x64xf32, #tpu.memory_space<vmem>>, vector<125x1x64xf32>
    %slice3A_143 = vector.extract_strided_slice %get3A_142 {offsets = [70, 0, 0], sizes = [1, 1, 64], strides = [1, 1, 1]} : vector<125x1x64xf32> to vector<1x1x64xf32>
    %squeeze3A_144 = vector.shape_cast %slice3A_143 : vector<1x1x64xf32> to vector<1x64xf32>
    %slice3A_145 = vector.extract_strided_slice %concatenate3A {offsets = [0, 171], sizes = [1, 2208], strides = [1, 1]} : vector<1x2576xf32> to vector<1x2208xf32>
    %slice3A_146 = vector.extract_strided_slice %get3A_12 {offsets = [15, 0], sizes = [1, 2208], strides = [1, 1]} : vector<26x2208xf32> to vector<1x2208xf32>
    %mul3A_147 = arith.mulf %slice3A_145, %slice3A_146 : vector<1x2208xf32>
    %get3A_148 = arith.constant 0 : index
    %get3A_149 = arith.constant 0 : index
    %get3A_150 = arith.constant 0 : index
    %get3A_151 = vector.load %arg1[%get3A_148, %get3A_149, %get3A_150] : memref<125x1x64xf32, #tpu.memory_space<vmem>>, vector<125x1x64xf32>
    %slice3A_152 = vector.extract_strided_slice %get3A_151 {offsets = [72, 0, 0], sizes = [1, 1, 64], strides = [1, 1, 1]} : vector<125x1x64xf32> to vector<1x1x64xf32>
    %squeeze3A_153 = vector.shape_cast %slice3A_152 : vector<1x1x64xf32> to vector<1x64xf32>
    %slice3A_154 = vector.extract_strided_slice %concatenate3A {offsets = [0, 170], sizes = [1, 2208], strides = [1, 1]} : vector<1x2576xf32> to vector<1x2208xf32>
    %slice3A_155 = vector.extract_strided_slice %get3A_12 {offsets = [16, 0], sizes = [1, 2208], strides = [1, 1]} : vector<26x2208xf32> to vector<1x2208xf32>
    %mul3A_156 = arith.mulf %slice3A_154, %slice3A_155 : vector<1x2208xf32>
    %get3A_157 = arith.constant 0 : index
    %get3A_158 = arith.constant 0 : index
    %get3A_159 = arith.constant 0 : index
    %get3A_160 = vector.load %arg1[%get3A_157, %get3A_158, %get3A_159] : memref<125x1x64xf32, #tpu.memory_space<vmem>>, vector<125x1x64xf32>
    %slice3A_161 = vector.extract_strided_slice %get3A_160 {offsets = [74, 0, 0], sizes = [1, 1, 64], strides = [1, 1, 1]} : vector<125x1x64xf32> to vector<1x1x64xf32>
    %squeeze3A_162 = vector.shape_cast %slice3A_161 : vector<1x1x64xf32> to vector<1x64xf32>
    %slice3A_163 = vector.extract_strided_slice %concatenate3A {offsets = [0, 29], sizes = [1, 2208], strides = [1, 1]} : vector<1x2576xf32> to vector<1x2208xf32>
    %slice3A_164 = vector.extract_strided_slice %get3A_12 {offsets = [17, 0], sizes = [1, 2208], strides = [1, 1]} : vector<26x2208xf32> to vector<1x2208xf32>
    %mul3A_165 = arith.mulf %slice3A_163, %slice3A_164 : vector<1x2208xf32>
    %get3A_166 = arith.constant 0 : index
    %get3A_167 = arith.constant 0 : index
    %get3A_168 = arith.constant 0 : index
    %get3A_169 = vector.load %arg1[%get3A_166, %get3A_167, %get3A_168] : memref<125x1x64xf32, #tpu.memory_space<vmem>>, vector<125x1x64xf32>
    %slice3A_170 = vector.extract_strided_slice %get3A_169 {offsets = [100, 0, 0], sizes = [1, 1, 64], strides = [1, 1, 1]} : vector<125x1x64xf32> to vector<1x1x64xf32>
    %squeeze3A_171 = vector.shape_cast %slice3A_170 : vector<1x1x64xf32> to vector<1x64xf32>
    %slice3A_172 = vector.extract_strided_slice %concatenate3A {offsets = [0, 28], sizes = [1, 2208], strides = [1, 1]} : vector<1x2576xf32> to vector<1x2208xf32>
    %slice3A_173 = vector.extract_strided_slice %get3A_12 {offsets = [18, 0], sizes = [1, 2208], strides = [1, 1]} : vector<26x2208xf32> to vector<1x2208xf32>
    %mul3A_174 = arith.mulf %slice3A_172, %slice3A_173 : vector<1x2208xf32>
    %get3A_175 = arith.constant 0 : index
    %get3A_176 = arith.constant 0 : index
    %get3A_177 = arith.constant 0 : index
    %get3A_178 = vector.load %arg1[%get3A_175, %get3A_176, %get3A_177] : memref<125x1x64xf32, #tpu.memory_space<vmem>>, vector<125x1x64xf32>
    %slice3A_179 = vector.extract_strided_slice %get3A_178 {offsets = [102, 0, 0], sizes = [1, 1, 64], strides = [1, 1, 1]} : vector<125x1x64xf32> to vector<1x1x64xf32>
    %squeeze3A_180 = vector.shape_cast %slice3A_179 : vector<1x1x64xf32> to vector<1x64xf32>
    %slice3A_181 = vector.extract_strided_slice %concatenate3A {offsets = [0, 27], sizes = [1, 2208], strides = [1, 1]} : vector<1x2576xf32> to vector<1x2208xf32>
    %slice3A_182 = vector.extract_strided_slice %get3A_12 {offsets = [19, 0], sizes = [1, 2208], strides = [1, 1]} : vector<26x2208xf32> to vector<1x2208xf32>
    %mul3A_183 = arith.mulf %slice3A_181, %slice3A_182 : vector<1x2208xf32>
    %get3A_184 = arith.constant 0 : index
    %get3A_185 = arith.constant 0 : index
    %get3A_186 = arith.constant 0 : index
    %get3A_187 = vector.load %arg1[%get3A_184, %get3A_185, %get3A_186] : memref<125x1x64xf32, #tpu.memory_space<vmem>>, vector<125x1x64xf32>
    %slice3A_188 = vector.extract_strided_slice %get3A_187 {offsets = [104, 0, 0], sizes = [1, 1, 64], strides = [1, 1, 1]} : vector<125x1x64xf32> to vector<1x1x64xf32>
    %squeeze3A_189 = vector.shape_cast %slice3A_188 : vector<1x1x64xf32> to vector<1x64xf32>
    %slice3A_190 = vector.extract_strided_slice %concatenate3A {offsets = [0, 16], sizes = [1, 2208], strides = [1, 1]} : vector<1x2576xf32> to vector<1x2208xf32>
    %slice3A_191 = vector.extract_strided_slice %get3A_12 {offsets = [20, 0], sizes = [1, 2208], strides = [1, 1]} : vector<26x2208xf32> to vector<1x2208xf32>
    %mul3A_192 = arith.mulf %slice3A_190, %slice3A_191 : vector<1x2208xf32>
    %get3A_193 = arith.constant 0 : index
    %get3A_194 = arith.constant 0 : index
    %get3A_195 = arith.constant 0 : index
    %get3A_196 = vector.load %arg1[%get3A_193, %get3A_194, %get3A_195] : memref<125x1x64xf32, #tpu.memory_space<vmem>>, vector<125x1x64xf32>
    %slice3A_197 = vector.extract_strided_slice %get3A_196 {offsets = [110, 0, 0], sizes = [1, 1, 64], strides = [1, 1, 1]} : vector<125x1x64xf32> to vector<1x1x64xf32>
    %squeeze3A_198 = vector.shape_cast %slice3A_197 : vector<1x1x64xf32> to vector<1x64xf32>
    %slice3A_199 = vector.extract_strided_slice %concatenate3A {offsets = [0, 15], sizes = [1, 2208], strides = [1, 1]} : vector<1x2576xf32> to vector<1x2208xf32>
    %slice3A_200 = vector.extract_strided_slice %get3A_12 {offsets = [21, 0], sizes = [1, 2208], strides = [1, 1]} : vector<26x2208xf32> to vector<1x2208xf32>
    %mul3A_201 = arith.mulf %slice3A_199, %slice3A_200 : vector<1x2208xf32>
    %get3A_202 = arith.constant 0 : index
    %get3A_203 = arith.constant 0 : index
    %get3A_204 = arith.constant 0 : index
    %get3A_205 = vector.load %arg1[%get3A_202, %get3A_203, %get3A_204] : memref<125x1x64xf32, #tpu.memory_space<vmem>>, vector<125x1x64xf32>
    %slice3A_206 = vector.extract_strided_slice %get3A_205 {offsets = [112, 0, 0], sizes = [1, 1, 64], strides = [1, 1, 1]} : vector<125x1x64xf32> to vector<1x1x64xf32>
    %squeeze3A_207 = vector.shape_cast %slice3A_206 : vector<1x1x64xf32> to vector<1x64xf32>
    %slice3A_208 = vector.extract_strided_slice %concatenate3A {offsets = [0, 14], sizes = [1, 2208], strides = [1, 1]} : vector<1x2576xf32> to vector<1x2208xf32>
    %slice3A_209 = vector.extract_strided_slice %get3A_12 {offsets = [22, 0], sizes = [1, 2208], strides = [1, 1]} : vector<26x2208xf32> to vector<1x2208xf32>
    %mul3A_210 = arith.mulf %slice3A_208, %slice3A_209 : vector<1x2208xf32>
    %get3A_211 = arith.constant 0 : index
    %get3A_212 = arith.constant 0 : index
    %get3A_213 = arith.constant 0 : index
    %get3A_214 = vector.load %arg1[%get3A_211, %get3A_212, %get3A_213] : memref<125x1x64xf32, #tpu.memory_space<vmem>>, vector<125x1x64xf32>
    %slice3A_215 = vector.extract_strided_slice %get3A_214 {offsets = [114, 0, 0], sizes = [1, 1, 64], strides = [1, 1, 1]} : vector<125x1x64xf32> to vector<1x1x64xf32>
    %squeeze3A_216 = vector.shape_cast %slice3A_215 : vector<1x1x64xf32> to vector<1x64xf32>
    %slice3A_217 = vector.extract_strided_slice %concatenate3A {offsets = [0, 3], sizes = [1, 2208], strides = [1, 1]} : vector<1x2576xf32> to vector<1x2208xf32>
    %slice3A_218 = vector.extract_strided_slice %get3A_12 {offsets = [23, 0], sizes = [1, 2208], strides = [1, 1]} : vector<26x2208xf32> to vector<1x2208xf32>
    %mul3A_219 = arith.mulf %slice3A_217, %slice3A_218 : vector<1x2208xf32>
    %get3A_220 = arith.constant 0 : index
    %get3A_221 = arith.constant 0 : index
    %get3A_222 = arith.constant 0 : index
    %get3A_223 = vector.load %arg1[%get3A_220, %get3A_221, %get3A_222] : memref<125x1x64xf32, #tpu.memory_space<vmem>>, vector<125x1x64xf32>
    %slice3A_224 = vector.extract_strided_slice %get3A_223 {offsets = [120, 0, 0], sizes = [1, 1, 64], strides = [1, 1, 1]} : vector<125x1x64xf32> to vector<1x1x64xf32>
    %squeeze3A_225 = vector.shape_cast %slice3A_224 : vector<1x1x64xf32> to vector<1x64xf32>
    %slice3A_226 = vector.extract_strided_slice %concatenate3A {offsets = [0, 2], sizes = [1, 2208], strides = [1, 1]} : vector<1x2576xf32> to vector<1x2208xf32>
    %slice3A_227 = vector.extract_strided_slice %get3A_12 {offsets = [24, 0], sizes = [1, 2208], strides = [1, 1]} : vector<26x2208xf32> to vector<1x2208xf32>
    %mul3A_228 = arith.mulf %slice3A_226, %slice3A_227 : vector<1x2208xf32>
    %get3A_229 = arith.constant 0 : index
    %get3A_230 = arith.constant 0 : index
    %get3A_231 = arith.constant 0 : index
    %get3A_232 = vector.load %arg1[%get3A_229, %get3A_230, %get3A_231] : memref<125x1x64xf32, #tpu.memory_space<vmem>>, vector<125x1x64xf32>
    %slice3A_233 = vector.extract_strided_slice %get3A_232 {offsets = [122, 0, 0], sizes = [1, 1, 64], strides = [1, 1, 1]} : vector<125x1x64xf32> to vector<1x1x64xf32>
    %squeeze3A_234 = vector.shape_cast %slice3A_233 : vector<1x1x64xf32> to vector<1x64xf32>
    %slice3A_235 = vector.extract_strided_slice %concatenate3A {offsets = [0, 1], sizes = [1, 2208], strides = [1, 1]} : vector<1x2576xf32> to vector<1x2208xf32>
    %slice3A_236 = vector.extract_strided_slice %get3A_12 {offsets = [25, 0], sizes = [1, 2208], strides = [1, 1]} : vector<26x2208xf32> to vector<1x2208xf32>
    %mul3A_237 = arith.mulf %slice3A_235, %slice3A_236 : vector<1x2208xf32>
    %get3A_238 = arith.constant 0 : index
    %get3A_239 = arith.constant 0 : index
    %get3A_240 = arith.constant 0 : index
    %get3A_241 = vector.load %arg1[%get3A_238, %get3A_239, %get3A_240] : memref<125x1x64xf32, #tpu.memory_space<vmem>>, vector<125x1x64xf32>
    %slice3A_242 = vector.extract_strided_slice %get3A_241 {offsets = [124, 0, 0], sizes = [1, 1, 64], strides = [1, 1, 1]} : vector<125x1x64xf32> to vector<1x1x64xf32>
    %squeeze3A_243 = vector.shape_cast %slice3A_242 : vector<1x1x64xf32> to vector<1x64xf32>
    %concatenate3A_244 = tpu.concatenate %mul3A, %mul3A_21, %mul3A_30, %mul3A_39, %mul3A_48, %mul3A_57, %mul3A_66, %mul3A_75, %mul3A_84, %mul3A_93, %mul3A_102, %mul3A_111, %mul3A_120, %mul3A_129, %mul3A_138, %mul3A_147, %mul3A_156, %mul3A_165, %mul3A_174, %mul3A_183, %mul3A_192, %mul3A_201, %mul3A_210, %mul3A_219, %mul3A_228, %mul3A_237 in 0 : vector<1x2208xf32>, vector<1x2208xf32>, vector<1x2208xf32>, vector<1x2208xf32>, vector<1x2208xf32>, vector<1x2208xf32>, vector<1x2208xf32>, vector<1x2208xf32>, vector<1x2208xf32>, vector<1x2208xf32>, vector<1x2208xf32>, vector<1x2208xf32>, vector<1x2208xf32>, vector<1x2208xf32>, vector<1x2208xf32>, vector<1x2208xf32>, vector<1x2208xf32>, vector<1x2208xf32>, vector<1x2208xf32>, vector<1x2208xf32>, vector<1x2208xf32>, vector<1x2208xf32>, vector<1x2208xf32>, vector<1x2208xf32>, vector<1x2208xf32>, vector<1x2208xf32> -> vector<26x2208xf32>
    %concatenate3A_245 = tpu.concatenate %squeeze3A, %squeeze3A_27, %squeeze3A_36, %squeeze3A_45, %squeeze3A_54, %squeeze3A_63, %squeeze3A_72, %squeeze3A_81, %squeeze3A_90, %squeeze3A_99, %squeeze3A_108, %squeeze3A_117, %squeeze3A_126, %squeeze3A_135, %squeeze3A_144, %squeeze3A_153, %squeeze3A_162, %squeeze3A_171, %squeeze3A_180, %squeeze3A_189, %squeeze3A_198, %squeeze3A_207, %squeeze3A_216, %squeeze3A_225, %squeeze3A_234, %squeeze3A_243 in 0 : vector<1x64xf32>, vector<1x64xf32>, vector<1x64xf32>, vector<1x64xf32>, vector<1x64xf32>, vector<1x64xf32>, vector<1x64xf32>, vector<1x64xf32>, vector<1x64xf32>, vector<1x64xf32>, vector<1x64xf32>, vector<1x64xf32>, vector<1x64xf32>, vector<1x64xf32>, vector<1x64xf32>, vector<1x64xf32>, vector<1x64xf32>, vector<1x64xf32>, vector<1x64xf32>, vector<1x64xf32>, vector<1x64xf32>, vector<1x64xf32>, vector<1x64xf32>, vector<1x64xf32>, vector<1x64xf32>, vector<1x64xf32> -> vector<26x64xf32>
    %dot_general3A = arith.constant dense<0.000000e+00> : vector<2208x64xf32>
    %dot_general3A_246 = tpu.matmul %concatenate3A_244, %concatenate3A_245, %dot_general3A {dimension_numbers = #tpu.dot_dimension_numbers<[0], [0], [1], [1], [0, 1, 1, 1], [], []>, transpose_lhs_hint = false} : vector<26x2208xf32>, vector<26x64xf32>, vector<2208x64xf32> -> vector<2208x64xf32>
    %get3A_247 = arith.constant 0 : index
    %get3A_248 = arith.constant 0 : index
    %get3A_249 = vector.load %arg2[%get3A_247, %get3A_248] : memref<1x64xf32, #tpu.memory_space<vmem>>, vector<1x64xf32>
    %dot_general3A_250 = arith.constant dense<0.000000e+00> : vector<2208x64xf32>
    %dot_general3A_251 = tpu.matmul %select_n3A, %get3A_249, %dot_general3A_250 {dimension_numbers = #tpu.dot_dimension_numbers<[0], [0], [1], [1], [0, 1, 1, 1], [], []>, transpose_lhs_hint = false} : vector<1x2208xf32>, vector<1x64xf32>, vector<2208x64xf32> -> vector<2208x64xf32>
    %get3A_252 = arith.constant 0 : index
    %get3A_253 = arith.constant 0 : index
    %get3A_254 = vector.load %arg15[%get3A_252, %get3A_253] : memref<2208x1xf32, #tpu.memory_space<vmem>>, vector<2208x1xf32>
    %mul3A_255 = vector.broadcast %get3A_254 : vector<2208x1xf32> to vector<2208x64xf32>
    %mul3A_256 = arith.mulf %dot_general3A_246, %mul3A_255 : vector<2208x64xf32>
    %add3A = arith.addf %mul3A_256, %dot_general3A_251 : vector<2208x64xf32>
    %get3A_257 = arith.constant 0 : index
    %get3A_258 = vector.load %arg3[%get3A_257] : memref<64xf32, #tpu.memory_space<vmem>>, vector<64xf32>
    %broadcast_in_dim3A_259 = vector.shape_cast %get3A_258 : vector<64xf32> to vector<1x64xf32>
    %add3A_260 = vector.broadcast %broadcast_in_dim3A_259 : vector<1x64xf32> to vector<2208x64xf32>
    %add3A_261 = arith.addf %add3A, %add3A_260 : vector<2208x64xf32>
    %gt3A_262 = arith.constant 0.000000e+00 : f32
    %gt3A_263 = vector.broadcast %gt3A_262 : f32 to vector<2208x64xf32>
    %gt3A_264 = arith.cmpf ogt, %add3A_261, %gt3A_263 : vector<2208x64xf32>
    %min3A = arith.constant 0.000000e+00 : f32
    %min3A_265 = vector.broadcast %min3A : f32 to vector<2208x64xf32>
    %min3A_266 = arith.minimumf %add3A_261, %min3A_265 : vector<2208x64xf32>
    %exp3A = math.exp %min3A_266 : vector<2208x64xf32>
    %sub3A = arith.constant 1.000000e+00 : f32
    %sub3A_267 = vector.broadcast %sub3A : f32 to vector<2208x64xf32>
    %sub3A_268 = arith.subf %exp3A, %sub3A_267 : vector<2208x64xf32>
    %select_n3A_269 = arith.select %gt3A_264, %add3A_261, %sub3A_268 : vector<2208x64xi1>, vector<2208x64xf32>
    %get3A_270 = arith.constant 0 : index
    %get3A_271 = arith.constant 0 : index
    %get3A_272 = vector.load %arg20[%get3A_270, %get3A_271] : memref<91x169xf32, #tpu.memory_space<vmem>>, vector<91x169xf32>
    %get3A_273 = arith.constant 0 : index
    %get3A_274 = arith.constant 0 : index
    %get3A_275 = vector.load %arg21[%get3A_273, %get3A_274] : memref<91x169xf32, #tpu.memory_space<vmem>>, vector<91x169xf32>
    %get3A_276 = arith.constant 0 : index
    %get3A_277 = arith.constant 0 : index
    %get3A_278 = vector.load %arg22[%get3A_276, %get3A_277] : memref<49x91xf32, #tpu.memory_space<vmem>>, vector<49x91xf32>
    %get3A_279 = arith.constant 0 : index
    %get3A_280 = arith.constant 0 : index
    %get3A_281 = vector.load %arg23[%get3A_279, %get3A_280] : memref<49x91xf32, #tpu.memory_space<vmem>>, vector<49x91xf32>
    %slice3A_282 = vector.extract_strided_slice %select_n3A_269 {offsets = [0, 0], sizes = [169, 64], strides = [1, 1]} : vector<2208x64xf32> to vector<169x64xf32>
    %slice3A_283 = vector.extract_strided_slice %select_n3A_269 {offsets = [338, 0], sizes = [169, 64], strides = [1, 1]} : vector<2208x64xf32> to vector<169x64xf32>
    %slice3A_284 = vector.extract_strided_slice %select_n3A_269 {offsets = [676, 0], sizes = [169, 64], strides = [1, 1]} : vector<2208x64xf32> to vector<169x64xf32>
    %slice3A_285 = vector.extract_strided_slice %select_n3A_269 {offsets = [1014, 0], sizes = [338, 64], strides = [1, 1]} : vector<2208x64xf32> to vector<338x64xf32>
    %slice3A_286 = vector.extract_strided_slice %select_n3A_269 {offsets = [1521, 0], sizes = [169, 64], strides = [1, 1]} : vector<2208x64xf32> to vector<169x64xf32>
    %slice3A_287 = vector.extract_strided_slice %select_n3A_269 {offsets = [1859, 0], sizes = [169, 64], strides = [1, 1]} : vector<2208x64xf32> to vector<169x64xf32>
    %concatenate3A_288 = tpu.concatenate %slice3A_282, %slice3A_283, %slice3A_284, %slice3A_285, %slice3A_286, %slice3A_287 in 0 : vector<169x64xf32>, vector<169x64xf32>, vector<169x64xf32>, vector<338x64xf32>, vector<169x64xf32>, vector<169x64xf32> -> vector<1183x64xf32>
    %slice3A_289 = vector.extract_strided_slice %select_n3A_269 {offsets = [169, 0], sizes = [169, 64], strides = [1, 1]} : vector<2208x64xf32> to vector<169x64xf32>
    %slice3A_290 = vector.extract_strided_slice %select_n3A_269 {offsets = [507, 0], sizes = [169, 64], strides = [1, 1]} : vector<2208x64xf32> to vector<169x64xf32>
    %slice3A_291 = vector.extract_strided_slice %select_n3A_269 {offsets = [845, 0], sizes = [338, 64], strides = [1, 1]} : vector<2208x64xf32> to vector<338x64xf32>
    %slice3A_292 = vector.extract_strided_slice %select_n3A_269 {offsets = [1352, 0], sizes = [169, 64], strides = [1, 1]} : vector<2208x64xf32> to vector<169x64xf32>
    %slice3A_293 = vector.extract_strided_slice %select_n3A_269 {offsets = [1690, 0], sizes = [169, 64], strides = [1, 1]} : vector<2208x64xf32> to vector<169x64xf32>
    %slice3A_294 = vector.extract_strided_slice %select_n3A_269 {offsets = [2028, 0], sizes = [169, 64], strides = [1, 1]} : vector<2208x64xf32> to vector<169x64xf32>
    %concatenate3A_295 = tpu.concatenate %slice3A_289, %slice3A_290, %slice3A_291, %slice3A_292, %slice3A_293, %slice3A_294 in 0 : vector<169x64xf32>, vector<169x64xf32>, vector<338x64xf32>, vector<169x64xf32>, vector<169x64xf32>, vector<169x64xf32> -> vector<1183x64xf32>
    %max3A = arith.maximumf %concatenate3A_288, %concatenate3A_295 : vector<1183x64xf32>
    %slice3A_296 = vector.extract_strided_slice %max3A {offsets = [0, 0], sizes = [169, 64], strides = [1, 1]} : vector<1183x64xf32> to vector<169x64xf32>
    %dot_general3A_297 = arith.constant dense<0.000000e+00> : vector<91x64xf32>
    %dot_general3A_298 = tpu.matmul %get3A_272, %slice3A_296, %dot_general3A_297 {dimension_numbers = #tpu.dot_dimension_numbers<[1], [0], [0], [1], [0, 0, 1, 1], [], []>, transpose_lhs_hint = false} : vector<91x169xf32>, vector<169x64xf32>, vector<91x64xf32> -> vector<91x64xf32>
    %dot_general3A_299 = arith.constant dense<0.000000e+00> : vector<91x64xf32>
    %dot_general3A_300 = tpu.matmul %get3A_275, %slice3A_296, %dot_general3A_299 {dimension_numbers = #tpu.dot_dimension_numbers<[1], [0], [0], [1], [0, 0, 1, 1], [], []>, transpose_lhs_hint = false} : vector<91x169xf32>, vector<169x64xf32>, vector<91x64xf32> -> vector<91x64xf32>
    %max3A_301 = arith.maximumf %dot_general3A_298, %dot_general3A_300 : vector<91x64xf32>
    %slice3A_302 = vector.extract_strided_slice %max3A {offsets = [169, 0], sizes = [169, 64], strides = [1, 1]} : vector<1183x64xf32> to vector<169x64xf32>
    %dot_general3A_303 = arith.constant dense<0.000000e+00> : vector<91x64xf32>
    %dot_general3A_304 = tpu.matmul %get3A_272, %slice3A_302, %dot_general3A_303 {dimension_numbers = #tpu.dot_dimension_numbers<[1], [0], [0], [1], [0, 0, 1, 1], [], []>, transpose_lhs_hint = false} : vector<91x169xf32>, vector<169x64xf32>, vector<91x64xf32> -> vector<91x64xf32>
    %dot_general3A_305 = arith.constant dense<0.000000e+00> : vector<91x64xf32>
    %dot_general3A_306 = tpu.matmul %get3A_275, %slice3A_302, %dot_general3A_305 {dimension_numbers = #tpu.dot_dimension_numbers<[1], [0], [0], [1], [0, 0, 1, 1], [], []>, transpose_lhs_hint = false} : vector<91x169xf32>, vector<169x64xf32>, vector<91x64xf32> -> vector<91x64xf32>
    %max3A_307 = arith.maximumf %dot_general3A_304, %dot_general3A_306 : vector<91x64xf32>
    %slice3A_308 = vector.extract_strided_slice %max3A {offsets = [338, 0], sizes = [169, 64], strides = [1, 1]} : vector<1183x64xf32> to vector<169x64xf32>
    %dot_general3A_309 = arith.constant dense<0.000000e+00> : vector<91x64xf32>
    %dot_general3A_310 = tpu.matmul %get3A_272, %slice3A_308, %dot_general3A_309 {dimension_numbers = #tpu.dot_dimension_numbers<[1], [0], [0], [1], [0, 0, 1, 1], [], []>, transpose_lhs_hint = false} : vector<91x169xf32>, vector<169x64xf32>, vector<91x64xf32> -> vector<91x64xf32>
    %dot_general3A_311 = arith.constant dense<0.000000e+00> : vector<91x64xf32>
    %dot_general3A_312 = tpu.matmul %get3A_275, %slice3A_308, %dot_general3A_311 {dimension_numbers = #tpu.dot_dimension_numbers<[1], [0], [0], [1], [0, 0, 1, 1], [], []>, transpose_lhs_hint = false} : vector<91x169xf32>, vector<169x64xf32>, vector<91x64xf32> -> vector<91x64xf32>
    %max3A_313 = arith.maximumf %dot_general3A_310, %dot_general3A_312 : vector<91x64xf32>
    %slice3A_314 = vector.extract_strided_slice %max3A {offsets = [507, 0], sizes = [169, 64], strides = [1, 1]} : vector<1183x64xf32> to vector<169x64xf32>
    %dot_general3A_315 = arith.constant dense<0.000000e+00> : vector<91x64xf32>
    %dot_general3A_316 = tpu.matmul %get3A_272, %slice3A_314, %dot_general3A_315 {dimension_numbers = #tpu.dot_dimension_numbers<[1], [0], [0], [1], [0, 0, 1, 1], [], []>, transpose_lhs_hint = false} : vector<91x169xf32>, vector<169x64xf32>, vector<91x64xf32> -> vector<91x64xf32>
    %dot_general3A_317 = arith.constant dense<0.000000e+00> : vector<91x64xf32>
    %dot_general3A_318 = tpu.matmul %get3A_275, %slice3A_314, %dot_general3A_317 {dimension_numbers = #tpu.dot_dimension_numbers<[1], [0], [0], [1], [0, 0, 1, 1], [], []>, transpose_lhs_hint = false} : vector<91x169xf32>, vector<169x64xf32>, vector<91x64xf32> -> vector<91x64xf32>
    %max3A_319 = arith.maximumf %dot_general3A_316, %dot_general3A_318 : vector<91x64xf32>
    %slice3A_320 = vector.extract_strided_slice %max3A {offsets = [676, 0], sizes = [169, 64], strides = [1, 1]} : vector<1183x64xf32> to vector<169x64xf32>
    %dot_general3A_321 = arith.constant dense<0.000000e+00> : vector<91x64xf32>
    %dot_general3A_322 = tpu.matmul %get3A_272, %slice3A_320, %dot_general3A_321 {dimension_numbers = #tpu.dot_dimension_numbers<[1], [0], [0], [1], [0, 0, 1, 1], [], []>, transpose_lhs_hint = false} : vector<91x169xf32>, vector<169x64xf32>, vector<91x64xf32> -> vector<91x64xf32>
    %dot_general3A_323 = arith.constant dense<0.000000e+00> : vector<91x64xf32>
    %dot_general3A_324 = tpu.matmul %get3A_275, %slice3A_320, %dot_general3A_323 {dimension_numbers = #tpu.dot_dimension_numbers<[1], [0], [0], [1], [0, 0, 1, 1], [], []>, transpose_lhs_hint = false} : vector<91x169xf32>, vector<169x64xf32>, vector<91x64xf32> -> vector<91x64xf32>
    %max3A_325 = arith.maximumf %dot_general3A_322, %dot_general3A_324 : vector<91x64xf32>
    %slice3A_326 = vector.extract_strided_slice %max3A {offsets = [845, 0], sizes = [169, 64], strides = [1, 1]} : vector<1183x64xf32> to vector<169x64xf32>
    %dot_general3A_327 = arith.constant dense<0.000000e+00> : vector<91x64xf32>
    %dot_general3A_328 = tpu.matmul %get3A_272, %slice3A_326, %dot_general3A_327 {dimension_numbers = #tpu.dot_dimension_numbers<[1], [0], [0], [1], [0, 0, 1, 1], [], []>, transpose_lhs_hint = false} : vector<91x169xf32>, vector<169x64xf32>, vector<91x64xf32> -> vector<91x64xf32>
    %dot_general3A_329 = arith.constant dense<0.000000e+00> : vector<91x64xf32>
    %dot_general3A_330 = tpu.matmul %get3A_275, %slice3A_326, %dot_general3A_329 {dimension_numbers = #tpu.dot_dimension_numbers<[1], [0], [0], [1], [0, 0, 1, 1], [], []>, transpose_lhs_hint = false} : vector<91x169xf32>, vector<169x64xf32>, vector<91x64xf32> -> vector<91x64xf32>
    %max3A_331 = arith.maximumf %dot_general3A_328, %dot_general3A_330 : vector<91x64xf32>
    %slice3A_332 = vector.extract_strided_slice %max3A {offsets = [1014, 0], sizes = [169, 64], strides = [1, 1]} : vector<1183x64xf32> to vector<169x64xf32>
    %dot_general3A_333 = arith.constant dense<0.000000e+00> : vector<91x64xf32>
    %dot_general3A_334 = tpu.matmul %get3A_272, %slice3A_332, %dot_general3A_333 {dimension_numbers = #tpu.dot_dimension_numbers<[1], [0], [0], [1], [0, 0, 1, 1], [], []>, transpose_lhs_hint = false} : vector<91x169xf32>, vector<169x64xf32>, vector<91x64xf32> -> vector<91x64xf32>
    %dot_general3A_335 = arith.constant dense<0.000000e+00> : vector<91x64xf32>
    %dot_general3A_336 = tpu.matmul %get3A_275, %slice3A_332, %dot_general3A_335 {dimension_numbers = #tpu.dot_dimension_numbers<[1], [0], [0], [1], [0, 0, 1, 1], [], []>, transpose_lhs_hint = false} : vector<91x169xf32>, vector<169x64xf32>, vector<91x64xf32> -> vector<91x64xf32>
    %max3A_337 = arith.maximumf %dot_general3A_334, %dot_general3A_336 : vector<91x64xf32>
    %concatenate3A_338 = tpu.concatenate %max3A_301, %max3A_307, %max3A_313, %max3A_319, %max3A_325, %max3A_331, %max3A_337 in 0 : vector<91x64xf32>, vector<91x64xf32>, vector<91x64xf32>, vector<91x64xf32>, vector<91x64xf32>, vector<91x64xf32>, vector<91x64xf32> -> vector<637x64xf32>
    %slice3A_339 = vector.extract_strided_slice %concatenate3A_338 {offsets = [0, 0], sizes = [91, 64], strides = [1, 1]} : vector<637x64xf32> to vector<91x64xf32>
    %dot_general3A_340 = arith.constant dense<0.000000e+00> : vector<49x64xf32>
    %dot_general3A_341 = tpu.matmul %get3A_278, %slice3A_339, %dot_general3A_340 {dimension_numbers = #tpu.dot_dimension_numbers<[1], [0], [0], [1], [0, 0, 1, 1], [], []>, transpose_lhs_hint = false} : vector<49x91xf32>, vector<91x64xf32>, vector<49x64xf32> -> vector<49x64xf32>
    %dot_general3A_342 = arith.constant dense<0.000000e+00> : vector<49x64xf32>
    %dot_general3A_343 = tpu.matmul %get3A_281, %slice3A_339, %dot_general3A_342 {dimension_numbers = #tpu.dot_dimension_numbers<[1], [0], [0], [1], [0, 0, 1, 1], [], []>, transpose_lhs_hint = false} : vector<49x91xf32>, vector<91x64xf32>, vector<49x64xf32> -> vector<49x64xf32>
    %max3A_344 = arith.maximumf %dot_general3A_341, %dot_general3A_343 : vector<49x64xf32>
    %slice3A_345 = vector.extract_strided_slice %concatenate3A_338 {offsets = [91, 0], sizes = [91, 64], strides = [1, 1]} : vector<637x64xf32> to vector<91x64xf32>
    %dot_general3A_346 = arith.constant dense<0.000000e+00> : vector<49x64xf32>
    %dot_general3A_347 = tpu.matmul %get3A_278, %slice3A_345, %dot_general3A_346 {dimension_numbers = #tpu.dot_dimension_numbers<[1], [0], [0], [1], [0, 0, 1, 1], [], []>, transpose_lhs_hint = false} : vector<49x91xf32>, vector<91x64xf32>, vector<49x64xf32> -> vector<49x64xf32>
    %dot_general3A_348 = arith.constant dense<0.000000e+00> : vector<49x64xf32>
    %dot_general3A_349 = tpu.matmul %get3A_281, %slice3A_345, %dot_general3A_348 {dimension_numbers = #tpu.dot_dimension_numbers<[1], [0], [0], [1], [0, 0, 1, 1], [], []>, transpose_lhs_hint = false} : vector<49x91xf32>, vector<91x64xf32>, vector<49x64xf32> -> vector<49x64xf32>
    %max3A_350 = arith.maximumf %dot_general3A_347, %dot_general3A_349 : vector<49x64xf32>
    %slice3A_351 = vector.extract_strided_slice %concatenate3A_338 {offsets = [182, 0], sizes = [91, 64], strides = [1, 1]} : vector<637x64xf32> to vector<91x64xf32>
    %dot_general3A_352 = arith.constant dense<0.000000e+00> : vector<49x64xf32>
    %dot_general3A_353 = tpu.matmul %get3A_278, %slice3A_351, %dot_general3A_352 {dimension_numbers = #tpu.dot_dimension_numbers<[1], [0], [0], [1], [0, 0, 1, 1], [], []>, transpose_lhs_hint = false} : vector<49x91xf32>, vector<91x64xf32>, vector<49x64xf32> -> vector<49x64xf32>
    %dot_general3A_354 = arith.constant dense<0.000000e+00> : vector<49x64xf32>
    %dot_general3A_355 = tpu.matmul %get3A_281, %slice3A_351, %dot_general3A_354 {dimension_numbers = #tpu.dot_dimension_numbers<[1], [0], [0], [1], [0, 0, 1, 1], [], []>, transpose_lhs_hint = false} : vector<49x91xf32>, vector<91x64xf32>, vector<49x64xf32> -> vector<49x64xf32>
    %max3A_356 = arith.maximumf %dot_general3A_353, %dot_general3A_355 : vector<49x64xf32>
    %slice3A_357 = vector.extract_strided_slice %concatenate3A_338 {offsets = [273, 0], sizes = [91, 64], strides = [1, 1]} : vector<637x64xf32> to vector<91x64xf32>
    %dot_general3A_358 = arith.constant dense<0.000000e+00> : vector<49x64xf32>
    %dot_general3A_359 = tpu.matmul %get3A_278, %slice3A_357, %dot_general3A_358 {dimension_numbers = #tpu.dot_dimension_numbers<[1], [0], [0], [1], [0, 0, 1, 1], [], []>, transpose_lhs_hint = false} : vector<49x91xf32>, vector<91x64xf32>, vector<49x64xf32> -> vector<49x64xf32>
    %dot_general3A_360 = arith.constant dense<0.000000e+00> : vector<49x64xf32>
    %dot_general3A_361 = tpu.matmul %get3A_281, %slice3A_357, %dot_general3A_360 {dimension_numbers = #tpu.dot_dimension_numbers<[1], [0], [0], [1], [0, 0, 1, 1], [], []>, transpose_lhs_hint = false} : vector<49x91xf32>, vector<91x64xf32>, vector<49x64xf32> -> vector<49x64xf32>
    %max3A_362 = arith.maximumf %dot_general3A_359, %dot_general3A_361 : vector<49x64xf32>
    %slice3A_363 = vector.extract_strided_slice %concatenate3A_338 {offsets = [364, 0], sizes = [91, 64], strides = [1, 1]} : vector<637x64xf32> to vector<91x64xf32>
    %dot_general3A_364 = arith.constant dense<0.000000e+00> : vector<49x64xf32>
    %dot_general3A_365 = tpu.matmul %get3A_278, %slice3A_363, %dot_general3A_364 {dimension_numbers = #tpu.dot_dimension_numbers<[1], [0], [0], [1], [0, 0, 1, 1], [], []>, transpose_lhs_hint = false} : vector<49x91xf32>, vector<91x64xf32>, vector<49x64xf32> -> vector<49x64xf32>
    %dot_general3A_366 = arith.constant dense<0.000000e+00> : vector<49x64xf32>
    %dot_general3A_367 = tpu.matmul %get3A_281, %slice3A_363, %dot_general3A_366 {dimension_numbers = #tpu.dot_dimension_numbers<[1], [0], [0], [1], [0, 0, 1, 1], [], []>, transpose_lhs_hint = false} : vector<49x91xf32>, vector<91x64xf32>, vector<49x64xf32> -> vector<49x64xf32>
    %max3A_368 = arith.maximumf %dot_general3A_365, %dot_general3A_367 : vector<49x64xf32>
    %slice3A_369 = vector.extract_strided_slice %concatenate3A_338 {offsets = [455, 0], sizes = [91, 64], strides = [1, 1]} : vector<637x64xf32> to vector<91x64xf32>
    %dot_general3A_370 = arith.constant dense<0.000000e+00> : vector<49x64xf32>
    %dot_general3A_371 = tpu.matmul %get3A_278, %slice3A_369, %dot_general3A_370 {dimension_numbers = #tpu.dot_dimension_numbers<[1], [0], [0], [1], [0, 0, 1, 1], [], []>, transpose_lhs_hint = false} : vector<49x91xf32>, vector<91x64xf32>, vector<49x64xf32> -> vector<49x64xf32>
    %dot_general3A_372 = arith.constant dense<0.000000e+00> : vector<49x64xf32>
    %dot_general3A_373 = tpu.matmul %get3A_281, %slice3A_369, %dot_general3A_372 {dimension_numbers = #tpu.dot_dimension_numbers<[1], [0], [0], [1], [0, 0, 1, 1], [], []>, transpose_lhs_hint = false} : vector<49x91xf32>, vector<91x64xf32>, vector<49x64xf32> -> vector<49x64xf32>
    %max3A_374 = arith.maximumf %dot_general3A_371, %dot_general3A_373 : vector<49x64xf32>
    %slice3A_375 = vector.extract_strided_slice %concatenate3A_338 {offsets = [546, 0], sizes = [91, 64], strides = [1, 1]} : vector<637x64xf32> to vector<91x64xf32>
    %dot_general3A_376 = arith.constant dense<0.000000e+00> : vector<49x64xf32>
    %dot_general3A_377 = tpu.matmul %get3A_278, %slice3A_375, %dot_general3A_376 {dimension_numbers = #tpu.dot_dimension_numbers<[1], [0], [0], [1], [0, 0, 1, 1], [], []>, transpose_lhs_hint = false} : vector<49x91xf32>, vector<91x64xf32>, vector<49x64xf32> -> vector<49x64xf32>
    %dot_general3A_378 = arith.constant dense<0.000000e+00> : vector<49x64xf32>
    %dot_general3A_379 = tpu.matmul %get3A_281, %slice3A_375, %dot_general3A_378 {dimension_numbers = #tpu.dot_dimension_numbers<[1], [0], [0], [1], [0, 0, 1, 1], [], []>, transpose_lhs_hint = false} : vector<49x91xf32>, vector<91x64xf32>, vector<49x64xf32> -> vector<49x64xf32>
    %max3A_380 = arith.maximumf %dot_general3A_377, %dot_general3A_379 : vector<49x64xf32>
    %concatenate3A_381 = tpu.concatenate %max3A_344, %max3A_350, %max3A_356, %max3A_362, %max3A_368, %max3A_374, %max3A_380 in 0 : vector<49x64xf32>, vector<49x64xf32>, vector<49x64xf32>, vector<49x64xf32>, vector<49x64xf32>, vector<49x64xf32>, vector<49x64xf32> -> vector<343x64xf32>
    %get3A_382 = arith.constant 0 : index
    %get3A_383 = arith.constant 0 : index
    %get3A_384 = arith.constant 0 : index
    %get3A_385 = vector.load %arg4[%get3A_382, %get3A_383, %get3A_384] : memref<125x64x64xf32, #tpu.memory_space<vmem>>, vector<125x64x64xf32>
    %get3A_386 = arith.constant 0 : index
    %get3A_387 = arith.constant 0 : index
    %get3A_388 = vector.load %arg5[%get3A_386, %get3A_387] : memref<64x64xf32, #tpu.memory_space<vmem>>, vector<64x64xf32>
    %get3A_389 = arith.constant 0 : index
    %get3A_390 = vector.load %arg6[%get3A_389] : memref<64xf32, #tpu.memory_space<vmem>>, vector<64xf32>
    %get3A_391 = arith.constant 0 : index
    %get3A_392 = arith.constant 0 : index
    %get3A_393 = vector.load %arg16[%get3A_391, %get3A_392] : memref<8918x1xf32, #tpu.memory_space<vmem>>, vector<8918x1xf32>
    %get3A_394 = arith.constant 0 : index
    %get3A_395 = arith.constant 0 : index
    %get3A_396 = vector.load %arg17[%get3A_394, %get3A_395] : memref<343x1xf32, #tpu.memory_space<vmem>>, vector<343x1xf32>
    %slice3A_397 = vector.extract_strided_slice %concatenate3A_381 {offsets = [57, 0], sizes = [286, 64], strides = [1, 1]} : vector<343x64xf32> to vector<286x64xf32>
    %broadcast_in_dim3A_398 = arith.constant 0.000000e+00 : f32
    %broadcast_in_dim3A_399 = vector.broadcast %broadcast_in_dim3A_398 : f32 to vector<57x64xf32>
    %concatenate3A_400 = tpu.concatenate %slice3A_397, %broadcast_in_dim3A_399 in 0 : vector<286x64xf32>, vector<57x64xf32> -> vector<343x64xf32>
    %slice3A_401 = vector.extract_strided_slice %get3A_393 {offsets = [0, 0], sizes = [343, 1], strides = [1, 1]} : vector<8918x1xf32> to vector<343x1xf32>
    %mul3A_402 = vector.broadcast %slice3A_401 : vector<343x1xf32> to vector<343x64xf32>
    %mul3A_403 = arith.mulf %concatenate3A_400, %mul3A_402 : vector<343x64xf32>
    %slice3A_404 = vector.extract_strided_slice %get3A_385 {offsets = [0, 0, 0], sizes = [1, 64, 64], strides = [1, 1, 1]} : vector<125x64x64xf32> to vector<1x64x64xf32>
    %squeeze3A_405 = vector.shape_cast %slice3A_404 : vector<1x64x64xf32> to vector<64x64xf32>
    %dot_general3A_406 = arith.constant dense<0.000000e+00> : vector<343x64xf32>
    %dot_general3A_407 = tpu.matmul %mul3A_403, %squeeze3A_405, %dot_general3A_406 {dimension_numbers = #tpu.dot_dimension_numbers<[1], [0], [0], [1], [0, 0, 1, 1], [], []>, transpose_lhs_hint = false} : vector<343x64xf32>, vector<64x64xf32>, vector<343x64xf32> -> vector<343x64xf32>
    %slice3A_408 = vector.extract_strided_slice %concatenate3A_381 {offsets = [56, 0], sizes = [287, 64], strides = [1, 1]} : vector<343x64xf32> to vector<287x64xf32>
    %broadcast_in_dim3A_409 = arith.constant 0.000000e+00 : f32
    %broadcast_in_dim3A_410 = vector.broadcast %broadcast_in_dim3A_409 : f32 to vector<56x64xf32>
    %concatenate3A_411 = tpu.concatenate %slice3A_408, %broadcast_in_dim3A_410 in 0 : vector<287x64xf32>, vector<56x64xf32> -> vector<343x64xf32>
    %slice3A_412 = vector.extract_strided_slice %get3A_393 {offsets = [343, 0], sizes = [343, 1], strides = [1, 1]} : vector<8918x1xf32> to vector<343x1xf32>
    %mul3A_413 = vector.broadcast %slice3A_412 : vector<343x1xf32> to vector<343x64xf32>
    %mul3A_414 = arith.mulf %concatenate3A_411, %mul3A_413 : vector<343x64xf32>
    %slice3A_415 = vector.extract_strided_slice %get3A_385 {offsets = [2, 0, 0], sizes = [1, 64, 64], strides = [1, 1, 1]} : vector<125x64x64xf32> to vector<1x64x64xf32>
    %squeeze3A_416 = vector.shape_cast %slice3A_415 : vector<1x64x64xf32> to vector<64x64xf32>
    %dot_general3A_417 = arith.constant dense<0.000000e+00> : vector<343x64xf32>
    %dot_general3A_418 = tpu.matmul %mul3A_414, %squeeze3A_416, %dot_general3A_417 {dimension_numbers = #tpu.dot_dimension_numbers<[1], [0], [0], [1], [0, 0, 1, 1], [], []>, transpose_lhs_hint = false} : vector<343x64xf32>, vector<64x64xf32>, vector<343x64xf32> -> vector<343x64xf32>
    %add3A_419 = arith.addf %dot_general3A_407, %dot_general3A_418 : vector<343x64xf32>
    %slice3A_420 = vector.extract_strided_slice %concatenate3A_381 {offsets = [55, 0], sizes = [288, 64], strides = [1, 1]} : vector<343x64xf32> to vector<288x64xf32>
    %broadcast_in_dim3A_421 = arith.constant 0.000000e+00 : f32
    %broadcast_in_dim3A_422 = vector.broadcast %broadcast_in_dim3A_421 : f32 to vector<55x64xf32>
    %concatenate3A_423 = tpu.concatenate %slice3A_420, %broadcast_in_dim3A_422 in 0 : vector<288x64xf32>, vector<55x64xf32> -> vector<343x64xf32>
    %slice3A_424 = vector.extract_strided_slice %get3A_393 {offsets = [686, 0], sizes = [343, 1], strides = [1, 1]} : vector<8918x1xf32> to vector<343x1xf32>
    %mul3A_425 = vector.broadcast %slice3A_424 : vector<343x1xf32> to vector<343x64xf32>
    %mul3A_426 = arith.mulf %concatenate3A_423, %mul3A_425 : vector<343x64xf32>
    %slice3A_427 = vector.extract_strided_slice %get3A_385 {offsets = [4, 0, 0], sizes = [1, 64, 64], strides = [1, 1, 1]} : vector<125x64x64xf32> to vector<1x64x64xf32>
    %squeeze3A_428 = vector.shape_cast %slice3A_427 : vector<1x64x64xf32> to vector<64x64xf32>
    %dot_general3A_429 = arith.constant dense<0.000000e+00> : vector<343x64xf32>
    %dot_general3A_430 = tpu.matmul %mul3A_426, %squeeze3A_428, %dot_general3A_429 {dimension_numbers = #tpu.dot_dimension_numbers<[1], [0], [0], [1], [0, 0, 1, 1], [], []>, transpose_lhs_hint = false} : vector<343x64xf32>, vector<64x64xf32>, vector<343x64xf32> -> vector<343x64xf32>
    %add3A_431 = arith.addf %add3A_419, %dot_general3A_430 : vector<343x64xf32>
    %slice3A_432 = vector.extract_strided_slice %concatenate3A_381 {offsets = [50, 0], sizes = [293, 64], strides = [1, 1]} : vector<343x64xf32> to vector<293x64xf32>
    %broadcast_in_dim3A_433 = arith.constant 0.000000e+00 : f32
    %broadcast_in_dim3A_434 = vector.broadcast %broadcast_in_dim3A_433 : f32 to vector<50x64xf32>
    %concatenate3A_435 = tpu.concatenate %slice3A_432, %broadcast_in_dim3A_434 in 0 : vector<293x64xf32>, vector<50x64xf32> -> vector<343x64xf32>
    %slice3A_436 = vector.extract_strided_slice %get3A_393 {offsets = [1029, 0], sizes = [343, 1], strides = [1, 1]} : vector<8918x1xf32> to vector<343x1xf32>
    %mul3A_437 = vector.broadcast %slice3A_436 : vector<343x1xf32> to vector<343x64xf32>
    %mul3A_438 = arith.mulf %concatenate3A_435, %mul3A_437 : vector<343x64xf32>
    %slice3A_439 = vector.extract_strided_slice %get3A_385 {offsets = [10, 0, 0], sizes = [1, 64, 64], strides = [1, 1, 1]} : vector<125x64x64xf32> to vector<1x64x64xf32>
    %squeeze3A_440 = vector.shape_cast %slice3A_439 : vector<1x64x64xf32> to vector<64x64xf32>
    %dot_general3A_441 = arith.constant dense<0.000000e+00> : vector<343x64xf32>
    %dot_general3A_442 = tpu.matmul %mul3A_438, %squeeze3A_440, %dot_general3A_441 {dimension_numbers = #tpu.dot_dimension_numbers<[1], [0], [0], [1], [0, 0, 1, 1], [], []>, transpose_lhs_hint = false} : vector<343x64xf32>, vector<64x64xf32>, vector<343x64xf32> -> vector<343x64xf32>
    %add3A_443 = arith.addf %add3A_431, %dot_general3A_442 : vector<343x64xf32>
    %slice3A_444 = vector.extract_strided_slice %concatenate3A_381 {offsets = [49, 0], sizes = [294, 64], strides = [1, 1]} : vector<343x64xf32> to vector<294x64xf32>
    %broadcast_in_dim3A_445 = arith.constant 0.000000e+00 : f32
    %broadcast_in_dim3A_446 = vector.broadcast %broadcast_in_dim3A_445 : f32 to vector<49x64xf32>
    %concatenate3A_447 = tpu.concatenate %slice3A_444, %broadcast_in_dim3A_446 in 0 : vector<294x64xf32>, vector<49x64xf32> -> vector<343x64xf32>
    %slice3A_448 = vector.extract_strided_slice %get3A_393 {offsets = [1372, 0], sizes = [343, 1], strides = [1, 1]} : vector<8918x1xf32> to vector<343x1xf32>
    %mul3A_449 = vector.broadcast %slice3A_448 : vector<343x1xf32> to vector<343x64xf32>
    %mul3A_450 = arith.mulf %concatenate3A_447, %mul3A_449 : vector<343x64xf32>
    %slice3A_451 = vector.extract_strided_slice %get3A_385 {offsets = [12, 0, 0], sizes = [1, 64, 64], strides = [1, 1, 1]} : vector<125x64x64xf32> to vector<1x64x64xf32>
    %squeeze3A_452 = vector.shape_cast %slice3A_451 : vector<1x64x64xf32> to vector<64x64xf32>
    %dot_general3A_453 = arith.constant dense<0.000000e+00> : vector<343x64xf32>
    %dot_general3A_454 = tpu.matmul %mul3A_450, %squeeze3A_452, %dot_general3A_453 {dimension_numbers = #tpu.dot_dimension_numbers<[1], [0], [0], [1], [0, 0, 1, 1], [], []>, transpose_lhs_hint = false} : vector<343x64xf32>, vector<64x64xf32>, vector<343x64xf32> -> vector<343x64xf32>
    %add3A_455 = arith.addf %add3A_443, %dot_general3A_454 : vector<343x64xf32>
    %slice3A_456 = vector.extract_strided_slice %concatenate3A_381 {offsets = [48, 0], sizes = [295, 64], strides = [1, 1]} : vector<343x64xf32> to vector<295x64xf32>
    %broadcast_in_dim3A_457 = arith.constant 0.000000e+00 : f32
    %broadcast_in_dim3A_458 = vector.broadcast %broadcast_in_dim3A_457 : f32 to vector<48x64xf32>
    %concatenate3A_459 = tpu.concatenate %slice3A_456, %broadcast_in_dim3A_458 in 0 : vector<295x64xf32>, vector<48x64xf32> -> vector<343x64xf32>
    %slice3A_460 = vector.extract_strided_slice %get3A_393 {offsets = [1715, 0], sizes = [343, 1], strides = [1, 1]} : vector<8918x1xf32> to vector<343x1xf32>
    %mul3A_461 = vector.broadcast %slice3A_460 : vector<343x1xf32> to vector<343x64xf32>
    %mul3A_462 = arith.mulf %concatenate3A_459, %mul3A_461 : vector<343x64xf32>
    %slice3A_463 = vector.extract_strided_slice %get3A_385 {offsets = [14, 0, 0], sizes = [1, 64, 64], strides = [1, 1, 1]} : vector<125x64x64xf32> to vector<1x64x64xf32>
    %squeeze3A_464 = vector.shape_cast %slice3A_463 : vector<1x64x64xf32> to vector<64x64xf32>
    %dot_general3A_465 = arith.constant dense<0.000000e+00> : vector<343x64xf32>
    %dot_general3A_466 = tpu.matmul %mul3A_462, %squeeze3A_464, %dot_general3A_465 {dimension_numbers = #tpu.dot_dimension_numbers<[1], [0], [0], [1], [0, 0, 1, 1], [], []>, transpose_lhs_hint = false} : vector<343x64xf32>, vector<64x64xf32>, vector<343x64xf32> -> vector<343x64xf32>
    %add3A_467 = arith.addf %add3A_455, %dot_general3A_466 : vector<343x64xf32>
    %slice3A_468 = vector.extract_strided_slice %concatenate3A_381 {offsets = [43, 0], sizes = [300, 64], strides = [1, 1]} : vector<343x64xf32> to vector<300x64xf32>
    %broadcast_in_dim3A_469 = arith.constant 0.000000e+00 : f32
    %broadcast_in_dim3A_470 = vector.broadcast %broadcast_in_dim3A_469 : f32 to vector<43x64xf32>
    %concatenate3A_471 = tpu.concatenate %slice3A_468, %broadcast_in_dim3A_470 in 0 : vector<300x64xf32>, vector<43x64xf32> -> vector<343x64xf32>
    %slice3A_472 = vector.extract_strided_slice %get3A_393 {offsets = [2058, 0], sizes = [343, 1], strides = [1, 1]} : vector<8918x1xf32> to vector<343x1xf32>
    %mul3A_473 = vector.broadcast %slice3A_472 : vector<343x1xf32> to vector<343x64xf32>
    %mul3A_474 = arith.mulf %concatenate3A_471, %mul3A_473 : vector<343x64xf32>
    %slice3A_475 = vector.extract_strided_slice %get3A_385 {offsets = [20, 0, 0], sizes = [1, 64, 64], strides = [1, 1, 1]} : vector<125x64x64xf32> to vector<1x64x64xf32>
    %squeeze3A_476 = vector.shape_cast %slice3A_475 : vector<1x64x64xf32> to vector<64x64xf32>
    %dot_general3A_477 = arith.constant dense<0.000000e+00> : vector<343x64xf32>
    %dot_general3A_478 = tpu.matmul %mul3A_474, %squeeze3A_476, %dot_general3A_477 {dimension_numbers = #tpu.dot_dimension_numbers<[1], [0], [0], [1], [0, 0, 1, 1], [], []>, transpose_lhs_hint = false} : vector<343x64xf32>, vector<64x64xf32>, vector<343x64xf32> -> vector<343x64xf32>
    %add3A_479 = arith.addf %add3A_467, %dot_general3A_478 : vector<343x64xf32>
    %slice3A_480 = vector.extract_strided_slice %concatenate3A_381 {offsets = [42, 0], sizes = [301, 64], strides = [1, 1]} : vector<343x64xf32> to vector<301x64xf32>
    %broadcast_in_dim3A_481 = arith.constant 0.000000e+00 : f32
    %broadcast_in_dim3A_482 = vector.broadcast %broadcast_in_dim3A_481 : f32 to vector<42x64xf32>
    %concatenate3A_483 = tpu.concatenate %slice3A_480, %broadcast_in_dim3A_482 in 0 : vector<301x64xf32>, vector<42x64xf32> -> vector<343x64xf32>
    %slice3A_484 = vector.extract_strided_slice %get3A_393 {offsets = [2401, 0], sizes = [343, 1], strides = [1, 1]} : vector<8918x1xf32> to vector<343x1xf32>
    %mul3A_485 = vector.broadcast %slice3A_484 : vector<343x1xf32> to vector<343x64xf32>
    %mul3A_486 = arith.mulf %concatenate3A_483, %mul3A_485 : vector<343x64xf32>
    %slice3A_487 = vector.extract_strided_slice %get3A_385 {offsets = [22, 0, 0], sizes = [1, 64, 64], strides = [1, 1, 1]} : vector<125x64x64xf32> to vector<1x64x64xf32>
    %squeeze3A_488 = vector.shape_cast %slice3A_487 : vector<1x64x64xf32> to vector<64x64xf32>
    %dot_general3A_489 = arith.constant dense<0.000000e+00> : vector<343x64xf32>
    %dot_general3A_490 = tpu.matmul %mul3A_486, %squeeze3A_488, %dot_general3A_489 {dimension_numbers = #tpu.dot_dimension_numbers<[1], [0], [0], [1], [0, 0, 1, 1], [], []>, transpose_lhs_hint = false} : vector<343x64xf32>, vector<64x64xf32>, vector<343x64xf32> -> vector<343x64xf32>
    %add3A_491 = arith.addf %add3A_479, %dot_general3A_490 : vector<343x64xf32>
    %slice3A_492 = vector.extract_strided_slice %concatenate3A_381 {offsets = [41, 0], sizes = [302, 64], strides = [1, 1]} : vector<343x64xf32> to vector<302x64xf32>
    %broadcast_in_dim3A_493 = arith.constant 0.000000e+00 : f32
    %broadcast_in_dim3A_494 = vector.broadcast %broadcast_in_dim3A_493 : f32 to vector<41x64xf32>
    %concatenate3A_495 = tpu.concatenate %slice3A_492, %broadcast_in_dim3A_494 in 0 : vector<302x64xf32>, vector<41x64xf32> -> vector<343x64xf32>
    %slice3A_496 = vector.extract_strided_slice %get3A_393 {offsets = [2744, 0], sizes = [343, 1], strides = [1, 1]} : vector<8918x1xf32> to vector<343x1xf32>
    %mul3A_497 = vector.broadcast %slice3A_496 : vector<343x1xf32> to vector<343x64xf32>
    %mul3A_498 = arith.mulf %concatenate3A_495, %mul3A_497 : vector<343x64xf32>
    %slice3A_499 = vector.extract_strided_slice %get3A_385 {offsets = [24, 0, 0], sizes = [1, 64, 64], strides = [1, 1, 1]} : vector<125x64x64xf32> to vector<1x64x64xf32>
    %squeeze3A_500 = vector.shape_cast %slice3A_499 : vector<1x64x64xf32> to vector<64x64xf32>
    %dot_general3A_501 = arith.constant dense<0.000000e+00> : vector<343x64xf32>
    %dot_general3A_502 = tpu.matmul %mul3A_498, %squeeze3A_500, %dot_general3A_501 {dimension_numbers = #tpu.dot_dimension_numbers<[1], [0], [0], [1], [0, 0, 1, 1], [], []>, transpose_lhs_hint = false} : vector<343x64xf32>, vector<64x64xf32>, vector<343x64xf32> -> vector<343x64xf32>
    %add3A_503 = arith.addf %add3A_491, %dot_general3A_502 : vector<343x64xf32>
    %slice3A_504 = vector.extract_strided_slice %concatenate3A_381 {offsets = [8, 0], sizes = [335, 64], strides = [1, 1]} : vector<343x64xf32> to vector<335x64xf32>
    %broadcast_in_dim3A_505 = arith.constant 0.000000e+00 : f32
    %broadcast_in_dim3A_506 = vector.broadcast %broadcast_in_dim3A_505 : f32 to vector<8x64xf32>
    %concatenate3A_507 = tpu.concatenate %slice3A_504, %broadcast_in_dim3A_506 in 0 : vector<335x64xf32>, vector<8x64xf32> -> vector<343x64xf32>
    %slice3A_508 = vector.extract_strided_slice %get3A_393 {offsets = [3087, 0], sizes = [343, 1], strides = [1, 1]} : vector<8918x1xf32> to vector<343x1xf32>
    %mul3A_509 = vector.broadcast %slice3A_508 : vector<343x1xf32> to vector<343x64xf32>
    %mul3A_510 = arith.mulf %concatenate3A_507, %mul3A_509 : vector<343x64xf32>
    %slice3A_511 = vector.extract_strided_slice %get3A_385 {offsets = [50, 0, 0], sizes = [1, 64, 64], strides = [1, 1, 1]} : vector<125x64x64xf32> to vector<1x64x64xf32>
    %squeeze3A_512 = vector.shape_cast %slice3A_511 : vector<1x64x64xf32> to vector<64x64xf32>
    %dot_general3A_513 = arith.constant dense<0.000000e+00> : vector<343x64xf32>
    %dot_general3A_514 = tpu.matmul %mul3A_510, %squeeze3A_512, %dot_general3A_513 {dimension_numbers = #tpu.dot_dimension_numbers<[1], [0], [0], [1], [0, 0, 1, 1], [], []>, transpose_lhs_hint = false} : vector<343x64xf32>, vector<64x64xf32>, vector<343x64xf32> -> vector<343x64xf32>
    %add3A_515 = arith.addf %add3A_503, %dot_general3A_514 : vector<343x64xf32>
    %slice3A_516 = vector.extract_strided_slice %concatenate3A_381 {offsets = [7, 0], sizes = [336, 64], strides = [1, 1]} : vector<343x64xf32> to vector<336x64xf32>
    %broadcast_in_dim3A_517 = arith.constant 0.000000e+00 : f32
    %broadcast_in_dim3A_518 = vector.broadcast %broadcast_in_dim3A_517 : f32 to vector<7x64xf32>
    %concatenate3A_519 = tpu.concatenate %slice3A_516, %broadcast_in_dim3A_518 in 0 : vector<336x64xf32>, vector<7x64xf32> -> vector<343x64xf32>
    %slice3A_520 = vector.extract_strided_slice %get3A_393 {offsets = [3430, 0], sizes = [343, 1], strides = [1, 1]} : vector<8918x1xf32> to vector<343x1xf32>
    %mul3A_521 = vector.broadcast %slice3A_520 : vector<343x1xf32> to vector<343x64xf32>
    %mul3A_522 = arith.mulf %concatenate3A_519, %mul3A_521 : vector<343x64xf32>
    %slice3A_523 = vector.extract_strided_slice %get3A_385 {offsets = [52, 0, 0], sizes = [1, 64, 64], strides = [1, 1, 1]} : vector<125x64x64xf32> to vector<1x64x64xf32>
    %squeeze3A_524 = vector.shape_cast %slice3A_523 : vector<1x64x64xf32> to vector<64x64xf32>
    %dot_general3A_525 = arith.constant dense<0.000000e+00> : vector<343x64xf32>
    %dot_general3A_526 = tpu.matmul %mul3A_522, %squeeze3A_524, %dot_general3A_525 {dimension_numbers = #tpu.dot_dimension_numbers<[1], [0], [0], [1], [0, 0, 1, 1], [], []>, transpose_lhs_hint = false} : vector<343x64xf32>, vector<64x64xf32>, vector<343x64xf32> -> vector<343x64xf32>
    %add3A_527 = arith.addf %add3A_515, %dot_general3A_526 : vector<343x64xf32>
    %slice3A_528 = vector.extract_strided_slice %concatenate3A_381 {offsets = [6, 0], sizes = [337, 64], strides = [1, 1]} : vector<343x64xf32> to vector<337x64xf32>
    %broadcast_in_dim3A_529 = arith.constant 0.000000e+00 : f32
    %broadcast_in_dim3A_530 = vector.broadcast %broadcast_in_dim3A_529 : f32 to vector<6x64xf32>
    %concatenate3A_531 = tpu.concatenate %slice3A_528, %broadcast_in_dim3A_530 in 0 : vector<337x64xf32>, vector<6x64xf32> -> vector<343x64xf32>
    %slice3A_532 = vector.extract_strided_slice %get3A_393 {offsets = [3773, 0], sizes = [343, 1], strides = [1, 1]} : vector<8918x1xf32> to vector<343x1xf32>
    %mul3A_533 = vector.broadcast %slice3A_532 : vector<343x1xf32> to vector<343x64xf32>
    %mul3A_534 = arith.mulf %concatenate3A_531, %mul3A_533 : vector<343x64xf32>
    %slice3A_535 = vector.extract_strided_slice %get3A_385 {offsets = [54, 0, 0], sizes = [1, 64, 64], strides = [1, 1, 1]} : vector<125x64x64xf32> to vector<1x64x64xf32>
    %squeeze3A_536 = vector.shape_cast %slice3A_535 : vector<1x64x64xf32> to vector<64x64xf32>
    %dot_general3A_537 = arith.constant dense<0.000000e+00> : vector<343x64xf32>
    %dot_general3A_538 = tpu.matmul %mul3A_534, %squeeze3A_536, %dot_general3A_537 {dimension_numbers = #tpu.dot_dimension_numbers<[1], [0], [0], [1], [0, 0, 1, 1], [], []>, transpose_lhs_hint = false} : vector<343x64xf32>, vector<64x64xf32>, vector<343x64xf32> -> vector<343x64xf32>
    %add3A_539 = arith.addf %add3A_527, %dot_general3A_538 : vector<343x64xf32>
    %slice3A_540 = vector.extract_strided_slice %concatenate3A_381 {offsets = [1, 0], sizes = [342, 64], strides = [1, 1]} : vector<343x64xf32> to vector<342x64xf32>
    %broadcast_in_dim3A_541 = arith.constant 0.000000e+00 : f32
    %broadcast_in_dim3A_542 = vector.broadcast %broadcast_in_dim3A_541 : f32 to vector<1x64xf32>
    %concatenate3A_543 = tpu.concatenate %slice3A_540, %broadcast_in_dim3A_542 in 0 : vector<342x64xf32>, vector<1x64xf32> -> vector<343x64xf32>
    %slice3A_544 = vector.extract_strided_slice %get3A_393 {offsets = [4116, 0], sizes = [343, 1], strides = [1, 1]} : vector<8918x1xf32> to vector<343x1xf32>
    %mul3A_545 = vector.broadcast %slice3A_544 : vector<343x1xf32> to vector<343x64xf32>
    %mul3A_546 = arith.mulf %concatenate3A_543, %mul3A_545 : vector<343x64xf32>
    %slice3A_547 = vector.extract_strided_slice %get3A_385 {offsets = [60, 0, 0], sizes = [1, 64, 64], strides = [1, 1, 1]} : vector<125x64x64xf32> to vector<1x64x64xf32>
    %squeeze3A_548 = vector.shape_cast %slice3A_547 : vector<1x64x64xf32> to vector<64x64xf32>
    %dot_general3A_549 = arith.constant dense<0.000000e+00> : vector<343x64xf32>
    %dot_general3A_550 = tpu.matmul %mul3A_546, %squeeze3A_548, %dot_general3A_549 {dimension_numbers = #tpu.dot_dimension_numbers<[1], [0], [0], [1], [0, 0, 1, 1], [], []>, transpose_lhs_hint = false} : vector<343x64xf32>, vector<64x64xf32>, vector<343x64xf32> -> vector<343x64xf32>
    %add3A_551 = arith.addf %add3A_539, %dot_general3A_550 : vector<343x64xf32>
    %broadcast_in_dim3A_552 = arith.constant 0.000000e+00 : f32
    %broadcast_in_dim3A_553 = vector.broadcast %broadcast_in_dim3A_552 : f32 to vector<1x64xf32>
    %slice3A_554 = vector.extract_strided_slice %concatenate3A_381 {offsets = [0, 0], sizes = [342, 64], strides = [1, 1]} : vector<343x64xf32> to vector<342x64xf32>
    %concatenate3A_555 = tpu.concatenate %broadcast_in_dim3A_553, %slice3A_554 in 0 : vector<1x64xf32>, vector<342x64xf32> -> vector<343x64xf32>
    %slice3A_556 = vector.extract_strided_slice %get3A_393 {offsets = [4459, 0], sizes = [343, 1], strides = [1, 1]} : vector<8918x1xf32> to vector<343x1xf32>
    %mul3A_557 = vector.broadcast %slice3A_556 : vector<343x1xf32> to vector<343x64xf32>
    %mul3A_558 = arith.mulf %concatenate3A_555, %mul3A_557 : vector<343x64xf32>
    %slice3A_559 = vector.extract_strided_slice %get3A_385 {offsets = [64, 0, 0], sizes = [1, 64, 64], strides = [1, 1, 1]} : vector<125x64x64xf32> to vector<1x64x64xf32>
    %squeeze3A_560 = vector.shape_cast %slice3A_559 : vector<1x64x64xf32> to vector<64x64xf32>
    %dot_general3A_561 = arith.constant dense<0.000000e+00> : vector<343x64xf32>
    %dot_general3A_562 = tpu.matmul %mul3A_558, %squeeze3A_560, %dot_general3A_561 {dimension_numbers = #tpu.dot_dimension_numbers<[1], [0], [0], [1], [0, 0, 1, 1], [], []>, transpose_lhs_hint = false} : vector<343x64xf32>, vector<64x64xf32>, vector<343x64xf32> -> vector<343x64xf32>
    %add3A_563 = arith.addf %add3A_551, %dot_general3A_562 : vector<343x64xf32>
    %broadcast_in_dim3A_564 = arith.constant 0.000000e+00 : f32
    %broadcast_in_dim3A_565 = vector.broadcast %broadcast_in_dim3A_564 : f32 to vector<6x64xf32>
    %slice3A_566 = vector.extract_strided_slice %concatenate3A_381 {offsets = [0, 0], sizes = [337, 64], strides = [1, 1]} : vector<343x64xf32> to vector<337x64xf32>
    %concatenate3A_567 = tpu.concatenate %broadcast_in_dim3A_565, %slice3A_566 in 0 : vector<6x64xf32>, vector<337x64xf32> -> vector<343x64xf32>
    %slice3A_568 = vector.extract_strided_slice %get3A_393 {offsets = [4802, 0], sizes = [343, 1], strides = [1, 1]} : vector<8918x1xf32> to vector<343x1xf32>
    %mul3A_569 = vector.broadcast %slice3A_568 : vector<343x1xf32> to vector<343x64xf32>
    %mul3A_570 = arith.mulf %concatenate3A_567, %mul3A_569 : vector<343x64xf32>
    %slice3A_571 = vector.extract_strided_slice %get3A_385 {offsets = [70, 0, 0], sizes = [1, 64, 64], strides = [1, 1, 1]} : vector<125x64x64xf32> to vector<1x64x64xf32>
    %squeeze3A_572 = vector.shape_cast %slice3A_571 : vector<1x64x64xf32> to vector<64x64xf32>
    %dot_general3A_573 = arith.constant dense<0.000000e+00> : vector<343x64xf32>
    %dot_general3A_574 = tpu.matmul %mul3A_570, %squeeze3A_572, %dot_general3A_573 {dimension_numbers = #tpu.dot_dimension_numbers<[1], [0], [0], [1], [0, 0, 1, 1], [], []>, transpose_lhs_hint = false} : vector<343x64xf32>, vector<64x64xf32>, vector<343x64xf32> -> vector<343x64xf32>
    %add3A_575 = arith.addf %add3A_563, %dot_general3A_574 : vector<343x64xf32>
    %broadcast_in_dim3A_576 = arith.constant 0.000000e+00 : f32
    %broadcast_in_dim3A_577 = vector.broadcast %broadcast_in_dim3A_576 : f32 to vector<7x64xf32>
    %slice3A_578 = vector.extract_strided_slice %concatenate3A_381 {offsets = [0, 0], sizes = [336, 64], strides = [1, 1]} : vector<343x64xf32> to vector<336x64xf32>
    %concatenate3A_579 = tpu.concatenate %broadcast_in_dim3A_577, %slice3A_578 in 0 : vector<7x64xf32>, vector<336x64xf32> -> vector<343x64xf32>
    %slice3A_580 = vector.extract_strided_slice %get3A_393 {offsets = [5145, 0], sizes = [343, 1], strides = [1, 1]} : vector<8918x1xf32> to vector<343x1xf32>
    %mul3A_581 = vector.broadcast %slice3A_580 : vector<343x1xf32> to vector<343x64xf32>
    %mul3A_582 = arith.mulf %concatenate3A_579, %mul3A_581 : vector<343x64xf32>
    %slice3A_583 = vector.extract_strided_slice %get3A_385 {offsets = [72, 0, 0], sizes = [1, 64, 64], strides = [1, 1, 1]} : vector<125x64x64xf32> to vector<1x64x64xf32>
    %squeeze3A_584 = vector.shape_cast %slice3A_583 : vector<1x64x64xf32> to vector<64x64xf32>
    %dot_general3A_585 = arith.constant dense<0.000000e+00> : vector<343x64xf32>
    %dot_general3A_586 = tpu.matmul %mul3A_582, %squeeze3A_584, %dot_general3A_585 {dimension_numbers = #tpu.dot_dimension_numbers<[1], [0], [0], [1], [0, 0, 1, 1], [], []>, transpose_lhs_hint = false} : vector<343x64xf32>, vector<64x64xf32>, vector<343x64xf32> -> vector<343x64xf32>
    %add3A_587 = arith.addf %add3A_575, %dot_general3A_586 : vector<343x64xf32>
    %broadcast_in_dim3A_588 = arith.constant 0.000000e+00 : f32
    %broadcast_in_dim3A_589 = vector.broadcast %broadcast_in_dim3A_588 : f32 to vector<8x64xf32>
    %slice3A_590 = vector.extract_strided_slice %concatenate3A_381 {offsets = [0, 0], sizes = [335, 64], strides = [1, 1]} : vector<343x64xf32> to vector<335x64xf32>
    %concatenate3A_591 = tpu.concatenate %broadcast_in_dim3A_589, %slice3A_590 in 0 : vector<8x64xf32>, vector<335x64xf32> -> vector<343x64xf32>
    %slice3A_592 = vector.extract_strided_slice %get3A_393 {offsets = [5488, 0], sizes = [343, 1], strides = [1, 1]} : vector<8918x1xf32> to vector<343x1xf32>
    %mul3A_593 = vector.broadcast %slice3A_592 : vector<343x1xf32> to vector<343x64xf32>
    %mul3A_594 = arith.mulf %concatenate3A_591, %mul3A_593 : vector<343x64xf32>
    %slice3A_595 = vector.extract_strided_slice %get3A_385 {offsets = [74, 0, 0], sizes = [1, 64, 64], strides = [1, 1, 1]} : vector<125x64x64xf32> to vector<1x64x64xf32>
    %squeeze3A_596 = vector.shape_cast %slice3A_595 : vector<1x64x64xf32> to vector<64x64xf32>
    %dot_general3A_597 = arith.constant dense<0.000000e+00> : vector<343x64xf32>
    %dot_general3A_598 = tpu.matmul %mul3A_594, %squeeze3A_596, %dot_general3A_597 {dimension_numbers = #tpu.dot_dimension_numbers<[1], [0], [0], [1], [0, 0, 1, 1], [], []>, transpose_lhs_hint = false} : vector<343x64xf32>, vector<64x64xf32>, vector<343x64xf32> -> vector<343x64xf32>
    %add3A_599 = arith.addf %add3A_587, %dot_general3A_598 : vector<343x64xf32>
    %broadcast_in_dim3A_600 = arith.constant 0.000000e+00 : f32
    %broadcast_in_dim3A_601 = vector.broadcast %broadcast_in_dim3A_600 : f32 to vector<41x64xf32>
    %slice3A_602 = vector.extract_strided_slice %concatenate3A_381 {offsets = [0, 0], sizes = [302, 64], strides = [1, 1]} : vector<343x64xf32> to vector<302x64xf32>
    %concatenate3A_603 = tpu.concatenate %broadcast_in_dim3A_601, %slice3A_602 in 0 : vector<41x64xf32>, vector<302x64xf32> -> vector<343x64xf32>
    %slice3A_604 = vector.extract_strided_slice %get3A_393 {offsets = [5831, 0], sizes = [343, 1], strides = [1, 1]} : vector<8918x1xf32> to vector<343x1xf32>
    %mul3A_605 = vector.broadcast %slice3A_604 : vector<343x1xf32> to vector<343x64xf32>
    %mul3A_606 = arith.mulf %concatenate3A_603, %mul3A_605 : vector<343x64xf32>
    %slice3A_607 = vector.extract_strided_slice %get3A_385 {offsets = [100, 0, 0], sizes = [1, 64, 64], strides = [1, 1, 1]} : vector<125x64x64xf32> to vector<1x64x64xf32>
    %squeeze3A_608 = vector.shape_cast %slice3A_607 : vector<1x64x64xf32> to vector<64x64xf32>
    %dot_general3A_609 = arith.constant dense<0.000000e+00> : vector<343x64xf32>
    %dot_general3A_610 = tpu.matmul %mul3A_606, %squeeze3A_608, %dot_general3A_609 {dimension_numbers = #tpu.dot_dimension_numbers<[1], [0], [0], [1], [0, 0, 1, 1], [], []>, transpose_lhs_hint = false} : vector<343x64xf32>, vector<64x64xf32>, vector<343x64xf32> -> vector<343x64xf32>
    %add3A_611 = arith.addf %add3A_599, %dot_general3A_610 : vector<343x64xf32>
    %broadcast_in_dim3A_612 = arith.constant 0.000000e+00 : f32
    %broadcast_in_dim3A_613 = vector.broadcast %broadcast_in_dim3A_612 : f32 to vector<42x64xf32>
    %slice3A_614 = vector.extract_strided_slice %concatenate3A_381 {offsets = [0, 0], sizes = [301, 64], strides = [1, 1]} : vector<343x64xf32> to vector<301x64xf32>
    %concatenate3A_615 = tpu.concatenate %broadcast_in_dim3A_613, %slice3A_614 in 0 : vector<42x64xf32>, vector<301x64xf32> -> vector<343x64xf32>
    %slice3A_616 = vector.extract_strided_slice %get3A_393 {offsets = [6174, 0], sizes = [343, 1], strides = [1, 1]} : vector<8918x1xf32> to vector<343x1xf32>
    %mul3A_617 = vector.broadcast %slice3A_616 : vector<343x1xf32> to vector<343x64xf32>
    %mul3A_618 = arith.mulf %concatenate3A_615, %mul3A_617 : vector<343x64xf32>
    %slice3A_619 = vector.extract_strided_slice %get3A_385 {offsets = [102, 0, 0], sizes = [1, 64, 64], strides = [1, 1, 1]} : vector<125x64x64xf32> to vector<1x64x64xf32>
    %squeeze3A_620 = vector.shape_cast %slice3A_619 : vector<1x64x64xf32> to vector<64x64xf32>
    %dot_general3A_621 = arith.constant dense<0.000000e+00> : vector<343x64xf32>
    %dot_general3A_622 = tpu.matmul %mul3A_618, %squeeze3A_620, %dot_general3A_621 {dimension_numbers = #tpu.dot_dimension_numbers<[1], [0], [0], [1], [0, 0, 1, 1], [], []>, transpose_lhs_hint = false} : vector<343x64xf32>, vector<64x64xf32>, vector<343x64xf32> -> vector<343x64xf32>
    %add3A_623 = arith.addf %add3A_611, %dot_general3A_622 : vector<343x64xf32>
    %broadcast_in_dim3A_624 = arith.constant 0.000000e+00 : f32
    %broadcast_in_dim3A_625 = vector.broadcast %broadcast_in_dim3A_624 : f32 to vector<43x64xf32>
    %slice3A_626 = vector.extract_strided_slice %concatenate3A_381 {offsets = [0, 0], sizes = [300, 64], strides = [1, 1]} : vector<343x64xf32> to vector<300x64xf32>
    %concatenate3A_627 = tpu.concatenate %broadcast_in_dim3A_625, %slice3A_626 in 0 : vector<43x64xf32>, vector<300x64xf32> -> vector<343x64xf32>
    %slice3A_628 = vector.extract_strided_slice %get3A_393 {offsets = [6517, 0], sizes = [343, 1], strides = [1, 1]} : vector<8918x1xf32> to vector<343x1xf32>
    %mul3A_629 = vector.broadcast %slice3A_628 : vector<343x1xf32> to vector<343x64xf32>
    %mul3A_630 = arith.mulf %concatenate3A_627, %mul3A_629 : vector<343x64xf32>
    %slice3A_631 = vector.extract_strided_slice %get3A_385 {offsets = [104, 0, 0], sizes = [1, 64, 64], strides = [1, 1, 1]} : vector<125x64x64xf32> to vector<1x64x64xf32>
    %squeeze3A_632 = vector.shape_cast %slice3A_631 : vector<1x64x64xf32> to vector<64x64xf32>
    %dot_general3A_633 = arith.constant dense<0.000000e+00> : vector<343x64xf32>
    %dot_general3A_634 = tpu.matmul %mul3A_630, %squeeze3A_632, %dot_general3A_633 {dimension_numbers = #tpu.dot_dimension_numbers<[1], [0], [0], [1], [0, 0, 1, 1], [], []>, transpose_lhs_hint = false} : vector<343x64xf32>, vector<64x64xf32>, vector<343x64xf32> -> vector<343x64xf32>
    %add3A_635 = arith.addf %add3A_623, %dot_general3A_634 : vector<343x64xf32>
    %broadcast_in_dim3A_636 = arith.constant 0.000000e+00 : f32
    %broadcast_in_dim3A_637 = vector.broadcast %broadcast_in_dim3A_636 : f32 to vector<48x64xf32>
    %slice3A_638 = vector.extract_strided_slice %concatenate3A_381 {offsets = [0, 0], sizes = [295, 64], strides = [1, 1]} : vector<343x64xf32> to vector<295x64xf32>
    %concatenate3A_639 = tpu.concatenate %broadcast_in_dim3A_637, %slice3A_638 in 0 : vector<48x64xf32>, vector<295x64xf32> -> vector<343x64xf32>
    %slice3A_640 = vector.extract_strided_slice %get3A_393 {offsets = [6860, 0], sizes = [343, 1], strides = [1, 1]} : vector<8918x1xf32> to vector<343x1xf32>
    %mul3A_641 = vector.broadcast %slice3A_640 : vector<343x1xf32> to vector<343x64xf32>
    %mul3A_642 = arith.mulf %concatenate3A_639, %mul3A_641 : vector<343x64xf32>
    %slice3A_643 = vector.extract_strided_slice %get3A_385 {offsets = [110, 0, 0], sizes = [1, 64, 64], strides = [1, 1, 1]} : vector<125x64x64xf32> to vector<1x64x64xf32>
    %squeeze3A_644 = vector.shape_cast %slice3A_643 : vector<1x64x64xf32> to vector<64x64xf32>
    %dot_general3A_645 = arith.constant dense<0.000000e+00> : vector<343x64xf32>
    %dot_general3A_646 = tpu.matmul %mul3A_642, %squeeze3A_644, %dot_general3A_645 {dimension_numbers = #tpu.dot_dimension_numbers<[1], [0], [0], [1], [0, 0, 1, 1], [], []>, transpose_lhs_hint = false} : vector<343x64xf32>, vector<64x64xf32>, vector<343x64xf32> -> vector<343x64xf32>
    %add3A_647 = arith.addf %add3A_635, %dot_general3A_646 : vector<343x64xf32>
    %broadcast_in_dim3A_648 = arith.constant 0.000000e+00 : f32
    %broadcast_in_dim3A_649 = vector.broadcast %broadcast_in_dim3A_648 : f32 to vector<49x64xf32>
    %slice3A_650 = vector.extract_strided_slice %concatenate3A_381 {offsets = [0, 0], sizes = [294, 64], strides = [1, 1]} : vector<343x64xf32> to vector<294x64xf32>
    %concatenate3A_651 = tpu.concatenate %broadcast_in_dim3A_649, %slice3A_650 in 0 : vector<49x64xf32>, vector<294x64xf32> -> vector<343x64xf32>
    %slice3A_652 = vector.extract_strided_slice %get3A_393 {offsets = [7203, 0], sizes = [343, 1], strides = [1, 1]} : vector<8918x1xf32> to vector<343x1xf32>
    %mul3A_653 = vector.broadcast %slice3A_652 : vector<343x1xf32> to vector<343x64xf32>
    %mul3A_654 = arith.mulf %concatenate3A_651, %mul3A_653 : vector<343x64xf32>
    %slice3A_655 = vector.extract_strided_slice %get3A_385 {offsets = [112, 0, 0], sizes = [1, 64, 64], strides = [1, 1, 1]} : vector<125x64x64xf32> to vector<1x64x64xf32>
    %squeeze3A_656 = vector.shape_cast %slice3A_655 : vector<1x64x64xf32> to vector<64x64xf32>
    %dot_general3A_657 = arith.constant dense<0.000000e+00> : vector<343x64xf32>
    %dot_general3A_658 = tpu.matmul %mul3A_654, %squeeze3A_656, %dot_general3A_657 {dimension_numbers = #tpu.dot_dimension_numbers<[1], [0], [0], [1], [0, 0, 1, 1], [], []>, transpose_lhs_hint = false} : vector<343x64xf32>, vector<64x64xf32>, vector<343x64xf32> -> vector<343x64xf32>
    %add3A_659 = arith.addf %add3A_647, %dot_general3A_658 : vector<343x64xf32>
    %broadcast_in_dim3A_660 = arith.constant 0.000000e+00 : f32
    %broadcast_in_dim3A_661 = vector.broadcast %broadcast_in_dim3A_660 : f32 to vector<50x64xf32>
    %slice3A_662 = vector.extract_strided_slice %concatenate3A_381 {offsets = [0, 0], sizes = [293, 64], strides = [1, 1]} : vector<343x64xf32> to vector<293x64xf32>
    %concatenate3A_663 = tpu.concatenate %broadcast_in_dim3A_661, %slice3A_662 in 0 : vector<50x64xf32>, vector<293x64xf32> -> vector<343x64xf32>
    %slice3A_664 = vector.extract_strided_slice %get3A_393 {offsets = [7546, 0], sizes = [343, 1], strides = [1, 1]} : vector<8918x1xf32> to vector<343x1xf32>
    %mul3A_665 = vector.broadcast %slice3A_664 : vector<343x1xf32> to vector<343x64xf32>
    %mul3A_666 = arith.mulf %concatenate3A_663, %mul3A_665 : vector<343x64xf32>
    %slice3A_667 = vector.extract_strided_slice %get3A_385 {offsets = [114, 0, 0], sizes = [1, 64, 64], strides = [1, 1, 1]} : vector<125x64x64xf32> to vector<1x64x64xf32>
    %squeeze3A_668 = vector.shape_cast %slice3A_667 : vector<1x64x64xf32> to vector<64x64xf32>
    %dot_general3A_669 = arith.constant dense<0.000000e+00> : vector<343x64xf32>
    %dot_general3A_670 = tpu.matmul %mul3A_666, %squeeze3A_668, %dot_general3A_669 {dimension_numbers = #tpu.dot_dimension_numbers<[1], [0], [0], [1], [0, 0, 1, 1], [], []>, transpose_lhs_hint = false} : vector<343x64xf32>, vector<64x64xf32>, vector<343x64xf32> -> vector<343x64xf32>
    %add3A_671 = arith.addf %add3A_659, %dot_general3A_670 : vector<343x64xf32>
    %broadcast_in_dim3A_672 = arith.constant 0.000000e+00 : f32
    %broadcast_in_dim3A_673 = vector.broadcast %broadcast_in_dim3A_672 : f32 to vector<55x64xf32>
    %slice3A_674 = vector.extract_strided_slice %concatenate3A_381 {offsets = [0, 0], sizes = [288, 64], strides = [1, 1]} : vector<343x64xf32> to vector<288x64xf32>
    %concatenate3A_675 = tpu.concatenate %broadcast_in_dim3A_673, %slice3A_674 in 0 : vector<55x64xf32>, vector<288x64xf32> -> vector<343x64xf32>
    %slice3A_676 = vector.extract_strided_slice %get3A_393 {offsets = [7889, 0], sizes = [343, 1], strides = [1, 1]} : vector<8918x1xf32> to vector<343x1xf32>
    %mul3A_677 = vector.broadcast %slice3A_676 : vector<343x1xf32> to vector<343x64xf32>
    %mul3A_678 = arith.mulf %concatenate3A_675, %mul3A_677 : vector<343x64xf32>
    %slice3A_679 = vector.extract_strided_slice %get3A_385 {offsets = [120, 0, 0], sizes = [1, 64, 64], strides = [1, 1, 1]} : vector<125x64x64xf32> to vector<1x64x64xf32>
    %squeeze3A_680 = vector.shape_cast %slice3A_679 : vector<1x64x64xf32> to vector<64x64xf32>
    %dot_general3A_681 = arith.constant dense<0.000000e+00> : vector<343x64xf32>
    %dot_general3A_682 = tpu.matmul %mul3A_678, %squeeze3A_680, %dot_general3A_681 {dimension_numbers = #tpu.dot_dimension_numbers<[1], [0], [0], [1], [0, 0, 1, 1], [], []>, transpose_lhs_hint = false} : vector<343x64xf32>, vector<64x64xf32>, vector<343x64xf32> -> vector<343x64xf32>
    %add3A_683 = arith.addf %add3A_671, %dot_general3A_682 : vector<343x64xf32>
    %broadcast_in_dim3A_684 = arith.constant 0.000000e+00 : f32
    %broadcast_in_dim3A_685 = vector.broadcast %broadcast_in_dim3A_684 : f32 to vector<56x64xf32>
    %slice3A_686 = vector.extract_strided_slice %concatenate3A_381 {offsets = [0, 0], sizes = [287, 64], strides = [1, 1]} : vector<343x64xf32> to vector<287x64xf32>
    %concatenate3A_687 = tpu.concatenate %broadcast_in_dim3A_685, %slice3A_686 in 0 : vector<56x64xf32>, vector<287x64xf32> -> vector<343x64xf32>
    %slice3A_688 = vector.extract_strided_slice %get3A_393 {offsets = [8232, 0], sizes = [343, 1], strides = [1, 1]} : vector<8918x1xf32> to vector<343x1xf32>
    %mul3A_689 = vector.broadcast %slice3A_688 : vector<343x1xf32> to vector<343x64xf32>
    %mul3A_690 = arith.mulf %concatenate3A_687, %mul3A_689 : vector<343x64xf32>
    %slice3A_691 = vector.extract_strided_slice %get3A_385 {offsets = [122, 0, 0], sizes = [1, 64, 64], strides = [1, 1, 1]} : vector<125x64x64xf32> to vector<1x64x64xf32>
    %squeeze3A_692 = vector.shape_cast %slice3A_691 : vector<1x64x64xf32> to vector<64x64xf32>
    %dot_general3A_693 = arith.constant dense<0.000000e+00> : vector<343x64xf32>
    %dot_general3A_694 = tpu.matmul %mul3A_690, %squeeze3A_692, %dot_general3A_693 {dimension_numbers = #tpu.dot_dimension_numbers<[1], [0], [0], [1], [0, 0, 1, 1], [], []>, transpose_lhs_hint = false} : vector<343x64xf32>, vector<64x64xf32>, vector<343x64xf32> -> vector<343x64xf32>
    %add3A_695 = arith.addf %add3A_683, %dot_general3A_694 : vector<343x64xf32>
    %broadcast_in_dim3A_696 = arith.constant 0.000000e+00 : f32
    %broadcast_in_dim3A_697 = vector.broadcast %broadcast_in_dim3A_696 : f32 to vector<57x64xf32>
    %slice3A_698 = vector.extract_strided_slice %concatenate3A_381 {offsets = [0, 0], sizes = [286, 64], strides = [1, 1]} : vector<343x64xf32> to vector<286x64xf32>
    %concatenate3A_699 = tpu.concatenate %broadcast_in_dim3A_697, %slice3A_698 in 0 : vector<57x64xf32>, vector<286x64xf32> -> vector<343x64xf32>
    %slice3A_700 = vector.extract_strided_slice %get3A_393 {offsets = [8575, 0], sizes = [343, 1], strides = [1, 1]} : vector<8918x1xf32> to vector<343x1xf32>
    %mul3A_701 = vector.broadcast %slice3A_700 : vector<343x1xf32> to vector<343x64xf32>
    %mul3A_702 = arith.mulf %concatenate3A_699, %mul3A_701 : vector<343x64xf32>
    %slice3A_703 = vector.extract_strided_slice %get3A_385 {offsets = [124, 0, 0], sizes = [1, 64, 64], strides = [1, 1, 1]} : vector<125x64x64xf32> to vector<1x64x64xf32>
    %squeeze3A_704 = vector.shape_cast %slice3A_703 : vector<1x64x64xf32> to vector<64x64xf32>
    %dot_general3A_705 = arith.constant dense<0.000000e+00> : vector<343x64xf32>
    %dot_general3A_706 = tpu.matmul %mul3A_702, %squeeze3A_704, %dot_general3A_705 {dimension_numbers = #tpu.dot_dimension_numbers<[1], [0], [0], [1], [0, 0, 1, 1], [], []>, transpose_lhs_hint = false} : vector<343x64xf32>, vector<64x64xf32>, vector<343x64xf32> -> vector<343x64xf32>
    %add3A_707 = arith.addf %add3A_695, %dot_general3A_706 : vector<343x64xf32>
    %mul3A_708 = vector.broadcast %get3A_396 : vector<343x1xf32> to vector<343x64xf32>
    %mul3A_709 = arith.mulf %add3A_707, %mul3A_708 : vector<343x64xf32>
    %dot_general3A_710 = arith.constant dense<0.000000e+00> : vector<343x64xf32>
    %dot_general3A_711 = tpu.matmul %concatenate3A_381, %get3A_388, %dot_general3A_710 {dimension_numbers = #tpu.dot_dimension_numbers<[1], [0], [0], [1], [0, 0, 1, 1], [], []>, transpose_lhs_hint = false} : vector<343x64xf32>, vector<64x64xf32>, vector<343x64xf32> -> vector<343x64xf32>
    %add3A_712 = arith.addf %mul3A_709, %dot_general3A_711 : vector<343x64xf32>
    %broadcast_in_dim3A_713 = vector.shape_cast %get3A_390 : vector<64xf32> to vector<1x64xf32>
    %add3A_714 = vector.broadcast %broadcast_in_dim3A_713 : vector<1x64xf32> to vector<343x64xf32>
    %add3A_715 = arith.addf %add3A_712, %add3A_714 : vector<343x64xf32>
    %gt3A_716 = arith.constant 0.000000e+00 : f32
    %gt3A_717 = vector.broadcast %gt3A_716 : f32 to vector<343x64xf32>
    %gt3A_718 = arith.cmpf ogt, %add3A_715, %gt3A_717 : vector<343x64xf32>
    %min3A_719 = arith.constant 0.000000e+00 : f32
    %min3A_720 = vector.broadcast %min3A_719 : f32 to vector<343x64xf32>
    %min3A_721 = arith.minimumf %add3A_715, %min3A_720 : vector<343x64xf32>
    %exp3A_722 = math.exp %min3A_721 : vector<343x64xf32>
    %sub3A_723 = arith.constant 1.000000e+00 : f32
    %sub3A_724 = vector.broadcast %sub3A_723 : f32 to vector<343x64xf32>
    %sub3A_725 = arith.subf %exp3A_722, %sub3A_724 : vector<343x64xf32>
    %select_n3A_726 = arith.select %gt3A_718, %add3A_715, %sub3A_725 : vector<343x64xi1>, vector<343x64xf32>
    %get3A_727 = arith.constant 0 : index
    %get3A_728 = arith.constant 0 : index
    %get3A_729 = vector.load %arg24[%get3A_727, %get3A_728] : memref<35x49xf32, #tpu.memory_space<vmem>>, vector<35x49xf32>
    %get3A_730 = arith.constant 0 : index
    %get3A_731 = arith.constant 0 : index
    %get3A_732 = vector.load %arg25[%get3A_730, %get3A_731] : memref<35x49xf32, #tpu.memory_space<vmem>>, vector<35x49xf32>
    %get3A_733 = arith.constant 0 : index
    %get3A_734 = arith.constant 0 : index
    %get3A_735 = vector.load %arg26[%get3A_733, %get3A_734] : memref<25x35xf32, #tpu.memory_space<vmem>>, vector<25x35xf32>
    %get3A_736 = arith.constant 0 : index
    %get3A_737 = arith.constant 0 : index
    %get3A_738 = vector.load %arg27[%get3A_736, %get3A_737] : memref<25x35xf32, #tpu.memory_space<vmem>>, vector<25x35xf32>
    %slice3A_739 = vector.extract_strided_slice %select_n3A_726 {offsets = [0, 0], sizes = [98, 64], strides = [1, 1]} : vector<343x64xf32> to vector<98x64xf32>
    %slice3A_740 = vector.extract_strided_slice %select_n3A_726 {offsets = [147, 0], sizes = [98, 64], strides = [1, 1]} : vector<343x64xf32> to vector<98x64xf32>
    %slice3A_741 = vector.extract_strided_slice %select_n3A_726 {offsets = [294, 0], sizes = [49, 64], strides = [1, 1]} : vector<343x64xf32> to vector<49x64xf32>
    %concatenate3A_742 = tpu.concatenate %slice3A_739, %slice3A_740, %slice3A_741 in 0 : vector<98x64xf32>, vector<98x64xf32>, vector<49x64xf32> -> vector<245x64xf32>
    %slice3A_743 = vector.extract_strided_slice %select_n3A_726 {offsets = [0, 0], sizes = [49, 64], strides = [1, 1]} : vector<343x64xf32> to vector<49x64xf32>
    %slice3A_744 = vector.extract_strided_slice %select_n3A_726 {offsets = [98, 0], sizes = [98, 64], strides = [1, 1]} : vector<343x64xf32> to vector<98x64xf32>
    %slice3A_745 = vector.extract_strided_slice %select_n3A_726 {offsets = [245, 0], sizes = [98, 64], strides = [1, 1]} : vector<343x64xf32> to vector<98x64xf32>
    %concatenate3A_746 = tpu.concatenate %slice3A_743, %slice3A_744, %slice3A_745 in 0 : vector<49x64xf32>, vector<98x64xf32>, vector<98x64xf32> -> vector<245x64xf32>
    %max3A_747 = arith.maximumf %concatenate3A_742, %concatenate3A_746 : vector<245x64xf32>
    %slice3A_748 = vector.extract_strided_slice %max3A_747 {offsets = [0, 0], sizes = [49, 64], strides = [1, 1]} : vector<245x64xf32> to vector<49x64xf32>
    %dot_general3A_749 = arith.constant dense<0.000000e+00> : vector<35x64xf32>
    %dot_general3A_750 = tpu.matmul %get3A_729, %slice3A_748, %dot_general3A_749 {dimension_numbers = #tpu.dot_dimension_numbers<[1], [0], [0], [1], [0, 0, 1, 1], [], []>, transpose_lhs_hint = false} : vector<35x49xf32>, vector<49x64xf32>, vector<35x64xf32> -> vector<35x64xf32>
    %dot_general3A_751 = arith.constant dense<0.000000e+00> : vector<35x64xf32>
    %dot_general3A_752 = tpu.matmul %get3A_732, %slice3A_748, %dot_general3A_751 {dimension_numbers = #tpu.dot_dimension_numbers<[1], [0], [0], [1], [0, 0, 1, 1], [], []>, transpose_lhs_hint = false} : vector<35x49xf32>, vector<49x64xf32>, vector<35x64xf32> -> vector<35x64xf32>
    %max3A_753 = arith.maximumf %dot_general3A_750, %dot_general3A_752 : vector<35x64xf32>
    %slice3A_754 = vector.extract_strided_slice %max3A_747 {offsets = [49, 0], sizes = [49, 64], strides = [1, 1]} : vector<245x64xf32> to vector<49x64xf32>
    %dot_general3A_755 = arith.constant dense<0.000000e+00> : vector<35x64xf32>
    %dot_general3A_756 = tpu.matmul %get3A_729, %slice3A_754, %dot_general3A_755 {dimension_numbers = #tpu.dot_dimension_numbers<[1], [0], [0], [1], [0, 0, 1, 1], [], []>, transpose_lhs_hint = false} : vector<35x49xf32>, vector<49x64xf32>, vector<35x64xf32> -> vector<35x64xf32>
    %dot_general3A_757 = arith.constant dense<0.000000e+00> : vector<35x64xf32>
    %dot_general3A_758 = tpu.matmul %get3A_732, %slice3A_754, %dot_general3A_757 {dimension_numbers = #tpu.dot_dimension_numbers<[1], [0], [0], [1], [0, 0, 1, 1], [], []>, transpose_lhs_hint = false} : vector<35x49xf32>, vector<49x64xf32>, vector<35x64xf32> -> vector<35x64xf32>
    %max3A_759 = arith.maximumf %dot_general3A_756, %dot_general3A_758 : vector<35x64xf32>
    %slice3A_760 = vector.extract_strided_slice %max3A_747 {offsets = [98, 0], sizes = [49, 64], strides = [1, 1]} : vector<245x64xf32> to vector<49x64xf32>
    %dot_general3A_761 = arith.constant dense<0.000000e+00> : vector<35x64xf32>
    %dot_general3A_762 = tpu.matmul %get3A_729, %slice3A_760, %dot_general3A_761 {dimension_numbers = #tpu.dot_dimension_numbers<[1], [0], [0], [1], [0, 0, 1, 1], [], []>, transpose_lhs_hint = false} : vector<35x49xf32>, vector<49x64xf32>, vector<35x64xf32> -> vector<35x64xf32>
    %dot_general3A_763 = arith.constant dense<0.000000e+00> : vector<35x64xf32>
    %dot_general3A_764 = tpu.matmul %get3A_732, %slice3A_760, %dot_general3A_763 {dimension_numbers = #tpu.dot_dimension_numbers<[1], [0], [0], [1], [0, 0, 1, 1], [], []>, transpose_lhs_hint = false} : vector<35x49xf32>, vector<49x64xf32>, vector<35x64xf32> -> vector<35x64xf32>
    %max3A_765 = arith.maximumf %dot_general3A_762, %dot_general3A_764 : vector<35x64xf32>
    %slice3A_766 = vector.extract_strided_slice %max3A_747 {offsets = [147, 0], sizes = [49, 64], strides = [1, 1]} : vector<245x64xf32> to vector<49x64xf32>
    %dot_general3A_767 = arith.constant dense<0.000000e+00> : vector<35x64xf32>
    %dot_general3A_768 = tpu.matmul %get3A_729, %slice3A_766, %dot_general3A_767 {dimension_numbers = #tpu.dot_dimension_numbers<[1], [0], [0], [1], [0, 0, 1, 1], [], []>, transpose_lhs_hint = false} : vector<35x49xf32>, vector<49x64xf32>, vector<35x64xf32> -> vector<35x64xf32>
    %dot_general3A_769 = arith.constant dense<0.000000e+00> : vector<35x64xf32>
    %dot_general3A_770 = tpu.matmul %get3A_732, %slice3A_766, %dot_general3A_769 {dimension_numbers = #tpu.dot_dimension_numbers<[1], [0], [0], [1], [0, 0, 1, 1], [], []>, transpose_lhs_hint = false} : vector<35x49xf32>, vector<49x64xf32>, vector<35x64xf32> -> vector<35x64xf32>
    %max3A_771 = arith.maximumf %dot_general3A_768, %dot_general3A_770 : vector<35x64xf32>
    %slice3A_772 = vector.extract_strided_slice %max3A_747 {offsets = [196, 0], sizes = [49, 64], strides = [1, 1]} : vector<245x64xf32> to vector<49x64xf32>
    %dot_general3A_773 = arith.constant dense<0.000000e+00> : vector<35x64xf32>
    %dot_general3A_774 = tpu.matmul %get3A_729, %slice3A_772, %dot_general3A_773 {dimension_numbers = #tpu.dot_dimension_numbers<[1], [0], [0], [1], [0, 0, 1, 1], [], []>, transpose_lhs_hint = false} : vector<35x49xf32>, vector<49x64xf32>, vector<35x64xf32> -> vector<35x64xf32>
    %dot_general3A_775 = arith.constant dense<0.000000e+00> : vector<35x64xf32>
    %dot_general3A_776 = tpu.matmul %get3A_732, %slice3A_772, %dot_general3A_775 {dimension_numbers = #tpu.dot_dimension_numbers<[1], [0], [0], [1], [0, 0, 1, 1], [], []>, transpose_lhs_hint = false} : vector<35x49xf32>, vector<49x64xf32>, vector<35x64xf32> -> vector<35x64xf32>
    %max3A_777 = arith.maximumf %dot_general3A_774, %dot_general3A_776 : vector<35x64xf32>
    %concatenate3A_778 = tpu.concatenate %max3A_753, %max3A_759, %max3A_765, %max3A_771, %max3A_777 in 0 : vector<35x64xf32>, vector<35x64xf32>, vector<35x64xf32>, vector<35x64xf32>, vector<35x64xf32> -> vector<175x64xf32>
    %slice3A_779 = vector.extract_strided_slice %concatenate3A_778 {offsets = [0, 0], sizes = [35, 64], strides = [1, 1]} : vector<175x64xf32> to vector<35x64xf32>
    %dot_general3A_780 = arith.constant dense<0.000000e+00> : vector<25x64xf32>
    %dot_general3A_781 = tpu.matmul %get3A_735, %slice3A_779, %dot_general3A_780 {dimension_numbers = #tpu.dot_dimension_numbers<[1], [0], [0], [1], [0, 0, 1, 1], [], []>, transpose_lhs_hint = false} : vector<25x35xf32>, vector<35x64xf32>, vector<25x64xf32> -> vector<25x64xf32>
    %dot_general3A_782 = arith.constant dense<0.000000e+00> : vector<25x64xf32>
    %dot_general3A_783 = tpu.matmul %get3A_738, %slice3A_779, %dot_general3A_782 {dimension_numbers = #tpu.dot_dimension_numbers<[1], [0], [0], [1], [0, 0, 1, 1], [], []>, transpose_lhs_hint = false} : vector<25x35xf32>, vector<35x64xf32>, vector<25x64xf32> -> vector<25x64xf32>
    %max3A_784 = arith.maximumf %dot_general3A_781, %dot_general3A_783 : vector<25x64xf32>
    %slice3A_785 = vector.extract_strided_slice %concatenate3A_778 {offsets = [35, 0], sizes = [35, 64], strides = [1, 1]} : vector<175x64xf32> to vector<35x64xf32>
    %dot_general3A_786 = arith.constant dense<0.000000e+00> : vector<25x64xf32>
    %dot_general3A_787 = tpu.matmul %get3A_735, %slice3A_785, %dot_general3A_786 {dimension_numbers = #tpu.dot_dimension_numbers<[1], [0], [0], [1], [0, 0, 1, 1], [], []>, transpose_lhs_hint = false} : vector<25x35xf32>, vector<35x64xf32>, vector<25x64xf32> -> vector<25x64xf32>
    %dot_general3A_788 = arith.constant dense<0.000000e+00> : vector<25x64xf32>
    %dot_general3A_789 = tpu.matmul %get3A_738, %slice3A_785, %dot_general3A_788 {dimension_numbers = #tpu.dot_dimension_numbers<[1], [0], [0], [1], [0, 0, 1, 1], [], []>, transpose_lhs_hint = false} : vector<25x35xf32>, vector<35x64xf32>, vector<25x64xf32> -> vector<25x64xf32>
    %max3A_790 = arith.maximumf %dot_general3A_787, %dot_general3A_789 : vector<25x64xf32>
    %slice3A_791 = vector.extract_strided_slice %concatenate3A_778 {offsets = [70, 0], sizes = [35, 64], strides = [1, 1]} : vector<175x64xf32> to vector<35x64xf32>
    %dot_general3A_792 = arith.constant dense<0.000000e+00> : vector<25x64xf32>
    %dot_general3A_793 = tpu.matmul %get3A_735, %slice3A_791, %dot_general3A_792 {dimension_numbers = #tpu.dot_dimension_numbers<[1], [0], [0], [1], [0, 0, 1, 1], [], []>, transpose_lhs_hint = false} : vector<25x35xf32>, vector<35x64xf32>, vector<25x64xf32> -> vector<25x64xf32>
    %dot_general3A_794 = arith.constant dense<0.000000e+00> : vector<25x64xf32>
    %dot_general3A_795 = tpu.matmul %get3A_738, %slice3A_791, %dot_general3A_794 {dimension_numbers = #tpu.dot_dimension_numbers<[1], [0], [0], [1], [0, 0, 1, 1], [], []>, transpose_lhs_hint = false} : vector<25x35xf32>, vector<35x64xf32>, vector<25x64xf32> -> vector<25x64xf32>
    %max3A_796 = arith.maximumf %dot_general3A_793, %dot_general3A_795 : vector<25x64xf32>
    %slice3A_797 = vector.extract_strided_slice %concatenate3A_778 {offsets = [105, 0], sizes = [35, 64], strides = [1, 1]} : vector<175x64xf32> to vector<35x64xf32>
    %dot_general3A_798 = arith.constant dense<0.000000e+00> : vector<25x64xf32>
    %dot_general3A_799 = tpu.matmul %get3A_735, %slice3A_797, %dot_general3A_798 {dimension_numbers = #tpu.dot_dimension_numbers<[1], [0], [0], [1], [0, 0, 1, 1], [], []>, transpose_lhs_hint = false} : vector<25x35xf32>, vector<35x64xf32>, vector<25x64xf32> -> vector<25x64xf32>
    %dot_general3A_800 = arith.constant dense<0.000000e+00> : vector<25x64xf32>
    %dot_general3A_801 = tpu.matmul %get3A_738, %slice3A_797, %dot_general3A_800 {dimension_numbers = #tpu.dot_dimension_numbers<[1], [0], [0], [1], [0, 0, 1, 1], [], []>, transpose_lhs_hint = false} : vector<25x35xf32>, vector<35x64xf32>, vector<25x64xf32> -> vector<25x64xf32>
    %max3A_802 = arith.maximumf %dot_general3A_799, %dot_general3A_801 : vector<25x64xf32>
    %slice3A_803 = vector.extract_strided_slice %concatenate3A_778 {offsets = [140, 0], sizes = [35, 64], strides = [1, 1]} : vector<175x64xf32> to vector<35x64xf32>
    %dot_general3A_804 = arith.constant dense<0.000000e+00> : vector<25x64xf32>
    %dot_general3A_805 = tpu.matmul %get3A_735, %slice3A_803, %dot_general3A_804 {dimension_numbers = #tpu.dot_dimension_numbers<[1], [0], [0], [1], [0, 0, 1, 1], [], []>, transpose_lhs_hint = false} : vector<25x35xf32>, vector<35x64xf32>, vector<25x64xf32> -> vector<25x64xf32>
    %dot_general3A_806 = arith.constant dense<0.000000e+00> : vector<25x64xf32>
    %dot_general3A_807 = tpu.matmul %get3A_738, %slice3A_803, %dot_general3A_806 {dimension_numbers = #tpu.dot_dimension_numbers<[1], [0], [0], [1], [0, 0, 1, 1], [], []>, transpose_lhs_hint = false} : vector<25x35xf32>, vector<35x64xf32>, vector<25x64xf32> -> vector<25x64xf32>
    %max3A_808 = arith.maximumf %dot_general3A_805, %dot_general3A_807 : vector<25x64xf32>
    %concatenate3A_809 = tpu.concatenate %max3A_784, %max3A_790, %max3A_796, %max3A_802, %max3A_808 in 0 : vector<25x64xf32>, vector<25x64xf32>, vector<25x64xf32>, vector<25x64xf32>, vector<25x64xf32> -> vector<125x64xf32>
    %get3A_810 = arith.constant 0 : index
    %get3A_811 = arith.constant 0 : index
    %get3A_812 = arith.constant 0 : index
    %get3A_813 = vector.load %arg7[%get3A_810, %get3A_811, %get3A_812] : memref<125x64x128xf32, #tpu.memory_space<vmem>>, vector<125x64x128xf32>
    %get3A_814 = arith.constant 0 : index
    %get3A_815 = arith.constant 0 : index
    %get3A_816 = vector.load %arg8[%get3A_814, %get3A_815] : memref<64x128xf32, #tpu.memory_space<vmem>>, vector<64x128xf32>
    %get3A_817 = arith.constant 0 : index
    %get3A_818 = vector.load %arg9[%get3A_817] : memref<128xf32, #tpu.memory_space<vmem>>, vector<128xf32>
    %get3A_819 = arith.constant 0 : index
    %get3A_820 = arith.constant 0 : index
    %get3A_821 = vector.load %arg18[%get3A_819, %get3A_820] : memref<3250x1xf32, #tpu.memory_space<vmem>>, vector<3250x1xf32>
    %get3A_822 = arith.constant 0 : index
    %get3A_823 = arith.constant 0 : index
    %get3A_824 = vector.load %arg19[%get3A_822, %get3A_823] : memref<125x1xf32, #tpu.memory_space<vmem>>, vector<125x1xf32>
    %slice3A_825 = vector.extract_strided_slice %concatenate3A_809 {offsets = [31, 0], sizes = [94, 64], strides = [1, 1]} : vector<125x64xf32> to vector<94x64xf32>
    %broadcast_in_dim3A_826 = arith.constant 0.000000e+00 : f32
    %broadcast_in_dim3A_827 = vector.broadcast %broadcast_in_dim3A_826 : f32 to vector<31x64xf32>
    %concatenate3A_828 = tpu.concatenate %slice3A_825, %broadcast_in_dim3A_827 in 0 : vector<94x64xf32>, vector<31x64xf32> -> vector<125x64xf32>
    %slice3A_829 = vector.extract_strided_slice %get3A_821 {offsets = [0, 0], sizes = [125, 1], strides = [1, 1]} : vector<3250x1xf32> to vector<125x1xf32>
    %mul3A_830 = vector.broadcast %slice3A_829 : vector<125x1xf32> to vector<125x64xf32>
    %mul3A_831 = arith.mulf %concatenate3A_828, %mul3A_830 : vector<125x64xf32>
    %slice3A_832 = vector.extract_strided_slice %get3A_813 {offsets = [0, 0, 0], sizes = [1, 64, 128], strides = [1, 1, 1]} : vector<125x64x128xf32> to vector<1x64x128xf32>
    %squeeze3A_833 = vector.shape_cast %slice3A_832 : vector<1x64x128xf32> to vector<64x128xf32>
    %dot_general3A_834 = arith.constant dense<0.000000e+00> : vector<125x128xf32>
    %dot_general3A_835 = tpu.matmul %mul3A_831, %squeeze3A_833, %dot_general3A_834 {dimension_numbers = #tpu.dot_dimension_numbers<[1], [0], [0], [1], [0, 0, 1, 1], [], []>, transpose_lhs_hint = false} : vector<125x64xf32>, vector<64x128xf32>, vector<125x128xf32> -> vector<125x128xf32>
    %slice3A_836 = vector.extract_strided_slice %concatenate3A_809 {offsets = [30, 0], sizes = [95, 64], strides = [1, 1]} : vector<125x64xf32> to vector<95x64xf32>
    %broadcast_in_dim3A_837 = arith.constant 0.000000e+00 : f32
    %broadcast_in_dim3A_838 = vector.broadcast %broadcast_in_dim3A_837 : f32 to vector<30x64xf32>
    %concatenate3A_839 = tpu.concatenate %slice3A_836, %broadcast_in_dim3A_838 in 0 : vector<95x64xf32>, vector<30x64xf32> -> vector<125x64xf32>
    %slice3A_840 = vector.extract_strided_slice %get3A_821 {offsets = [125, 0], sizes = [125, 1], strides = [1, 1]} : vector<3250x1xf32> to vector<125x1xf32>
    %mul3A_841 = vector.broadcast %slice3A_840 : vector<125x1xf32> to vector<125x64xf32>
    %mul3A_842 = arith.mulf %concatenate3A_839, %mul3A_841 : vector<125x64xf32>
    %slice3A_843 = vector.extract_strided_slice %get3A_813 {offsets = [2, 0, 0], sizes = [1, 64, 128], strides = [1, 1, 1]} : vector<125x64x128xf32> to vector<1x64x128xf32>
    %squeeze3A_844 = vector.shape_cast %slice3A_843 : vector<1x64x128xf32> to vector<64x128xf32>
    %dot_general3A_845 = arith.constant dense<0.000000e+00> : vector<125x128xf32>
    %dot_general3A_846 = tpu.matmul %mul3A_842, %squeeze3A_844, %dot_general3A_845 {dimension_numbers = #tpu.dot_dimension_numbers<[1], [0], [0], [1], [0, 0, 1, 1], [], []>, transpose_lhs_hint = false} : vector<125x64xf32>, vector<64x128xf32>, vector<125x128xf32> -> vector<125x128xf32>
    %add3A_847 = arith.addf %dot_general3A_835, %dot_general3A_846 : vector<125x128xf32>
    %slice3A_848 = vector.extract_strided_slice %concatenate3A_809 {offsets = [29, 0], sizes = [96, 64], strides = [1, 1]} : vector<125x64xf32> to vector<96x64xf32>
    %broadcast_in_dim3A_849 = arith.constant 0.000000e+00 : f32
    %broadcast_in_dim3A_850 = vector.broadcast %broadcast_in_dim3A_849 : f32 to vector<29x64xf32>
    %concatenate3A_851 = tpu.concatenate %slice3A_848, %broadcast_in_dim3A_850 in 0 : vector<96x64xf32>, vector<29x64xf32> -> vector<125x64xf32>
    %slice3A_852 = vector.extract_strided_slice %get3A_821 {offsets = [250, 0], sizes = [125, 1], strides = [1, 1]} : vector<3250x1xf32> to vector<125x1xf32>
    %mul3A_853 = vector.broadcast %slice3A_852 : vector<125x1xf32> to vector<125x64xf32>
    %mul3A_854 = arith.mulf %concatenate3A_851, %mul3A_853 : vector<125x64xf32>
    %slice3A_855 = vector.extract_strided_slice %get3A_813 {offsets = [4, 0, 0], sizes = [1, 64, 128], strides = [1, 1, 1]} : vector<125x64x128xf32> to vector<1x64x128xf32>
    %squeeze3A_856 = vector.shape_cast %slice3A_855 : vector<1x64x128xf32> to vector<64x128xf32>
    %dot_general3A_857 = arith.constant dense<0.000000e+00> : vector<125x128xf32>
    %dot_general3A_858 = tpu.matmul %mul3A_854, %squeeze3A_856, %dot_general3A_857 {dimension_numbers = #tpu.dot_dimension_numbers<[1], [0], [0], [1], [0, 0, 1, 1], [], []>, transpose_lhs_hint = false} : vector<125x64xf32>, vector<64x128xf32>, vector<125x128xf32> -> vector<125x128xf32>
    %add3A_859 = arith.addf %add3A_847, %dot_general3A_858 : vector<125x128xf32>
    %slice3A_860 = vector.extract_strided_slice %concatenate3A_809 {offsets = [26, 0], sizes = [99, 64], strides = [1, 1]} : vector<125x64xf32> to vector<99x64xf32>
    %broadcast_in_dim3A_861 = arith.constant 0.000000e+00 : f32
    %broadcast_in_dim3A_862 = vector.broadcast %broadcast_in_dim3A_861 : f32 to vector<26x64xf32>
    %concatenate3A_863 = tpu.concatenate %slice3A_860, %broadcast_in_dim3A_862 in 0 : vector<99x64xf32>, vector<26x64xf32> -> vector<125x64xf32>
    %slice3A_864 = vector.extract_strided_slice %get3A_821 {offsets = [375, 0], sizes = [125, 1], strides = [1, 1]} : vector<3250x1xf32> to vector<125x1xf32>
    %mul3A_865 = vector.broadcast %slice3A_864 : vector<125x1xf32> to vector<125x64xf32>
    %mul3A_866 = arith.mulf %concatenate3A_863, %mul3A_865 : vector<125x64xf32>
    %slice3A_867 = vector.extract_strided_slice %get3A_813 {offsets = [10, 0, 0], sizes = [1, 64, 128], strides = [1, 1, 1]} : vector<125x64x128xf32> to vector<1x64x128xf32>
    %squeeze3A_868 = vector.shape_cast %slice3A_867 : vector<1x64x128xf32> to vector<64x128xf32>
    %dot_general3A_869 = arith.constant dense<0.000000e+00> : vector<125x128xf32>
    %dot_general3A_870 = tpu.matmul %mul3A_866, %squeeze3A_868, %dot_general3A_869 {dimension_numbers = #tpu.dot_dimension_numbers<[1], [0], [0], [1], [0, 0, 1, 1], [], []>, transpose_lhs_hint = false} : vector<125x64xf32>, vector<64x128xf32>, vector<125x128xf32> -> vector<125x128xf32>
    %add3A_871 = arith.addf %add3A_859, %dot_general3A_870 : vector<125x128xf32>
    %slice3A_872 = vector.extract_strided_slice %concatenate3A_809 {offsets = [25, 0], sizes = [100, 64], strides = [1, 1]} : vector<125x64xf32> to vector<100x64xf32>
    %broadcast_in_dim3A_873 = arith.constant 0.000000e+00 : f32
    %broadcast_in_dim3A_874 = vector.broadcast %broadcast_in_dim3A_873 : f32 to vector<25x64xf32>
    %concatenate3A_875 = tpu.concatenate %slice3A_872, %broadcast_in_dim3A_874 in 0 : vector<100x64xf32>, vector<25x64xf32> -> vector<125x64xf32>
    %slice3A_876 = vector.extract_strided_slice %get3A_821 {offsets = [500, 0], sizes = [125, 1], strides = [1, 1]} : vector<3250x1xf32> to vector<125x1xf32>
    %mul3A_877 = vector.broadcast %slice3A_876 : vector<125x1xf32> to vector<125x64xf32>
    %mul3A_878 = arith.mulf %concatenate3A_875, %mul3A_877 : vector<125x64xf32>
    %slice3A_879 = vector.extract_strided_slice %get3A_813 {offsets = [12, 0, 0], sizes = [1, 64, 128], strides = [1, 1, 1]} : vector<125x64x128xf32> to vector<1x64x128xf32>
    %squeeze3A_880 = vector.shape_cast %slice3A_879 : vector<1x64x128xf32> to vector<64x128xf32>
    %dot_general3A_881 = arith.constant dense<0.000000e+00> : vector<125x128xf32>
    %dot_general3A_882 = tpu.matmul %mul3A_878, %squeeze3A_880, %dot_general3A_881 {dimension_numbers = #tpu.dot_dimension_numbers<[1], [0], [0], [1], [0, 0, 1, 1], [], []>, transpose_lhs_hint = false} : vector<125x64xf32>, vector<64x128xf32>, vector<125x128xf32> -> vector<125x128xf32>
    %add3A_883 = arith.addf %add3A_871, %dot_general3A_882 : vector<125x128xf32>
    %slice3A_884 = vector.extract_strided_slice %concatenate3A_809 {offsets = [24, 0], sizes = [101, 64], strides = [1, 1]} : vector<125x64xf32> to vector<101x64xf32>
    %broadcast_in_dim3A_885 = arith.constant 0.000000e+00 : f32
    %broadcast_in_dim3A_886 = vector.broadcast %broadcast_in_dim3A_885 : f32 to vector<24x64xf32>
    %concatenate3A_887 = tpu.concatenate %slice3A_884, %broadcast_in_dim3A_886 in 0 : vector<101x64xf32>, vector<24x64xf32> -> vector<125x64xf32>
    %slice3A_888 = vector.extract_strided_slice %get3A_821 {offsets = [625, 0], sizes = [125, 1], strides = [1, 1]} : vector<3250x1xf32> to vector<125x1xf32>
    %mul3A_889 = vector.broadcast %slice3A_888 : vector<125x1xf32> to vector<125x64xf32>
    %mul3A_890 = arith.mulf %concatenate3A_887, %mul3A_889 : vector<125x64xf32>
    %slice3A_891 = vector.extract_strided_slice %get3A_813 {offsets = [14, 0, 0], sizes = [1, 64, 128], strides = [1, 1, 1]} : vector<125x64x128xf32> to vector<1x64x128xf32>
    %squeeze3A_892 = vector.shape_cast %slice3A_891 : vector<1x64x128xf32> to vector<64x128xf32>
    %dot_general3A_893 = arith.constant dense<0.000000e+00> : vector<125x128xf32>
    %dot_general3A_894 = tpu.matmul %mul3A_890, %squeeze3A_892, %dot_general3A_893 {dimension_numbers = #tpu.dot_dimension_numbers<[1], [0], [0], [1], [0, 0, 1, 1], [], []>, transpose_lhs_hint = false} : vector<125x64xf32>, vector<64x128xf32>, vector<125x128xf32> -> vector<125x128xf32>
    %add3A_895 = arith.addf %add3A_883, %dot_general3A_894 : vector<125x128xf32>
    %slice3A_896 = vector.extract_strided_slice %concatenate3A_809 {offsets = [21, 0], sizes = [104, 64], strides = [1, 1]} : vector<125x64xf32> to vector<104x64xf32>
    %broadcast_in_dim3A_897 = arith.constant 0.000000e+00 : f32
    %broadcast_in_dim3A_898 = vector.broadcast %broadcast_in_dim3A_897 : f32 to vector<21x64xf32>
    %concatenate3A_899 = tpu.concatenate %slice3A_896, %broadcast_in_dim3A_898 in 0 : vector<104x64xf32>, vector<21x64xf32> -> vector<125x64xf32>
    %slice3A_900 = vector.extract_strided_slice %get3A_821 {offsets = [750, 0], sizes = [125, 1], strides = [1, 1]} : vector<3250x1xf32> to vector<125x1xf32>
    %mul3A_901 = vector.broadcast %slice3A_900 : vector<125x1xf32> to vector<125x64xf32>
    %mul3A_902 = arith.mulf %concatenate3A_899, %mul3A_901 : vector<125x64xf32>
    %slice3A_903 = vector.extract_strided_slice %get3A_813 {offsets = [20, 0, 0], sizes = [1, 64, 128], strides = [1, 1, 1]} : vector<125x64x128xf32> to vector<1x64x128xf32>
    %squeeze3A_904 = vector.shape_cast %slice3A_903 : vector<1x64x128xf32> to vector<64x128xf32>
    %dot_general3A_905 = arith.constant dense<0.000000e+00> : vector<125x128xf32>
    %dot_general3A_906 = tpu.matmul %mul3A_902, %squeeze3A_904, %dot_general3A_905 {dimension_numbers = #tpu.dot_dimension_numbers<[1], [0], [0], [1], [0, 0, 1, 1], [], []>, transpose_lhs_hint = false} : vector<125x64xf32>, vector<64x128xf32>, vector<125x128xf32> -> vector<125x128xf32>
    %add3A_907 = arith.addf %add3A_895, %dot_general3A_906 : vector<125x128xf32>
    %slice3A_908 = vector.extract_strided_slice %concatenate3A_809 {offsets = [20, 0], sizes = [105, 64], strides = [1, 1]} : vector<125x64xf32> to vector<105x64xf32>
    %broadcast_in_dim3A_909 = arith.constant 0.000000e+00 : f32
    %broadcast_in_dim3A_910 = vector.broadcast %broadcast_in_dim3A_909 : f32 to vector<20x64xf32>
    %concatenate3A_911 = tpu.concatenate %slice3A_908, %broadcast_in_dim3A_910 in 0 : vector<105x64xf32>, vector<20x64xf32> -> vector<125x64xf32>
    %slice3A_912 = vector.extract_strided_slice %get3A_821 {offsets = [875, 0], sizes = [125, 1], strides = [1, 1]} : vector<3250x1xf32> to vector<125x1xf32>
    %mul3A_913 = vector.broadcast %slice3A_912 : vector<125x1xf32> to vector<125x64xf32>
    %mul3A_914 = arith.mulf %concatenate3A_911, %mul3A_913 : vector<125x64xf32>
    %slice3A_915 = vector.extract_strided_slice %get3A_813 {offsets = [22, 0, 0], sizes = [1, 64, 128], strides = [1, 1, 1]} : vector<125x64x128xf32> to vector<1x64x128xf32>
    %squeeze3A_916 = vector.shape_cast %slice3A_915 : vector<1x64x128xf32> to vector<64x128xf32>
    %dot_general3A_917 = arith.constant dense<0.000000e+00> : vector<125x128xf32>
    %dot_general3A_918 = tpu.matmul %mul3A_914, %squeeze3A_916, %dot_general3A_917 {dimension_numbers = #tpu.dot_dimension_numbers<[1], [0], [0], [1], [0, 0, 1, 1], [], []>, transpose_lhs_hint = false} : vector<125x64xf32>, vector<64x128xf32>, vector<125x128xf32> -> vector<125x128xf32>
    %add3A_919 = arith.addf %add3A_907, %dot_general3A_918 : vector<125x128xf32>
    %slice3A_920 = vector.extract_strided_slice %concatenate3A_809 {offsets = [19, 0], sizes = [106, 64], strides = [1, 1]} : vector<125x64xf32> to vector<106x64xf32>
    %broadcast_in_dim3A_921 = arith.constant 0.000000e+00 : f32
    %broadcast_in_dim3A_922 = vector.broadcast %broadcast_in_dim3A_921 : f32 to vector<19x64xf32>
    %concatenate3A_923 = tpu.concatenate %slice3A_920, %broadcast_in_dim3A_922 in 0 : vector<106x64xf32>, vector<19x64xf32> -> vector<125x64xf32>
    %slice3A_924 = vector.extract_strided_slice %get3A_821 {offsets = [1000, 0], sizes = [125, 1], strides = [1, 1]} : vector<3250x1xf32> to vector<125x1xf32>
    %mul3A_925 = vector.broadcast %slice3A_924 : vector<125x1xf32> to vector<125x64xf32>
    %mul3A_926 = arith.mulf %concatenate3A_923, %mul3A_925 : vector<125x64xf32>
    %slice3A_927 = vector.extract_strided_slice %get3A_813 {offsets = [24, 0, 0], sizes = [1, 64, 128], strides = [1, 1, 1]} : vector<125x64x128xf32> to vector<1x64x128xf32>
    %squeeze3A_928 = vector.shape_cast %slice3A_927 : vector<1x64x128xf32> to vector<64x128xf32>
    %dot_general3A_929 = arith.constant dense<0.000000e+00> : vector<125x128xf32>
    %dot_general3A_930 = tpu.matmul %mul3A_926, %squeeze3A_928, %dot_general3A_929 {dimension_numbers = #tpu.dot_dimension_numbers<[1], [0], [0], [1], [0, 0, 1, 1], [], []>, transpose_lhs_hint = false} : vector<125x64xf32>, vector<64x128xf32>, vector<125x128xf32> -> vector<125x128xf32>
    %add3A_931 = arith.addf %add3A_919, %dot_general3A_930 : vector<125x128xf32>
    %slice3A_932 = vector.extract_strided_slice %concatenate3A_809 {offsets = [6, 0], sizes = [119, 64], strides = [1, 1]} : vector<125x64xf32> to vector<119x64xf32>
    %broadcast_in_dim3A_933 = arith.constant 0.000000e+00 : f32
    %broadcast_in_dim3A_934 = vector.broadcast %broadcast_in_dim3A_933 : f32 to vector<6x64xf32>
    %concatenate3A_935 = tpu.concatenate %slice3A_932, %broadcast_in_dim3A_934 in 0 : vector<119x64xf32>, vector<6x64xf32> -> vector<125x64xf32>
    %slice3A_936 = vector.extract_strided_slice %get3A_821 {offsets = [1125, 0], sizes = [125, 1], strides = [1, 1]} : vector<3250x1xf32> to vector<125x1xf32>
    %mul3A_937 = vector.broadcast %slice3A_936 : vector<125x1xf32> to vector<125x64xf32>
    %mul3A_938 = arith.mulf %concatenate3A_935, %mul3A_937 : vector<125x64xf32>
    %slice3A_939 = vector.extract_strided_slice %get3A_813 {offsets = [50, 0, 0], sizes = [1, 64, 128], strides = [1, 1, 1]} : vector<125x64x128xf32> to vector<1x64x128xf32>
    %squeeze3A_940 = vector.shape_cast %slice3A_939 : vector<1x64x128xf32> to vector<64x128xf32>
    %dot_general3A_941 = arith.constant dense<0.000000e+00> : vector<125x128xf32>
    %dot_general3A_942 = tpu.matmul %mul3A_938, %squeeze3A_940, %dot_general3A_941 {dimension_numbers = #tpu.dot_dimension_numbers<[1], [0], [0], [1], [0, 0, 1, 1], [], []>, transpose_lhs_hint = false} : vector<125x64xf32>, vector<64x128xf32>, vector<125x128xf32> -> vector<125x128xf32>
    %add3A_943 = arith.addf %add3A_931, %dot_general3A_942 : vector<125x128xf32>
    %slice3A_944 = vector.extract_strided_slice %concatenate3A_809 {offsets = [5, 0], sizes = [120, 64], strides = [1, 1]} : vector<125x64xf32> to vector<120x64xf32>
    %broadcast_in_dim3A_945 = arith.constant 0.000000e+00 : f32
    %broadcast_in_dim3A_946 = vector.broadcast %broadcast_in_dim3A_945 : f32 to vector<5x64xf32>
    %concatenate3A_947 = tpu.concatenate %slice3A_944, %broadcast_in_dim3A_946 in 0 : vector<120x64xf32>, vector<5x64xf32> -> vector<125x64xf32>
    %slice3A_948 = vector.extract_strided_slice %get3A_821 {offsets = [1250, 0], sizes = [125, 1], strides = [1, 1]} : vector<3250x1xf32> to vector<125x1xf32>
    %mul3A_949 = vector.broadcast %slice3A_948 : vector<125x1xf32> to vector<125x64xf32>
    %mul3A_950 = arith.mulf %concatenate3A_947, %mul3A_949 : vector<125x64xf32>
    %slice3A_951 = vector.extract_strided_slice %get3A_813 {offsets = [52, 0, 0], sizes = [1, 64, 128], strides = [1, 1, 1]} : vector<125x64x128xf32> to vector<1x64x128xf32>
    %squeeze3A_952 = vector.shape_cast %slice3A_951 : vector<1x64x128xf32> to vector<64x128xf32>
    %dot_general3A_953 = arith.constant dense<0.000000e+00> : vector<125x128xf32>
    %dot_general3A_954 = tpu.matmul %mul3A_950, %squeeze3A_952, %dot_general3A_953 {dimension_numbers = #tpu.dot_dimension_numbers<[1], [0], [0], [1], [0, 0, 1, 1], [], []>, transpose_lhs_hint = false} : vector<125x64xf32>, vector<64x128xf32>, vector<125x128xf32> -> vector<125x128xf32>
    %add3A_955 = arith.addf %add3A_943, %dot_general3A_954 : vector<125x128xf32>
    %slice3A_956 = vector.extract_strided_slice %concatenate3A_809 {offsets = [4, 0], sizes = [121, 64], strides = [1, 1]} : vector<125x64xf32> to vector<121x64xf32>
    %broadcast_in_dim3A_957 = arith.constant 0.000000e+00 : f32
    %broadcast_in_dim3A_958 = vector.broadcast %broadcast_in_dim3A_957 : f32 to vector<4x64xf32>
    %concatenate3A_959 = tpu.concatenate %slice3A_956, %broadcast_in_dim3A_958 in 0 : vector<121x64xf32>, vector<4x64xf32> -> vector<125x64xf32>
    %slice3A_960 = vector.extract_strided_slice %get3A_821 {offsets = [1375, 0], sizes = [125, 1], strides = [1, 1]} : vector<3250x1xf32> to vector<125x1xf32>
    %mul3A_961 = vector.broadcast %slice3A_960 : vector<125x1xf32> to vector<125x64xf32>
    %mul3A_962 = arith.mulf %concatenate3A_959, %mul3A_961 : vector<125x64xf32>
    %slice3A_963 = vector.extract_strided_slice %get3A_813 {offsets = [54, 0, 0], sizes = [1, 64, 128], strides = [1, 1, 1]} : vector<125x64x128xf32> to vector<1x64x128xf32>
    %squeeze3A_964 = vector.shape_cast %slice3A_963 : vector<1x64x128xf32> to vector<64x128xf32>
    %dot_general3A_965 = arith.constant dense<0.000000e+00> : vector<125x128xf32>
    %dot_general3A_966 = tpu.matmul %mul3A_962, %squeeze3A_964, %dot_general3A_965 {dimension_numbers = #tpu.dot_dimension_numbers<[1], [0], [0], [1], [0, 0, 1, 1], [], []>, transpose_lhs_hint = false} : vector<125x64xf32>, vector<64x128xf32>, vector<125x128xf32> -> vector<125x128xf32>
    %add3A_967 = arith.addf %add3A_955, %dot_general3A_966 : vector<125x128xf32>
    %slice3A_968 = vector.extract_strided_slice %concatenate3A_809 {offsets = [1, 0], sizes = [124, 64], strides = [1, 1]} : vector<125x64xf32> to vector<124x64xf32>
    %broadcast_in_dim3A_969 = arith.constant 0.000000e+00 : f32
    %broadcast_in_dim3A_970 = vector.broadcast %broadcast_in_dim3A_969 : f32 to vector<1x64xf32>
    %concatenate3A_971 = tpu.concatenate %slice3A_968, %broadcast_in_dim3A_970 in 0 : vector<124x64xf32>, vector<1x64xf32> -> vector<125x64xf32>
    %slice3A_972 = vector.extract_strided_slice %get3A_821 {offsets = [1500, 0], sizes = [125, 1], strides = [1, 1]} : vector<3250x1xf32> to vector<125x1xf32>
    %mul3A_973 = vector.broadcast %slice3A_972 : vector<125x1xf32> to vector<125x64xf32>
    %mul3A_974 = arith.mulf %concatenate3A_971, %mul3A_973 : vector<125x64xf32>
    %slice3A_975 = vector.extract_strided_slice %get3A_813 {offsets = [60, 0, 0], sizes = [1, 64, 128], strides = [1, 1, 1]} : vector<125x64x128xf32> to vector<1x64x128xf32>
    %squeeze3A_976 = vector.shape_cast %slice3A_975 : vector<1x64x128xf32> to vector<64x128xf32>
    %dot_general3A_977 = arith.constant dense<0.000000e+00> : vector<125x128xf32>
    %dot_general3A_978 = tpu.matmul %mul3A_974, %squeeze3A_976, %dot_general3A_977 {dimension_numbers = #tpu.dot_dimension_numbers<[1], [0], [0], [1], [0, 0, 1, 1], [], []>, transpose_lhs_hint = false} : vector<125x64xf32>, vector<64x128xf32>, vector<125x128xf32> -> vector<125x128xf32>
    %add3A_979 = arith.addf %add3A_967, %dot_general3A_978 : vector<125x128xf32>
    %broadcast_in_dim3A_980 = arith.constant 0.000000e+00 : f32
    %broadcast_in_dim3A_981 = vector.broadcast %broadcast_in_dim3A_980 : f32 to vector<1x64xf32>
    %slice3A_982 = vector.extract_strided_slice %concatenate3A_809 {offsets = [0, 0], sizes = [124, 64], strides = [1, 1]} : vector<125x64xf32> to vector<124x64xf32>
    %concatenate3A_983 = tpu.concatenate %broadcast_in_dim3A_981, %slice3A_982 in 0 : vector<1x64xf32>, vector<124x64xf32> -> vector<125x64xf32>
    %slice3A_984 = vector.extract_strided_slice %get3A_821 {offsets = [1625, 0], sizes = [125, 1], strides = [1, 1]} : vector<3250x1xf32> to vector<125x1xf32>
    %mul3A_985 = vector.broadcast %slice3A_984 : vector<125x1xf32> to vector<125x64xf32>
    %mul3A_986 = arith.mulf %concatenate3A_983, %mul3A_985 : vector<125x64xf32>
    %slice3A_987 = vector.extract_strided_slice %get3A_813 {offsets = [64, 0, 0], sizes = [1, 64, 128], strides = [1, 1, 1]} : vector<125x64x128xf32> to vector<1x64x128xf32>
    %squeeze3A_988 = vector.shape_cast %slice3A_987 : vector<1x64x128xf32> to vector<64x128xf32>
    %dot_general3A_989 = arith.constant dense<0.000000e+00> : vector<125x128xf32>
    %dot_general3A_990 = tpu.matmul %mul3A_986, %squeeze3A_988, %dot_general3A_989 {dimension_numbers = #tpu.dot_dimension_numbers<[1], [0], [0], [1], [0, 0, 1, 1], [], []>, transpose_lhs_hint = false} : vector<125x64xf32>, vector<64x128xf32>, vector<125x128xf32> -> vector<125x128xf32>
    %add3A_991 = arith.addf %add3A_979, %dot_general3A_990 : vector<125x128xf32>
    %broadcast_in_dim3A_992 = arith.constant 0.000000e+00 : f32
    %broadcast_in_dim3A_993 = vector.broadcast %broadcast_in_dim3A_992 : f32 to vector<4x64xf32>
    %slice3A_994 = vector.extract_strided_slice %concatenate3A_809 {offsets = [0, 0], sizes = [121, 64], strides = [1, 1]} : vector<125x64xf32> to vector<121x64xf32>
    %concatenate3A_995 = tpu.concatenate %broadcast_in_dim3A_993, %slice3A_994 in 0 : vector<4x64xf32>, vector<121x64xf32> -> vector<125x64xf32>
    %slice3A_996 = vector.extract_strided_slice %get3A_821 {offsets = [1750, 0], sizes = [125, 1], strides = [1, 1]} : vector<3250x1xf32> to vector<125x1xf32>
    %mul3A_997 = vector.broadcast %slice3A_996 : vector<125x1xf32> to vector<125x64xf32>
    %mul3A_998 = arith.mulf %concatenate3A_995, %mul3A_997 : vector<125x64xf32>
    %slice3A_999 = vector.extract_strided_slice %get3A_813 {offsets = [70, 0, 0], sizes = [1, 64, 128], strides = [1, 1, 1]} : vector<125x64x128xf32> to vector<1x64x128xf32>
    %squeeze3A_1000 = vector.shape_cast %slice3A_999 : vector<1x64x128xf32> to vector<64x128xf32>
    %dot_general3A_1001 = arith.constant dense<0.000000e+00> : vector<125x128xf32>
    %dot_general3A_1002 = tpu.matmul %mul3A_998, %squeeze3A_1000, %dot_general3A_1001 {dimension_numbers = #tpu.dot_dimension_numbers<[1], [0], [0], [1], [0, 0, 1, 1], [], []>, transpose_lhs_hint = false} : vector<125x64xf32>, vector<64x128xf32>, vector<125x128xf32> -> vector<125x128xf32>
    %add3A_1003 = arith.addf %add3A_991, %dot_general3A_1002 : vector<125x128xf32>
    %broadcast_in_dim3A_1004 = arith.constant 0.000000e+00 : f32
    %broadcast_in_dim3A_1005 = vector.broadcast %broadcast_in_dim3A_1004 : f32 to vector<5x64xf32>
    %slice3A_1006 = vector.extract_strided_slice %concatenate3A_809 {offsets = [0, 0], sizes = [120, 64], strides = [1, 1]} : vector<125x64xf32> to vector<120x64xf32>
    %concatenate3A_1007 = tpu.concatenate %broadcast_in_dim3A_1005, %slice3A_1006 in 0 : vector<5x64xf32>, vector<120x64xf32> -> vector<125x64xf32>
    %slice3A_1008 = vector.extract_strided_slice %get3A_821 {offsets = [1875, 0], sizes = [125, 1], strides = [1, 1]} : vector<3250x1xf32> to vector<125x1xf32>
    %mul3A_1009 = vector.broadcast %slice3A_1008 : vector<125x1xf32> to vector<125x64xf32>
    %mul3A_1010 = arith.mulf %concatenate3A_1007, %mul3A_1009 : vector<125x64xf32>
    %slice3A_1011 = vector.extract_strided_slice %get3A_813 {offsets = [72, 0, 0], sizes = [1, 64, 128], strides = [1, 1, 1]} : vector<125x64x128xf32> to vector<1x64x128xf32>
    %squeeze3A_1012 = vector.shape_cast %slice3A_1011 : vector<1x64x128xf32> to vector<64x128xf32>
    %dot_general3A_1013 = arith.constant dense<0.000000e+00> : vector<125x128xf32>
    %dot_general3A_1014 = tpu.matmul %mul3A_1010, %squeeze3A_1012, %dot_general3A_1013 {dimension_numbers = #tpu.dot_dimension_numbers<[1], [0], [0], [1], [0, 0, 1, 1], [], []>, transpose_lhs_hint = false} : vector<125x64xf32>, vector<64x128xf32>, vector<125x128xf32> -> vector<125x128xf32>
    %add3A_1015 = arith.addf %add3A_1003, %dot_general3A_1014 : vector<125x128xf32>
    %broadcast_in_dim3A_1016 = arith.constant 0.000000e+00 : f32
    %broadcast_in_dim3A_1017 = vector.broadcast %broadcast_in_dim3A_1016 : f32 to vector<6x64xf32>
    %slice3A_1018 = vector.extract_strided_slice %concatenate3A_809 {offsets = [0, 0], sizes = [119, 64], strides = [1, 1]} : vector<125x64xf32> to vector<119x64xf32>
    %concatenate3A_1019 = tpu.concatenate %broadcast_in_dim3A_1017, %slice3A_1018 in 0 : vector<6x64xf32>, vector<119x64xf32> -> vector<125x64xf32>
    %slice3A_1020 = vector.extract_strided_slice %get3A_821 {offsets = [2000, 0], sizes = [125, 1], strides = [1, 1]} : vector<3250x1xf32> to vector<125x1xf32>
    %mul3A_1021 = vector.broadcast %slice3A_1020 : vector<125x1xf32> to vector<125x64xf32>
    %mul3A_1022 = arith.mulf %concatenate3A_1019, %mul3A_1021 : vector<125x64xf32>
    %slice3A_1023 = vector.extract_strided_slice %get3A_813 {offsets = [74, 0, 0], sizes = [1, 64, 128], strides = [1, 1, 1]} : vector<125x64x128xf32> to vector<1x64x128xf32>
    %squeeze3A_1024 = vector.shape_cast %slice3A_1023 : vector<1x64x128xf32> to vector<64x128xf32>
    %dot_general3A_1025 = arith.constant dense<0.000000e+00> : vector<125x128xf32>
    %dot_general3A_1026 = tpu.matmul %mul3A_1022, %squeeze3A_1024, %dot_general3A_1025 {dimension_numbers = #tpu.dot_dimension_numbers<[1], [0], [0], [1], [0, 0, 1, 1], [], []>, transpose_lhs_hint = false} : vector<125x64xf32>, vector<64x128xf32>, vector<125x128xf32> -> vector<125x128xf32>
    %add3A_1027 = arith.addf %add3A_1015, %dot_general3A_1026 : vector<125x128xf32>
    %broadcast_in_dim3A_1028 = arith.constant 0.000000e+00 : f32
    %broadcast_in_dim3A_1029 = vector.broadcast %broadcast_in_dim3A_1028 : f32 to vector<19x64xf32>
    %slice3A_1030 = vector.extract_strided_slice %concatenate3A_809 {offsets = [0, 0], sizes = [106, 64], strides = [1, 1]} : vector<125x64xf32> to vector<106x64xf32>
    %concatenate3A_1031 = tpu.concatenate %broadcast_in_dim3A_1029, %slice3A_1030 in 0 : vector<19x64xf32>, vector<106x64xf32> -> vector<125x64xf32>
    %slice3A_1032 = vector.extract_strided_slice %get3A_821 {offsets = [2125, 0], sizes = [125, 1], strides = [1, 1]} : vector<3250x1xf32> to vector<125x1xf32>
    %mul3A_1033 = vector.broadcast %slice3A_1032 : vector<125x1xf32> to vector<125x64xf32>
    %mul3A_1034 = arith.mulf %concatenate3A_1031, %mul3A_1033 : vector<125x64xf32>
    %slice3A_1035 = vector.extract_strided_slice %get3A_813 {offsets = [100, 0, 0], sizes = [1, 64, 128], strides = [1, 1, 1]} : vector<125x64x128xf32> to vector<1x64x128xf32>
    %squeeze3A_1036 = vector.shape_cast %slice3A_1035 : vector<1x64x128xf32> to vector<64x128xf32>
    %dot_general3A_1037 = arith.constant dense<0.000000e+00> : vector<125x128xf32>
    %dot_general3A_1038 = tpu.matmul %mul3A_1034, %squeeze3A_1036, %dot_general3A_1037 {dimension_numbers = #tpu.dot_dimension_numbers<[1], [0], [0], [1], [0, 0, 1, 1], [], []>, transpose_lhs_hint = false} : vector<125x64xf32>, vector<64x128xf32>, vector<125x128xf32> -> vector<125x128xf32>
    %add3A_1039 = arith.addf %add3A_1027, %dot_general3A_1038 : vector<125x128xf32>
    %broadcast_in_dim3A_1040 = arith.constant 0.000000e+00 : f32
    %broadcast_in_dim3A_1041 = vector.broadcast %broadcast_in_dim3A_1040 : f32 to vector<20x64xf32>
    %slice3A_1042 = vector.extract_strided_slice %concatenate3A_809 {offsets = [0, 0], sizes = [105, 64], strides = [1, 1]} : vector<125x64xf32> to vector<105x64xf32>
    %concatenate3A_1043 = tpu.concatenate %broadcast_in_dim3A_1041, %slice3A_1042 in 0 : vector<20x64xf32>, vector<105x64xf32> -> vector<125x64xf32>
    %slice3A_1044 = vector.extract_strided_slice %get3A_821 {offsets = [2250, 0], sizes = [125, 1], strides = [1, 1]} : vector<3250x1xf32> to vector<125x1xf32>
    %mul3A_1045 = vector.broadcast %slice3A_1044 : vector<125x1xf32> to vector<125x64xf32>
    %mul3A_1046 = arith.mulf %concatenate3A_1043, %mul3A_1045 : vector<125x64xf32>
    %slice3A_1047 = vector.extract_strided_slice %get3A_813 {offsets = [102, 0, 0], sizes = [1, 64, 128], strides = [1, 1, 1]} : vector<125x64x128xf32> to vector<1x64x128xf32>
    %squeeze3A_1048 = vector.shape_cast %slice3A_1047 : vector<1x64x128xf32> to vector<64x128xf32>
    %dot_general3A_1049 = arith.constant dense<0.000000e+00> : vector<125x128xf32>
    %dot_general3A_1050 = tpu.matmul %mul3A_1046, %squeeze3A_1048, %dot_general3A_1049 {dimension_numbers = #tpu.dot_dimension_numbers<[1], [0], [0], [1], [0, 0, 1, 1], [], []>, transpose_lhs_hint = false} : vector<125x64xf32>, vector<64x128xf32>, vector<125x128xf32> -> vector<125x128xf32>
    %add3A_1051 = arith.addf %add3A_1039, %dot_general3A_1050 : vector<125x128xf32>
    %broadcast_in_dim3A_1052 = arith.constant 0.000000e+00 : f32
    %broadcast_in_dim3A_1053 = vector.broadcast %broadcast_in_dim3A_1052 : f32 to vector<21x64xf32>
    %slice3A_1054 = vector.extract_strided_slice %concatenate3A_809 {offsets = [0, 0], sizes = [104, 64], strides = [1, 1]} : vector<125x64xf32> to vector<104x64xf32>
    %concatenate3A_1055 = tpu.concatenate %broadcast_in_dim3A_1053, %slice3A_1054 in 0 : vector<21x64xf32>, vector<104x64xf32> -> vector<125x64xf32>
    %slice3A_1056 = vector.extract_strided_slice %get3A_821 {offsets = [2375, 0], sizes = [125, 1], strides = [1, 1]} : vector<3250x1xf32> to vector<125x1xf32>
    %mul3A_1057 = vector.broadcast %slice3A_1056 : vector<125x1xf32> to vector<125x64xf32>
    %mul3A_1058 = arith.mulf %concatenate3A_1055, %mul3A_1057 : vector<125x64xf32>
    %slice3A_1059 = vector.extract_strided_slice %get3A_813 {offsets = [104, 0, 0], sizes = [1, 64, 128], strides = [1, 1, 1]} : vector<125x64x128xf32> to vector<1x64x128xf32>
    %squeeze3A_1060 = vector.shape_cast %slice3A_1059 : vector<1x64x128xf32> to vector<64x128xf32>
    %dot_general3A_1061 = arith.constant dense<0.000000e+00> : vector<125x128xf32>
    %dot_general3A_1062 = tpu.matmul %mul3A_1058, %squeeze3A_1060, %dot_general3A_1061 {dimension_numbers = #tpu.dot_dimension_numbers<[1], [0], [0], [1], [0, 0, 1, 1], [], []>, transpose_lhs_hint = false} : vector<125x64xf32>, vector<64x128xf32>, vector<125x128xf32> -> vector<125x128xf32>
    %add3A_1063 = arith.addf %add3A_1051, %dot_general3A_1062 : vector<125x128xf32>
    %broadcast_in_dim3A_1064 = arith.constant 0.000000e+00 : f32
    %broadcast_in_dim3A_1065 = vector.broadcast %broadcast_in_dim3A_1064 : f32 to vector<24x64xf32>
    %slice3A_1066 = vector.extract_strided_slice %concatenate3A_809 {offsets = [0, 0], sizes = [101, 64], strides = [1, 1]} : vector<125x64xf32> to vector<101x64xf32>
    %concatenate3A_1067 = tpu.concatenate %broadcast_in_dim3A_1065, %slice3A_1066 in 0 : vector<24x64xf32>, vector<101x64xf32> -> vector<125x64xf32>
    %slice3A_1068 = vector.extract_strided_slice %get3A_821 {offsets = [2500, 0], sizes = [125, 1], strides = [1, 1]} : vector<3250x1xf32> to vector<125x1xf32>
    %mul3A_1069 = vector.broadcast %slice3A_1068 : vector<125x1xf32> to vector<125x64xf32>
    %mul3A_1070 = arith.mulf %concatenate3A_1067, %mul3A_1069 : vector<125x64xf32>
    %slice3A_1071 = vector.extract_strided_slice %get3A_813 {offsets = [110, 0, 0], sizes = [1, 64, 128], strides = [1, 1, 1]} : vector<125x64x128xf32> to vector<1x64x128xf32>
    %squeeze3A_1072 = vector.shape_cast %slice3A_1071 : vector<1x64x128xf32> to vector<64x128xf32>
    %dot_general3A_1073 = arith.constant dense<0.000000e+00> : vector<125x128xf32>
    %dot_general3A_1074 = tpu.matmul %mul3A_1070, %squeeze3A_1072, %dot_general3A_1073 {dimension_numbers = #tpu.dot_dimension_numbers<[1], [0], [0], [1], [0, 0, 1, 1], [], []>, transpose_lhs_hint = false} : vector<125x64xf32>, vector<64x128xf32>, vector<125x128xf32> -> vector<125x128xf32>
    %add3A_1075 = arith.addf %add3A_1063, %dot_general3A_1074 : vector<125x128xf32>
    %broadcast_in_dim3A_1076 = arith.constant 0.000000e+00 : f32
    %broadcast_in_dim3A_1077 = vector.broadcast %broadcast_in_dim3A_1076 : f32 to vector<25x64xf32>
    %slice3A_1078 = vector.extract_strided_slice %concatenate3A_809 {offsets = [0, 0], sizes = [100, 64], strides = [1, 1]} : vector<125x64xf32> to vector<100x64xf32>
    %concatenate3A_1079 = tpu.concatenate %broadcast_in_dim3A_1077, %slice3A_1078 in 0 : vector<25x64xf32>, vector<100x64xf32> -> vector<125x64xf32>
    %slice3A_1080 = vector.extract_strided_slice %get3A_821 {offsets = [2625, 0], sizes = [125, 1], strides = [1, 1]} : vector<3250x1xf32> to vector<125x1xf32>
    %mul3A_1081 = vector.broadcast %slice3A_1080 : vector<125x1xf32> to vector<125x64xf32>
    %mul3A_1082 = arith.mulf %concatenate3A_1079, %mul3A_1081 : vector<125x64xf32>
    %slice3A_1083 = vector.extract_strided_slice %get3A_813 {offsets = [112, 0, 0], sizes = [1, 64, 128], strides = [1, 1, 1]} : vector<125x64x128xf32> to vector<1x64x128xf32>
    %squeeze3A_1084 = vector.shape_cast %slice3A_1083 : vector<1x64x128xf32> to vector<64x128xf32>
    %dot_general3A_1085 = arith.constant dense<0.000000e+00> : vector<125x128xf32>
    %dot_general3A_1086 = tpu.matmul %mul3A_1082, %squeeze3A_1084, %dot_general3A_1085 {dimension_numbers = #tpu.dot_dimension_numbers<[1], [0], [0], [1], [0, 0, 1, 1], [], []>, transpose_lhs_hint = false} : vector<125x64xf32>, vector<64x128xf32>, vector<125x128xf32> -> vector<125x128xf32>
    %add3A_1087 = arith.addf %add3A_1075, %dot_general3A_1086 : vector<125x128xf32>
    %broadcast_in_dim3A_1088 = arith.constant 0.000000e+00 : f32
    %broadcast_in_dim3A_1089 = vector.broadcast %broadcast_in_dim3A_1088 : f32 to vector<26x64xf32>
    %slice3A_1090 = vector.extract_strided_slice %concatenate3A_809 {offsets = [0, 0], sizes = [99, 64], strides = [1, 1]} : vector<125x64xf32> to vector<99x64xf32>
    %concatenate3A_1091 = tpu.concatenate %broadcast_in_dim3A_1089, %slice3A_1090 in 0 : vector<26x64xf32>, vector<99x64xf32> -> vector<125x64xf32>
    %slice3A_1092 = vector.extract_strided_slice %get3A_821 {offsets = [2750, 0], sizes = [125, 1], strides = [1, 1]} : vector<3250x1xf32> to vector<125x1xf32>
    %mul3A_1093 = vector.broadcast %slice3A_1092 : vector<125x1xf32> to vector<125x64xf32>
    %mul3A_1094 = arith.mulf %concatenate3A_1091, %mul3A_1093 : vector<125x64xf32>
    %slice3A_1095 = vector.extract_strided_slice %get3A_813 {offsets = [114, 0, 0], sizes = [1, 64, 128], strides = [1, 1, 1]} : vector<125x64x128xf32> to vector<1x64x128xf32>
    %squeeze3A_1096 = vector.shape_cast %slice3A_1095 : vector<1x64x128xf32> to vector<64x128xf32>
    %dot_general3A_1097 = arith.constant dense<0.000000e+00> : vector<125x128xf32>
    %dot_general3A_1098 = tpu.matmul %mul3A_1094, %squeeze3A_1096, %dot_general3A_1097 {dimension_numbers = #tpu.dot_dimension_numbers<[1], [0], [0], [1], [0, 0, 1, 1], [], []>, transpose_lhs_hint = false} : vector<125x64xf32>, vector<64x128xf32>, vector<125x128xf32> -> vector<125x128xf32>
    %add3A_1099 = arith.addf %add3A_1087, %dot_general3A_1098 : vector<125x128xf32>
    %broadcast_in_dim3A_1100 = arith.constant 0.000000e+00 : f32
    %broadcast_in_dim3A_1101 = vector.broadcast %broadcast_in_dim3A_1100 : f32 to vector<29x64xf32>
    %slice3A_1102 = vector.extract_strided_slice %concatenate3A_809 {offsets = [0, 0], sizes = [96, 64], strides = [1, 1]} : vector<125x64xf32> to vector<96x64xf32>
    %concatenate3A_1103 = tpu.concatenate %broadcast_in_dim3A_1101, %slice3A_1102 in 0 : vector<29x64xf32>, vector<96x64xf32> -> vector<125x64xf32>
    %slice3A_1104 = vector.extract_strided_slice %get3A_821 {offsets = [2875, 0], sizes = [125, 1], strides = [1, 1]} : vector<3250x1xf32> to vector<125x1xf32>
    %mul3A_1105 = vector.broadcast %slice3A_1104 : vector<125x1xf32> to vector<125x64xf32>
    %mul3A_1106 = arith.mulf %concatenate3A_1103, %mul3A_1105 : vector<125x64xf32>
    %slice3A_1107 = vector.extract_strided_slice %get3A_813 {offsets = [120, 0, 0], sizes = [1, 64, 128], strides = [1, 1, 1]} : vector<125x64x128xf32> to vector<1x64x128xf32>
    %squeeze3A_1108 = vector.shape_cast %slice3A_1107 : vector<1x64x128xf32> to vector<64x128xf32>
    %dot_general3A_1109 = arith.constant dense<0.000000e+00> : vector<125x128xf32>
    %dot_general3A_1110 = tpu.matmul %mul3A_1106, %squeeze3A_1108, %dot_general3A_1109 {dimension_numbers = #tpu.dot_dimension_numbers<[1], [0], [0], [1], [0, 0, 1, 1], [], []>, transpose_lhs_hint = false} : vector<125x64xf32>, vector<64x128xf32>, vector<125x128xf32> -> vector<125x128xf32>
    %add3A_1111 = arith.addf %add3A_1099, %dot_general3A_1110 : vector<125x128xf32>
    %broadcast_in_dim3A_1112 = arith.constant 0.000000e+00 : f32
    %broadcast_in_dim3A_1113 = vector.broadcast %broadcast_in_dim3A_1112 : f32 to vector<30x64xf32>
    %slice3A_1114 = vector.extract_strided_slice %concatenate3A_809 {offsets = [0, 0], sizes = [95, 64], strides = [1, 1]} : vector<125x64xf32> to vector<95x64xf32>
    %concatenate3A_1115 = tpu.concatenate %broadcast_in_dim3A_1113, %slice3A_1114 in 0 : vector<30x64xf32>, vector<95x64xf32> -> vector<125x64xf32>
    %slice3A_1116 = vector.extract_strided_slice %get3A_821 {offsets = [3000, 0], sizes = [125, 1], strides = [1, 1]} : vector<3250x1xf32> to vector<125x1xf32>
    %mul3A_1117 = vector.broadcast %slice3A_1116 : vector<125x1xf32> to vector<125x64xf32>
    %mul3A_1118 = arith.mulf %concatenate3A_1115, %mul3A_1117 : vector<125x64xf32>
    %slice3A_1119 = vector.extract_strided_slice %get3A_813 {offsets = [122, 0, 0], sizes = [1, 64, 128], strides = [1, 1, 1]} : vector<125x64x128xf32> to vector<1x64x128xf32>
    %squeeze3A_1120 = vector.shape_cast %slice3A_1119 : vector<1x64x128xf32> to vector<64x128xf32>
    %dot_general3A_1121 = arith.constant dense<0.000000e+00> : vector<125x128xf32>
    %dot_general3A_1122 = tpu.matmul %mul3A_1118, %squeeze3A_1120, %dot_general3A_1121 {dimension_numbers = #tpu.dot_dimension_numbers<[1], [0], [0], [1], [0, 0, 1, 1], [], []>, transpose_lhs_hint = false} : vector<125x64xf32>, vector<64x128xf32>, vector<125x128xf32> -> vector<125x128xf32>
    %add3A_1123 = arith.addf %add3A_1111, %dot_general3A_1122 : vector<125x128xf32>
    %broadcast_in_dim3A_1124 = arith.constant 0.000000e+00 : f32
    %broadcast_in_dim3A_1125 = vector.broadcast %broadcast_in_dim3A_1124 : f32 to vector<31x64xf32>
    %slice3A_1126 = vector.extract_strided_slice %concatenate3A_809 {offsets = [0, 0], sizes = [94, 64], strides = [1, 1]} : vector<125x64xf32> to vector<94x64xf32>
    %concatenate3A_1127 = tpu.concatenate %broadcast_in_dim3A_1125, %slice3A_1126 in 0 : vector<31x64xf32>, vector<94x64xf32> -> vector<125x64xf32>
    %slice3A_1128 = vector.extract_strided_slice %get3A_821 {offsets = [3125, 0], sizes = [125, 1], strides = [1, 1]} : vector<3250x1xf32> to vector<125x1xf32>
    %mul3A_1129 = vector.broadcast %slice3A_1128 : vector<125x1xf32> to vector<125x64xf32>
    %mul3A_1130 = arith.mulf %concatenate3A_1127, %mul3A_1129 : vector<125x64xf32>
    %slice3A_1131 = vector.extract_strided_slice %get3A_813 {offsets = [124, 0, 0], sizes = [1, 64, 128], strides = [1, 1, 1]} : vector<125x64x128xf32> to vector<1x64x128xf32>
    %squeeze3A_1132 = vector.shape_cast %slice3A_1131 : vector<1x64x128xf32> to vector<64x128xf32>
    %dot_general3A_1133 = arith.constant dense<0.000000e+00> : vector<125x128xf32>
    %dot_general3A_1134 = tpu.matmul %mul3A_1130, %squeeze3A_1132, %dot_general3A_1133 {dimension_numbers = #tpu.dot_dimension_numbers<[1], [0], [0], [1], [0, 0, 1, 1], [], []>, transpose_lhs_hint = false} : vector<125x64xf32>, vector<64x128xf32>, vector<125x128xf32> -> vector<125x128xf32>
    %add3A_1135 = arith.addf %add3A_1123, %dot_general3A_1134 : vector<125x128xf32>
    %mul3A_1136 = vector.broadcast %get3A_824 : vector<125x1xf32> to vector<125x128xf32>
    %mul3A_1137 = arith.mulf %add3A_1135, %mul3A_1136 : vector<125x128xf32>
    %dot_general3A_1138 = arith.constant dense<0.000000e+00> : vector<125x128xf32>
    %dot_general3A_1139 = tpu.matmul %concatenate3A_809, %get3A_816, %dot_general3A_1138 {dimension_numbers = #tpu.dot_dimension_numbers<[1], [0], [0], [1], [0, 0, 1, 1], [], []>, transpose_lhs_hint = false} : vector<125x64xf32>, vector<64x128xf32>, vector<125x128xf32> -> vector<125x128xf32>
    %add3A_1140 = arith.addf %mul3A_1137, %dot_general3A_1139 : vector<125x128xf32>
    %broadcast_in_dim3A_1141 = vector.shape_cast %get3A_818 : vector<128xf32> to vector<1x128xf32>
    %add3A_1142 = vector.broadcast %broadcast_in_dim3A_1141 : vector<1x128xf32> to vector<125x128xf32>
    %add3A_1143 = arith.addf %add3A_1140, %add3A_1142 : vector<125x128xf32>
    %gt3A_1144 = arith.constant 0.000000e+00 : f32
    %gt3A_1145 = vector.broadcast %gt3A_1144 : f32 to vector<125x128xf32>
    %gt3A_1146 = arith.cmpf ogt, %add3A_1143, %gt3A_1145 : vector<125x128xf32>
    %min3A_1147 = arith.constant 0.000000e+00 : f32
    %min3A_1148 = vector.broadcast %min3A_1147 : f32 to vector<125x128xf32>
    %min3A_1149 = arith.minimumf %add3A_1143, %min3A_1148 : vector<125x128xf32>
    %exp3A_1150 = math.exp %min3A_1149 : vector<125x128xf32>
    %sub3A_1151 = arith.constant 1.000000e+00 : f32
    %sub3A_1152 = vector.broadcast %sub3A_1151 : f32 to vector<125x128xf32>
    %sub3A_1153 = arith.subf %exp3A_1150, %sub3A_1152 : vector<125x128xf32>
    %select_n3A_1154 = arith.select %gt3A_1146, %add3A_1143, %sub3A_1153 : vector<125x128xi1>, vector<125x128xf32>
    %get3A_1155 = arith.constant 0 : index
    %get3A_1156 = arith.constant 0 : index
    %get3A_1157 = vector.load %arg28[%get3A_1155, %get3A_1156] : memref<10x25xf32, #tpu.memory_space<vmem>>, vector<10x25xf32>
    %get3A_1158 = arith.constant 0 : index
    %get3A_1159 = arith.constant 0 : index
    %get3A_1160 = vector.load %arg29[%get3A_1158, %get3A_1159] : memref<10x25xf32, #tpu.memory_space<vmem>>, vector<10x25xf32>
    %get3A_1161 = arith.constant 0 : index
    %get3A_1162 = arith.constant 0 : index
    %get3A_1163 = vector.load %arg30[%get3A_1161, %get3A_1162] : memref<10x25xf32, #tpu.memory_space<vmem>>, vector<10x25xf32>
    %get3A_1164 = arith.constant 0 : index
    %get3A_1165 = arith.constant 0 : index
    %get3A_1166 = vector.load %arg31[%get3A_1164, %get3A_1165] : memref<4x10xf32, #tpu.memory_space<vmem>>, vector<4x10xf32>
    %get3A_1167 = arith.constant 0 : index
    %get3A_1168 = arith.constant 0 : index
    %get3A_1169 = vector.load %arg32[%get3A_1167, %get3A_1168] : memref<4x10xf32, #tpu.memory_space<vmem>>, vector<4x10xf32>
    %get3A_1170 = arith.constant 0 : index
    %get3A_1171 = arith.constant 0 : index
    %get3A_1172 = vector.load %arg33[%get3A_1170, %get3A_1171] : memref<4x10xf32, #tpu.memory_space<vmem>>, vector<4x10xf32>
    %slice3A_1173 = vector.extract_strided_slice %select_n3A_1154 {offsets = [0, 0], sizes = [25, 128], strides = [1, 1]} : vector<125x128xf32> to vector<25x128xf32>
    %slice3A_1174 = vector.extract_strided_slice %select_n3A_1154 {offsets = [50, 0], sizes = [25, 128], strides = [1, 1]} : vector<125x128xf32> to vector<25x128xf32>
    %concatenate3A_1175 = tpu.concatenate %slice3A_1173, %slice3A_1174 in 0 : vector<25x128xf32>, vector<25x128xf32> -> vector<50x128xf32>
    %slice3A_1176 = vector.extract_strided_slice %select_n3A_1154 {offsets = [25, 0], sizes = [25, 128], strides = [1, 1]} : vector<125x128xf32> to vector<25x128xf32>
    %slice3A_1177 = vector.extract_strided_slice %select_n3A_1154 {offsets = [75, 0], sizes = [25, 128], strides = [1, 1]} : vector<125x128xf32> to vector<25x128xf32>
    %concatenate3A_1178 = tpu.concatenate %slice3A_1176, %slice3A_1177 in 0 : vector<25x128xf32>, vector<25x128xf32> -> vector<50x128xf32>
    %slice3A_1179 = vector.extract_strided_slice %select_n3A_1154 {offsets = [25, 0], sizes = [25, 128], strides = [1, 1]} : vector<125x128xf32> to vector<25x128xf32>
    %slice3A_1180 = vector.extract_strided_slice %select_n3A_1154 {offsets = [100, 0], sizes = [25, 128], strides = [1, 1]} : vector<125x128xf32> to vector<25x128xf32>
    %concatenate3A_1181 = tpu.concatenate %slice3A_1179, %slice3A_1180 in 0 : vector<25x128xf32>, vector<25x128xf32> -> vector<50x128xf32>
    %max3A_1182 = arith.maximumf %concatenate3A_1175, %concatenate3A_1178 : vector<50x128xf32>
    %max3A_1183 = arith.maximumf %max3A_1182, %concatenate3A_1181 : vector<50x128xf32>
    %slice3A_1184 = vector.extract_strided_slice %max3A_1183 {offsets = [0, 0], sizes = [25, 128], strides = [1, 1]} : vector<50x128xf32> to vector<25x128xf32>
    %dot_general3A_1185 = arith.constant dense<0.000000e+00> : vector<10x128xf32>
    %dot_general3A_1186 = tpu.matmul %get3A_1157, %slice3A_1184, %dot_general3A_1185 {dimension_numbers = #tpu.dot_dimension_numbers<[1], [0], [0], [1], [0, 0, 1, 1], [], []>, transpose_lhs_hint = false} : vector<10x25xf32>, vector<25x128xf32>, vector<10x128xf32> -> vector<10x128xf32>
    %dot_general3A_1187 = arith.constant dense<0.000000e+00> : vector<10x128xf32>
    %dot_general3A_1188 = tpu.matmul %get3A_1160, %slice3A_1184, %dot_general3A_1187 {dimension_numbers = #tpu.dot_dimension_numbers<[1], [0], [0], [1], [0, 0, 1, 1], [], []>, transpose_lhs_hint = false} : vector<10x25xf32>, vector<25x128xf32>, vector<10x128xf32> -> vector<10x128xf32>
    %dot_general3A_1189 = arith.constant dense<0.000000e+00> : vector<10x128xf32>
    %dot_general3A_1190 = tpu.matmul %get3A_1163, %slice3A_1184, %dot_general3A_1189 {dimension_numbers = #tpu.dot_dimension_numbers<[1], [0], [0], [1], [0, 0, 1, 1], [], []>, transpose_lhs_hint = false} : vector<10x25xf32>, vector<25x128xf32>, vector<10x128xf32> -> vector<10x128xf32>
    %max3A_1191 = arith.maximumf %dot_general3A_1186, %dot_general3A_1188 : vector<10x128xf32>
    %max3A_1192 = arith.maximumf %max3A_1191, %dot_general3A_1190 : vector<10x128xf32>
    %slice3A_1193 = vector.extract_strided_slice %max3A_1183 {offsets = [25, 0], sizes = [25, 128], strides = [1, 1]} : vector<50x128xf32> to vector<25x128xf32>
    %dot_general3A_1194 = arith.constant dense<0.000000e+00> : vector<10x128xf32>
    %dot_general3A_1195 = tpu.matmul %get3A_1157, %slice3A_1193, %dot_general3A_1194 {dimension_numbers = #tpu.dot_dimension_numbers<[1], [0], [0], [1], [0, 0, 1, 1], [], []>, transpose_lhs_hint = false} : vector<10x25xf32>, vector<25x128xf32>, vector<10x128xf32> -> vector<10x128xf32>
    %dot_general3A_1196 = arith.constant dense<0.000000e+00> : vector<10x128xf32>
    %dot_general3A_1197 = tpu.matmul %get3A_1160, %slice3A_1193, %dot_general3A_1196 {dimension_numbers = #tpu.dot_dimension_numbers<[1], [0], [0], [1], [0, 0, 1, 1], [], []>, transpose_lhs_hint = false} : vector<10x25xf32>, vector<25x128xf32>, vector<10x128xf32> -> vector<10x128xf32>
    %dot_general3A_1198 = arith.constant dense<0.000000e+00> : vector<10x128xf32>
    %dot_general3A_1199 = tpu.matmul %get3A_1163, %slice3A_1193, %dot_general3A_1198 {dimension_numbers = #tpu.dot_dimension_numbers<[1], [0], [0], [1], [0, 0, 1, 1], [], []>, transpose_lhs_hint = false} : vector<10x25xf32>, vector<25x128xf32>, vector<10x128xf32> -> vector<10x128xf32>
    %max3A_1200 = arith.maximumf %dot_general3A_1195, %dot_general3A_1197 : vector<10x128xf32>
    %max3A_1201 = arith.maximumf %max3A_1200, %dot_general3A_1199 : vector<10x128xf32>
    %concatenate3A_1202 = tpu.concatenate %max3A_1192, %max3A_1201 in 0 : vector<10x128xf32>, vector<10x128xf32> -> vector<20x128xf32>
    %slice3A_1203 = vector.extract_strided_slice %concatenate3A_1202 {offsets = [0, 0], sizes = [10, 128], strides = [1, 1]} : vector<20x128xf32> to vector<10x128xf32>
    %dot_general3A_1204 = arith.constant dense<0.000000e+00> : vector<4x128xf32>
    %dot_general3A_1205 = tpu.matmul %get3A_1166, %slice3A_1203, %dot_general3A_1204 {dimension_numbers = #tpu.dot_dimension_numbers<[1], [0], [0], [1], [0, 0, 1, 1], [], []>, transpose_lhs_hint = false} : vector<4x10xf32>, vector<10x128xf32>, vector<4x128xf32> -> vector<4x128xf32>
    %dot_general3A_1206 = arith.constant dense<0.000000e+00> : vector<4x128xf32>
    %dot_general3A_1207 = tpu.matmul %get3A_1169, %slice3A_1203, %dot_general3A_1206 {dimension_numbers = #tpu.dot_dimension_numbers<[1], [0], [0], [1], [0, 0, 1, 1], [], []>, transpose_lhs_hint = false} : vector<4x10xf32>, vector<10x128xf32>, vector<4x128xf32> -> vector<4x128xf32>
    %dot_general3A_1208 = arith.constant dense<0.000000e+00> : vector<4x128xf32>
    %dot_general3A_1209 = tpu.matmul %get3A_1172, %slice3A_1203, %dot_general3A_1208 {dimension_numbers = #tpu.dot_dimension_numbers<[1], [0], [0], [1], [0, 0, 1, 1], [], []>, transpose_lhs_hint = false} : vector<4x10xf32>, vector<10x128xf32>, vector<4x128xf32> -> vector<4x128xf32>
    %max3A_1210 = arith.maximumf %dot_general3A_1205, %dot_general3A_1207 : vector<4x128xf32>
    %max3A_1211 = arith.maximumf %max3A_1210, %dot_general3A_1209 : vector<4x128xf32>
    %slice3A_1212 = vector.extract_strided_slice %concatenate3A_1202 {offsets = [10, 0], sizes = [10, 128], strides = [1, 1]} : vector<20x128xf32> to vector<10x128xf32>
    %dot_general3A_1213 = arith.constant dense<0.000000e+00> : vector<4x128xf32>
    %dot_general3A_1214 = tpu.matmul %get3A_1166, %slice3A_1212, %dot_general3A_1213 {dimension_numbers = #tpu.dot_dimension_numbers<[1], [0], [0], [1], [0, 0, 1, 1], [], []>, transpose_lhs_hint = false} : vector<4x10xf32>, vector<10x128xf32>, vector<4x128xf32> -> vector<4x128xf32>
    %dot_general3A_1215 = arith.constant dense<0.000000e+00> : vector<4x128xf32>
    %dot_general3A_1216 = tpu.matmul %get3A_1169, %slice3A_1212, %dot_general3A_1215 {dimension_numbers = #tpu.dot_dimension_numbers<[1], [0], [0], [1], [0, 0, 1, 1], [], []>, transpose_lhs_hint = false} : vector<4x10xf32>, vector<10x128xf32>, vector<4x128xf32> -> vector<4x128xf32>
    %dot_general3A_1217 = arith.constant dense<0.000000e+00> : vector<4x128xf32>
    %dot_general3A_1218 = tpu.matmul %get3A_1172, %slice3A_1212, %dot_general3A_1217 {dimension_numbers = #tpu.dot_dimension_numbers<[1], [0], [0], [1], [0, 0, 1, 1], [], []>, transpose_lhs_hint = false} : vector<4x10xf32>, vector<10x128xf32>, vector<4x128xf32> -> vector<4x128xf32>
    %max3A_1219 = arith.maximumf %dot_general3A_1214, %dot_general3A_1216 : vector<4x128xf32>
    %max3A_1220 = arith.maximumf %max3A_1219, %dot_general3A_1218 : vector<4x128xf32>
    %concatenate3A_1221 = tpu.concatenate %max3A_1211, %max3A_1220 in 0 : vector<4x128xf32>, vector<4x128xf32> -> vector<8x128xf32>
    %get3A_1222 = arith.constant 0 : index
    %get3A_1223 = arith.constant 0 : index
    %get3A_1224 = vector.load %arg10[%get3A_1222, %get3A_1223] : memref<1024x256xf32, #tpu.memory_space<vmem>>, vector<1024x256xf32>
    %slice3A_1225 = vector.extract_strided_slice %concatenate3A_1221 {offsets = [0, 0], sizes = [1, 128], strides = [1, 1]} : vector<8x128xf32> to vector<1x128xf32>
    %slice3A_1226 = vector.extract_strided_slice %get3A_1224 {offsets = [0, 0], sizes = [128, 256], strides = [1, 1]} : vector<1024x256xf32> to vector<128x256xf32>
    %dot_general3A_1227 = arith.constant dense<0.000000e+00> : vector<1x256xf32>
    %dot_general3A_1228 = tpu.matmul %slice3A_1225, %slice3A_1226, %dot_general3A_1227 {dimension_numbers = #tpu.dot_dimension_numbers<[1], [0], [0], [1], [0, 0, 1, 1], [], []>, transpose_lhs_hint = false} : vector<1x128xf32>, vector<128x256xf32>, vector<1x256xf32> -> vector<1x256xf32>
    %slice3A_1229 = vector.extract_strided_slice %concatenate3A_1221 {offsets = [1, 0], sizes = [1, 128], strides = [1, 1]} : vector<8x128xf32> to vector<1x128xf32>
    %slice3A_1230 = vector.extract_strided_slice %get3A_1224 {offsets = [128, 0], sizes = [128, 256], strides = [1, 1]} : vector<1024x256xf32> to vector<128x256xf32>
    %dot_general3A_1231 = arith.constant dense<0.000000e+00> : vector<1x256xf32>
    %dot_general3A_1232 = tpu.matmul %slice3A_1229, %slice3A_1230, %dot_general3A_1231 {dimension_numbers = #tpu.dot_dimension_numbers<[1], [0], [0], [1], [0, 0, 1, 1], [], []>, transpose_lhs_hint = false} : vector<1x128xf32>, vector<128x256xf32>, vector<1x256xf32> -> vector<1x256xf32>
    %add3A_1233 = arith.addf %dot_general3A_1228, %dot_general3A_1232 : vector<1x256xf32>
    %slice3A_1234 = vector.extract_strided_slice %concatenate3A_1221 {offsets = [2, 0], sizes = [1, 128], strides = [1, 1]} : vector<8x128xf32> to vector<1x128xf32>
    %slice3A_1235 = vector.extract_strided_slice %get3A_1224 {offsets = [256, 0], sizes = [128, 256], strides = [1, 1]} : vector<1024x256xf32> to vector<128x256xf32>
    %dot_general3A_1236 = arith.constant dense<0.000000e+00> : vector<1x256xf32>
    %dot_general3A_1237 = tpu.matmul %slice3A_1234, %slice3A_1235, %dot_general3A_1236 {dimension_numbers = #tpu.dot_dimension_numbers<[1], [0], [0], [1], [0, 0, 1, 1], [], []>, transpose_lhs_hint = false} : vector<1x128xf32>, vector<128x256xf32>, vector<1x256xf32> -> vector<1x256xf32>
    %add3A_1238 = arith.addf %add3A_1233, %dot_general3A_1237 : vector<1x256xf32>
    %slice3A_1239 = vector.extract_strided_slice %concatenate3A_1221 {offsets = [3, 0], sizes = [1, 128], strides = [1, 1]} : vector<8x128xf32> to vector<1x128xf32>
    %slice3A_1240 = vector.extract_strided_slice %get3A_1224 {offsets = [384, 0], sizes = [128, 256], strides = [1, 1]} : vector<1024x256xf32> to vector<128x256xf32>
    %dot_general3A_1241 = arith.constant dense<0.000000e+00> : vector<1x256xf32>
    %dot_general3A_1242 = tpu.matmul %slice3A_1239, %slice3A_1240, %dot_general3A_1241 {dimension_numbers = #tpu.dot_dimension_numbers<[1], [0], [0], [1], [0, 0, 1, 1], [], []>, transpose_lhs_hint = false} : vector<1x128xf32>, vector<128x256xf32>, vector<1x256xf32> -> vector<1x256xf32>
    %add3A_1243 = arith.addf %add3A_1238, %dot_general3A_1242 : vector<1x256xf32>
    %slice3A_1244 = vector.extract_strided_slice %concatenate3A_1221 {offsets = [4, 0], sizes = [1, 128], strides = [1, 1]} : vector<8x128xf32> to vector<1x128xf32>
    %slice3A_1245 = vector.extract_strided_slice %get3A_1224 {offsets = [512, 0], sizes = [128, 256], strides = [1, 1]} : vector<1024x256xf32> to vector<128x256xf32>
    %dot_general3A_1246 = arith.constant dense<0.000000e+00> : vector<1x256xf32>
    %dot_general3A_1247 = tpu.matmul %slice3A_1244, %slice3A_1245, %dot_general3A_1246 {dimension_numbers = #tpu.dot_dimension_numbers<[1], [0], [0], [1], [0, 0, 1, 1], [], []>, transpose_lhs_hint = false} : vector<1x128xf32>, vector<128x256xf32>, vector<1x256xf32> -> vector<1x256xf32>
    %add3A_1248 = arith.addf %add3A_1243, %dot_general3A_1247 : vector<1x256xf32>
    %slice3A_1249 = vector.extract_strided_slice %concatenate3A_1221 {offsets = [5, 0], sizes = [1, 128], strides = [1, 1]} : vector<8x128xf32> to vector<1x128xf32>
    %slice3A_1250 = vector.extract_strided_slice %get3A_1224 {offsets = [640, 0], sizes = [128, 256], strides = [1, 1]} : vector<1024x256xf32> to vector<128x256xf32>
    %dot_general3A_1251 = arith.constant dense<0.000000e+00> : vector<1x256xf32>
    %dot_general3A_1252 = tpu.matmul %slice3A_1249, %slice3A_1250, %dot_general3A_1251 {dimension_numbers = #tpu.dot_dimension_numbers<[1], [0], [0], [1], [0, 0, 1, 1], [], []>, transpose_lhs_hint = false} : vector<1x128xf32>, vector<128x256xf32>, vector<1x256xf32> -> vector<1x256xf32>
    %add3A_1253 = arith.addf %add3A_1248, %dot_general3A_1252 : vector<1x256xf32>
    %slice3A_1254 = vector.extract_strided_slice %concatenate3A_1221 {offsets = [6, 0], sizes = [1, 128], strides = [1, 1]} : vector<8x128xf32> to vector<1x128xf32>
    %slice3A_1255 = vector.extract_strided_slice %get3A_1224 {offsets = [768, 0], sizes = [128, 256], strides = [1, 1]} : vector<1024x256xf32> to vector<128x256xf32>
    %dot_general3A_1256 = arith.constant dense<0.000000e+00> : vector<1x256xf32>
    %dot_general3A_1257 = tpu.matmul %slice3A_1254, %slice3A_1255, %dot_general3A_1256 {dimension_numbers = #tpu.dot_dimension_numbers<[1], [0], [0], [1], [0, 0, 1, 1], [], []>, transpose_lhs_hint = false} : vector<1x128xf32>, vector<128x256xf32>, vector<1x256xf32> -> vector<1x256xf32>
    %add3A_1258 = arith.addf %add3A_1253, %dot_general3A_1257 : vector<1x256xf32>
    %slice3A_1259 = vector.extract_strided_slice %concatenate3A_1221 {offsets = [7, 0], sizes = [1, 128], strides = [1, 1]} : vector<8x128xf32> to vector<1x128xf32>
    %slice3A_1260 = vector.extract_strided_slice %get3A_1224 {offsets = [896, 0], sizes = [128, 256], strides = [1, 1]} : vector<1024x256xf32> to vector<128x256xf32>
    %dot_general3A_1261 = arith.constant dense<0.000000e+00> : vector<1x256xf32>
    %dot_general3A_1262 = tpu.matmul %slice3A_1259, %slice3A_1260, %dot_general3A_1261 {dimension_numbers = #tpu.dot_dimension_numbers<[1], [0], [0], [1], [0, 0, 1, 1], [], []>, transpose_lhs_hint = false} : vector<1x128xf32>, vector<128x256xf32>, vector<1x256xf32> -> vector<1x256xf32>
    %add3A_1263 = arith.addf %add3A_1258, %dot_general3A_1262 : vector<1x256xf32>
    %get3A_1264 = arith.constant 0 : index
    %get3A_1265 = vector.load %arg11[%get3A_1264] : memref<256xf32, #tpu.memory_space<vmem>>, vector<256xf32>
    %broadcast_in_dim3A_1266 = vector.shape_cast %get3A_1265 : vector<256xf32> to vector<1x256xf32>
    %add3A_1267 = arith.addf %add3A_1263, %broadcast_in_dim3A_1266 : vector<1x256xf32>
    %gt3A_1268 = arith.constant 0.000000e+00 : f32
    %gt3A_1269 = vector.broadcast %gt3A_1268 : f32 to vector<1x256xf32>
    %gt3A_1270 = arith.cmpf ogt, %add3A_1267, %gt3A_1269 : vector<1x256xf32>
    %min3A_1271 = arith.constant 0.000000e+00 : f32
    %min3A_1272 = vector.broadcast %min3A_1271 : f32 to vector<1x256xf32>
    %min3A_1273 = arith.minimumf %add3A_1267, %min3A_1272 : vector<1x256xf32>
    %exp3A_1274 = math.exp %min3A_1273 : vector<1x256xf32>
    %sub3A_1275 = arith.constant 1.000000e+00 : f32
    %sub3A_1276 = vector.broadcast %sub3A_1275 : f32 to vector<1x256xf32>
    %sub3A_1277 = arith.subf %exp3A_1274, %sub3A_1276 : vector<1x256xf32>
    %select_n3A_1278 = arith.select %gt3A_1270, %add3A_1267, %sub3A_1277 : vector<1x256xi1>, vector<1x256xf32>
    %get3A_1279 = arith.constant 0 : index
    %get3A_1280 = arith.constant 0 : index
    %get3A_1281 = vector.load %arg12[%get3A_1279, %get3A_1280] : memref<256x10xf32, #tpu.memory_space<vmem>>, vector<256x10xf32>
    %dot_general3A_1282 = arith.constant dense<0.000000e+00> : vector<1x10xf32>
    %dot_general3A_1283 = tpu.matmul %select_n3A_1278, %get3A_1281, %dot_general3A_1282 {dimension_numbers = #tpu.dot_dimension_numbers<[1], [0], [0], [1], [0, 0, 1, 1], [], []>, transpose_lhs_hint = false} : vector<1x256xf32>, vector<256x10xf32>, vector<1x10xf32> -> vector<1x10xf32>
    %get3A_1284 = arith.constant 0 : index
    %get3A_1285 = vector.load %arg13[%get3A_1284] : memref<10xf32, #tpu.memory_space<vmem>>, vector<10xf32>
    %broadcast_in_dim3A_1286 = vector.shape_cast %get3A_1285 : vector<10xf32> to vector<1x10xf32>
    %add3A_1287 = arith.addf %dot_general3A_1283, %broadcast_in_dim3A_1286 : vector<1x10xf32>
    %reduce_max3A_1288 = arith.constant dense<0xFF800000> : vector<1xf32>
    %reduce_max3A_1289 = vector.multi_reduction <maximumf>, %add3A_1287, %reduce_max3A_1288 [1] : vector<1x10xf32> to vector<1xf32>
    %broadcast_in_dim3A_1290 = vector.shape_cast %reduce_max3A_1289 : vector<1xf32> to vector<1x1xf32>
    %sub3A_1291 = vector.broadcast %broadcast_in_dim3A_1290 : vector<1x1xf32> to vector<1x10xf32>
    %sub3A_1292 = arith.subf %add3A_1287, %sub3A_1291 : vector<1x10xf32>
    %exp3A_1293 = math.exp %sub3A_1292 : vector<1x10xf32>
    %reduce_sum3A = arith.constant dense<0.000000e+00> : vector<1xf32>
    %reduce_sum3A_1294 = vector.multi_reduction <add>, %exp3A_1293, %reduce_sum3A [1] : vector<1x10xf32> to vector<1xf32>
    %broadcast_in_dim3A_1295 = vector.shape_cast %reduce_sum3A_1294 : vector<1xf32> to vector<1x1xf32>
    %log3A = math.log %broadcast_in_dim3A_1295 : vector<1x1xf32>
    %add3A_1296 = arith.addf %log3A, %broadcast_in_dim3A_1290 : vector<1x1xf32>
    %sub3A_1297 = vector.broadcast %add3A_1296 : vector<1x1xf32> to vector<1x10xf32>
    %sub3A_1298 = arith.subf %add3A_1287, %sub3A_1297 : vector<1x10xf32>
    %swap3A = arith.constant 0 : index
    %swap3A_1299 = arith.constant 0 : index
    %swap3A_1300 = vector.load %arg34[%swap3A, %swap3A_1299] : memref<1x10xf32, #tpu.memory_space<vmem>>, vector<1x10xf32>
    tpu.vector_store %arg34[%swap3A, %swap3A_1299], %sub3A_1298 {strides = array<i32>} : memref<1x10xf32, #tpu.memory_space<vmem>>, vector<1x10xf32>,
    return
  }
}

</mosaic_0001>

<sc_bundles>
// kernel: kernel.4.cloned.1.call-start
scs
__scs_entry_jumppad:
0x0: {  	(pc) =	sbr.rel $0x88, $3  }
0x1: {  	(tag) =	ssettag $0x0;
	lr =	simm.s32 $0x1  }
0x2: {  	[smem:$0x3F92] =	sst lr;
	_ =	strace $0xD0000000  }
0x3: {  	_ = 	snop  }
0x4: {  	_ = 	snop  }
0x5: {  	_ = 	snop  }
0x6: {  	_ = 	snop  }
0x7: {  	_ = 	snop  }
__scs_overlays_trampoline_lowered:
0x8: {  	[smem:$0x3FA1] =	sst s0  }
0x9: {  	[smem:$0x3FA2] =	sst s1  }
0xa: {  	[smem:$0x3FA3] =	sst s2  }
0xb: {  	[smem:$0x3FA4] =	sst s3  }
0xc: {  	[smem:$0x3FA5] =	sst s4  }
0xd: {  	[smem:$0x3FA6] =	sst s5  }
0xe: {  	[smem:$0x3FA7] =	sst s6  }
0xf: {  	[smem:$0x3FA8] =	sst s7  }
0x10: {  	[smem:$0x3FA9] =	sst s8  }
0x11: {  	[smem:$0x3FAA] =	sst s9;
	s0 =	simm.s32 @!p0 $0x0  }
0x12: {  	s1 =	sld [smem:$0x3F90];
	s0 =	simm.s32 @p0 $0x1  }
0x13: {  	[smem:$0x3FAB] =	sst s0;
	s0 =	simm.s32 @!p1 $0x0  }
0x14: {  	s2 =	sld [smem:$0x3F8F];
	s0 =	simm.s32 @p1 $0x1  }
0x15: {  	[smem:$0x3FAC] =	sst s0;
	s0 =	simm.s32 @!p2 $0x0  }
0x16: {  	s3 =	sld [smem:$0x3FDB];
	s0 =	simm.s32 @p2 $0x1  }
0x17: {  	s4 =	simm.s32 $0x1BF5;
	[smem:$0x3FAE] =	sst s0  }
0x18: {  	s0 =	sld [smem:$0x3F91];
	_ =	swait.ge [sflag:s4], $0x0  }
0x19: {  	s7 =	sld [smem:$0x3F92]  }
0x1a: {  	s8 =	sadd.s32 $0xFFFFE003, lr  }
0x1b: {  	s9 =	sadd.s32 $0xFFFFFEF7, lr;
	s5 =	simm.s32 $0xFFFFFFFF;
	p2 =	slt.u32 s8, $0xFFFFF086  }
0x1c: {  	p1 =	slt.u32 s9, $0xF7A;
	s5 =	simm.s32 @!p2 $0x0  }
0x1d: {  	s5 =	simm.s32 @p1 $0x1;
	p0 =	seq.s32 s7, s2  }
0x1e: {  	s7 =	smul.u32 @!p0 $0xF7A, s2;
	p2 =	seq.s32 @!p0 s5, $0x0  }
0x1f: {  	s9 =	smul.u32 $0xF7A, s1;
	s8 =	simm.s32 @!p0 $0x1BF5;
	p2 =	por !p2, p0  }
0x20: {  	[sflag:s8] =	ssyncset.s32 @!p0 $0xFFFFF086;
	s6 =	sadd.s32 @!p0 s3, s7;
	s7 =	simm.s32 @!p0 $0x108  }
0x21: {  	s3 =	sadd.s32 s3, s9;
	s6 =	sadd.s32 @!p0 $0x88, s6;
	s7 =	simm.s32 @p2 $0x1082  }
0x22: {  	[simem:s7], [sflag:s8] =	dma.local @!p0 [hbm:s6], $0xF7A  }
0x23: {  	s9 =	sor.u32 $0xD0000000, s2;
	s6 =	simm.s32 $0x108;
	_ =	swait.ge @!p0 [sflag:s8], $0x0  }
0x24: {  	s3 =	sadd.s32 $0x88, s3;
	s6 =	simm.s32 @!p1 $0x1082;
	[sflag:s4] =	ssyncset.s32 $0xFFFFF086  }
0x25: {  	[simem:s6], [sflag:s4] =	dma.local [hbm:s3], $0xF7A  }
0x26: {  	[smem:$0x3F92] =	sst s1;
	(tag) =	ssettag s2;
	_ =	strace s9  }
0x27: {  	s1 =	sld [smem:$0x3FA2]  }
0x28: {  	s2 =	sld [smem:$0x3FA3]  }
0x29: {  	s4 =	sld [smem:$0x3FA5]  }
0x2a: {  	p0 =	seq.s32 s5, $0x0;
	s5 =	sld [smem:$0x3FA6]  }
0x2b: {  	s6 =	sld [smem:$0x3FA7]  }
0x2c: {  	s7 =	sld [smem:$0x3FA8]  }
0x2d: {  	s3 =	simm.s32 $0x108;
	s8 =	sld [smem:$0x3FA9]  }
0x2e: {  	s3 =	simm.s32 @!p0 $0x1082;
	s9 =	sld [smem:$0x3FAA]  }
0x2f: {  	lr =	sadd.s32 s0, s3;
	s0 =	sld [smem:$0x3FA1]  }
0x30: {  	s3 =	sld [smem:$0x3FA4]  }
0x31: {  	[smem:$0x3FAD] =	sst s10  }
0x32: {  	s10 =	sld [smem:$0x3FAB];
	_ =	sdelay $0x3  }
0x33: {  	p0 =	seq.s32 s10, $0x1;
	s10 =	sld [smem:$0x3FAD];
	_ =	sdelay $0x3  }
0x34: {  	[smem:$0x3FAD] =	sst s10  }
0x35: {  	s10 =	sld [smem:$0x3FAC];
	_ =	sdelay $0x3  }
0x36: {  	p1 =	seq.s32 s10, $0x1;
	s10 =	sld [smem:$0x3FAD];
	_ =	sdelay $0x3  }
0x37: {  	[smem:$0x3FAD] =	sst s10  }
0x38: {  	s10 =	sld [smem:$0x3FAE]  }
0x39: {  	_ = 	snop;
	(pc) =	sbr.ind lr, $3  }
0x3a: {  	_ = 	snop  }
0x3b: {  	_ = 	snop  }
0x3c: {  	p2 =	seq.s32 s10, $0x1;
	s10 =	sld [smem:$0x3FAD]  }
0x3d: {  	_ =	shalt  }
0x3e: {  	_ =	shalt  }
0x3f: {  	_ =	shalt  }
0x40: {  	_ =	shalt  }
0x41: {  	_ =	shalt  }
0x42: {  	_ =	shalt  }
0x43: {  	_ =	shalt  }
0x44: {  	_ =	shalt  }
0x45: {  	_ =	shalt  }
0x46: {  	_ =	shalt  }
0x47: {  	_ =	shalt  }
0x48: {  	_ =	shalt  }
0x49: {  	_ =	shalt  }
0x4a: {  	_ =	shalt  }
0x4b: {  	_ =	shalt  }
0x4c: {  	_ =	shalt  }
0x4d: {  	_ =	shalt  }
0x4e: {  	_ =	shalt  }
0x4f: {  	_ =	shalt  }
0x50: {  	_ =	shalt  }
0x51: {  	_ =	shalt  }
0x52: {  	_ =	shalt  }
0x53: {  	_ =	shalt  }
0x54: {  	_ =	shalt  }
0x55: {  	_ =	shalt  }
0x56: {  	_ =	shalt  }
0x57: {  	_ =	shalt  }
0x58: {  	_ =	shalt  }
0x59: {  	_ =	shalt  }
0x5a: {  	_ =	shalt  }
0x5b: {  	_ =	shalt  }
0x5c: {  	_ =	shalt  }
0x5d: {  	_ =	shalt  }
0x5e: {  	_ =	shalt  }
0x5f: {  	_ =	shalt  }
0x60: {  	_ =	shalt  }
0x61: {  	_ =	shalt  }
0x62: {  	_ =	shalt  }
0x63: {  	_ =	shalt  }
0x64: {  	_ =	shalt  }
0x65: {  	_ =	shalt  }
0x66: {  	_ =	shalt  }
0x67: {  	_ =	shalt  }
0x68: {  	_ =	shalt  }
0x69: {  	_ =	shalt  }
0x6a: {  	_ =	shalt  }
0x6b: {  	_ =	shalt  }
0x6c: {  	_ =	shalt  }
0x6d: {  	_ =	shalt  }
0x6e: {  	_ =	shalt  }
0x6f: {  	_ =	shalt  }
0x70: {  	_ =	shalt  }
0x71: {  	_ =	shalt  }
0x72: {  	_ =	shalt  }
0x73: {  	_ =	shalt  }
0x74: {  	_ =	shalt  }
0x75: {  	_ =	shalt  }
0x76: {  	_ =	shalt  }
0x77: {  	_ =	shalt  }
0x78: {  	_ =	shalt  }
0x79: {  	_ =	shalt  }
0x7a: {  	_ =	shalt  }
0x7b: {  	_ =	shalt  }
0x7c: {  	_ =	shalt  }
0x7d: {  	_ =	shalt  }
0x7e: {  	_ =	shalt  }
0x7f: {  	_ =	shalt  }
0x80: {  	_ =	shalt  }
0x81: {  	_ =	shalt  }
0x82: {  	_ =	shalt  }
0x83: {  	_ =	shalt  }
0x84: {  	_ =	shalt  }
0x85: {  	_ =	shalt  }
0x86: {  	_ =	shalt  }
0x87: {  	_ =	shalt  }
.Lfunc_end0:
.L_simem_size_0:
called_computation_lowered:
.L_overlay_start_0:
0x88: {  	s2 =	sld [smem:$0x3FD9]  }
0x89: {  	s3 =	sld [smem:$0x3FFE];
	_ =	sdelay $0x1  }
0x8a: {  	s1 =	srdreg.scid  }
0x8b: {  	s0 =	sand.u32 $0x1, s1  }
0x8c: {  	s16 =	sshll.u32 s0, $0xA;
	s2 =	sadd.s32 s3, s2  }
0x8d: {  	s2 =	sadd.s32 s2, s16  }
0x8e: {  	[smem:$0x3FB9] =	sst s2  }
0x8f: {  	_ = 	snop  }
0x90: {  	(tm) =	ssettm $0x1  }
0x91: {  	s17 =	sld [smem:$0x3FFB];
	_ =	sdelay $0x3  }
0x92: {  	_ =	strace s17  }
0x93: {  	s2 =	sld [smem:$0x3FFC];
	_ =	sdelay $0x3  }
0x94: {  	_ =	strace s2  }
0x95: {  	s2 =	sld [smem:$0x3FFD];
	_ =	sdelay $0x3  }
0x96: {  	_ =	strace s2  }
0x97: {  	_ =	strace $0x8FFFFFFF  }
0x98: {  	s18 =	sld [smem:$0x3FDB];
	_ =	sdelay $0x1  }
0x99: {  	s19 =	simm.s32 $_scs_section_size  }
0x9a: {  	s4 =	simm.s32 $_size__tile_overlayer_lowered;
	s5 =	simm.s32 $_tile_overlayer_lowered  }
0x9b: {  	s22 =	simm.s32 $0x1BFF;
	s21 =	sshll.u32 s5, $0x1;
	s2 =	sadd.s32 s19, s18  }
0x9c: {  	s6 =	simm.s32 $0x0;
	s20 =	sshll.u32 s4, $0x1;
	s4 =	sadd.s32 s21, s2  }
0x9d: {  	[timem:s6], [sflag:s22] =	dma.local [hbm:s4], s20  }
0x9e: {  	_ =	swait.ge [sflag:s22], s20  }
0x9f: {  	s3 =	ssub.s32 $0x0, s20;
	[sflag:s22] =	ssyncset.done $0x0  }
0xa0: {  	[sflag:s22] =	ssyncadd.s32 s3;
	_ =	sdelay $0x1  }
0xa1: {  	s23 =	simm.s32 $0x1B8B  }
0xa2: {  	_ =	swait.ge [sflag:s23], $0x1  }
0xa3: {  	[sflag:s23] =	ssyncset.done $0x0  }
0xa4: {  	s25 =	simm.s32 $0x1B8E;
	s24 =	sld [smem:$0x3FFE];
	[sflag:s23] =	ssyncadd.s32 $0xFFFFFFFF  }
0xa5: {  	s26 =	simm.s32 $execute0_lowered;
	[smem:$0x3FD2] =	sst s25  }
0xa6: {  	s4 =	sshll.u32 s26, $0x1;
	_ =	strace $0x80000046;
	[dreg:$0x1] =	wrdreg $0xFFFFFFFF  }
0xa7: {  	s28 =	simm.s32 $_size_execute0_lowered;
	s2 =	sadd.s32 s2, s4;
	[dreg:$0x0] =	wrdreg $0x0  }
0xa8: {  	s4 =	sshll.u32 s28, $0x1;
	[dreg:$0x2] =	wrdreg s2  }
0xa9: {  	[dreg:$0x3] =	wrdreg s4  }
0xaa: {  	[dreg:$0x4] =	wrdreg $0xC0  }
0xab: {  	_ =	task [dreg:s6], $0x5FFFF  }
0xac: {  	[dreg:$0x1] =	wrdreg $0xFFFFFFFF  }
0xad: {  	[dreg:$0x0] =	wrdreg $0x60  }
0xae: {  	[dreg:$0x2] =	wrdreg s24  }
0xaf: {  	[dreg:$0x3] =	wrdreg $0x9  }
0xb0: {  	_ =	task.clear_ibuf [dreg:s6], $0x4FFFF;
	_ =	strace $0x90000046  }
0xb1: {  	s29 =	simm.s32 $0x9;
	_ =	strace $0x80000048  }
0xb2: {  	_ =	swait.ge [sflag:s29], $0x1  }
0xb3: {  	[sflag:s29] =	ssyncadd.s32 $0xFFFFFFFF  }
0xb4: {  	_ =	strace $0x90000048  }
0xb5: {  	_ =	sfence  }
0xb6: {  	s30 =	sld [smem:$0x0];
	_ =	sdelay $0x2  }
0xb7: {  	s31 =	sshll.u32 s1, $0xD;
	s1 =	sshrl.u32 s1, $0x2  }
0xb8: {  	s3 =	sand.u32 $0x4000, s31;
	s1 =	sadd.s32 s1, s30  }
0xb9: {  	s0 =	sor.u32 s3, s0;
	s1 =	sshll.u32 s1, $0x11  }
0xba: {  	s0 =	sor.u32 s1, s0  }
0xbb: {  	s0 =	sadd.s32 $0x8F2B, s0  }
0xbc: {  	[sflag:s0] =	ssyncadd.remote.s32 $0x1  }
0xbd: {  	_ =	sfence.sel $0xFFFF  }
0xbe: {  	[dreg:$0x0] =	wrdreg $0xFFFFFFFF;
	(pc) =	sbr.abs _section_cstart, $3  }
0xbf: {  	[dreg:$0x1] =	wrdreg $0xFFFFFFFF  }
0xc0: {  	_ =	task.clear_ibuf [dreg:s6], $0x2FFFF;
	_ =	strace $0x9FFFFFFF  }
0xc1: {  	(tm) =	ssettm $0x7FFFFFFF  }
tec
execute0_lowered:
.L_overlay_start_1:
0x0: {  	(tag) =	ssettag $0x1  }
0x1: {  	s1 =	srdreg.scid;
	s0 =	stileid.u32  }
0x2: {  	s3 =	rddreg [dreg:$0x0];
	s10 =	simm.s32 $0x1900;
	s11 =	simm.s32 $0x2580  }
0x3: {  	s12 =	simm.s32 $0x1;
	s13 =	simm.s32 $0x3200;
	s14 =	simm.s32 $0x80  }
0x4: {  	s15 =	simm.s32 $0x400;
	s16 =	simm.s32 $0xBC00;
	s17 =	simm.s32 $0x2  }
0x5: {  	s18 =	simm.s32 $0x0;
	s4 =	sand.u32 $0x1, s1;
	s2 =	sshll.u32 s0, $0x1  }
0x6: {  	s1 =	rddreg [dreg:$0x1];
	s6 =	sshrl.u32 s0, $0x2;
	s5 =	sor.u32 s4, s2  }
0x7: {  	s2 =	simm.s32 $0x0;
	s6 =	smul.u32 $0x4800, s6;
	s4 =	ssub.s32 $0x2, s4  }
0x8: {  	s7 =	sshll.u32 s5, $0x7;
	[smem:$0x7FF] =	sst s2;
	s5 =	smul.u32 $0x188, s5  }
0x9: {  	s31 =	sshrl.u32 s4, $0x1;
	s7 =	sand.u32 $0x380, s7;
	_ =	strace $0x80000047  }
0xa: {  	s9 =	ssub.s32 s4, s31;
	s6 =	sor.u32 s6, s7;
	s29 =	sadd.s32 s5, s3  }
0xb: {  	s30 =	sshrl.u32 s6, $0x3;
	s4 =	sadd.s32 $0xB200, s29;
	s5 =	sadd.s32 $0x8000, s29  }
0xc: {  	v1 =	vlaneseq.u32;
	s6 =	sadd.s32 $0x4E00, s29;
	s8 =	sadd.s32 s30, s3;
	s3 =	sadd.s32 $0xE400, s29  }
0xd: {  	v0 =	vimm.f32 $-Inf;
	v1 =	vmul.u32 $0x8A0, v1;
	s7 =	sadd.s32 $0x11600, s8;
	s8 =	smax.u32 s9, $0x1;
	s9 =	simm.s32 $0xC80  }
.LBB2_1:
0xe: {  	[tilespmem:s2], [sflag:$0x1] =	stream.linear.gather [hbm4b:s3+s2], $0xC40, $0x38;
	[tilespmem:$0xC500] =	vst v63  }
0xf: {  	_ = 	snop  }
0x10: {  	[tilespmem:s9], [sflag:$0x1] =	stream.linear.gather [hbm4b:s4+s2], $0xC40, $0x38;
	[tilespmem:$0xC500] =	vst v63  }
0x11: {  	_ = 	snop  }
0x12: {  	[tilespmem:s10], [sflag:$0x1] =	stream.linear.gather [hbm4b:s5+s2], $0xC40, $0x38;
	[tilespmem:$0xC500] =	vst v63  }
0x13: {  	s19 =	simm.s32 $0x0;
	s20 =	simm.s32 $0x400  }
0x14: {  	[tilespmem:s11], [sflag:$0x1] =	stream.linear.gather [hbm4b:s6+s2], $0xC40, $0x38;
	[tilespmem:$0xC500] =	vst v63  }
.LBB2_2:
0x15: {  	p0 =	sne.s32 s20, $0x22400;
	[tilespmem:s19+$0x32F0] =	vst v0  }
0x16: {  	[tilespmem:s19+$0x3200] =	vst v0  }
0x17: {  	[tilespmem:s19+$0x3210] =	vst v0  }
0x18: {  	[tilespmem:s19+$0x3220] =	vst v0  }
0x19: {  	[tilespmem:s19+$0x3230] =	vst v0  }
0x1a: {  	[tilespmem:s19+$0x3240] =	vst v0  }
0x1b: {  	[tilespmem:s19+$0x3250] =	vst v0  }
0x1c: {  	[tilespmem:s19+$0x3260] =	vst v0  }
0x1d: {  	[tilespmem:s19+$0x3270] =	vst v0  }
0x1e: {  	[tilespmem:s19+$0x3280] =	vst v0  }
0x1f: {  	[tilespmem:s19+$0x3290] =	vst v0  }
.Ltmp0:
0x20: {  	[tilespmem:s19+$0x32A0] =	vst v0;
	(pc) =	sbr.rel @p0 .LBB2_2-.Ltmp0, $4  }
0x21: {  	[tilespmem:s19+$0x32B0] =	vst v0  }
0x22: {  	[tilespmem:s19+$0x32C0] =	vst v0  }
0x23: {  	[tilespmem:s19+$0x32D0] =	vst v0  }
0x24: {  	[tilespmem:s19+$0x32E0] =	vst v0;
	s19 =	sshra.s32 s20, $0x2;
	s20 =	sadd.s32 $0x400, s20  }
0x25: {  	[tilespmem:s19+$0x32F0] =	vst v0  }
0x26: {  	[tilespmem:s19+$0x3200] =	vst v0  }
0x27: {  	[tilespmem:s19+$0x3210] =	vst v0  }
0x28: {  	[tilespmem:s19+$0x3220] =	vst v0  }
0x29: {  	[tilespmem:s19+$0x3230] =	vst v0  }
0x2a: {  	[tilespmem:s19+$0x3240] =	vst v0  }
0x2b: {  	[tilespmem:s19+$0x3250] =	vst v0  }
0x2c: {  	[tilespmem:s19+$0x3260] =	vst v0  }
0x2d: {  	[tilespmem:s19+$0x3270] =	vst v0  }
0x2e: {  	[tilespmem:s19+$0x3280] =	vst v0  }
0x2f: {  	[tilespmem:s19+$0x3290] =	vst v0  }
0x30: {  	[tilespmem:s19+$0x32A0] =	vst v0  }
0x31: {  	[tilespmem:s19+$0x32B0] =	vst v0  }
0x32: {  	[tilespmem:s19+$0x32C0] =	vst v0  }
0x33: {  	[tilespmem:s19+$0x32D0] =	vst v0  }
0x34: {  	[tilespmem:s19+$0x32E0] =	vst v0  }
0x35: {  	_ =	swait.ge [sflag:s12], $0xC40  }
0x36: {  	[sflag:s12] =	ssyncset.done $0x0  }
0x37: {  	[sflag:s12] =	ssyncadd.s32 $0xFFFFF3C0  }
0x38: {  	_ =	swait.ge [sflag:s12], $0xC40  }
0x39: {  	[sflag:s12] =	ssyncset.done $0x0  }
0x3a: {  	[sflag:s12] =	ssyncadd.s32 $0xFFFFF3C0  }
0x3b: {  	_ =	swait.ge [sflag:s12], $0xC40  }
0x3c: {  	[sflag:s12] =	ssyncset.done $0x0  }
0x3d: {  	[sflag:s12] =	ssyncadd.s32 $0xFFFFF3C0  }
0x3e: {  	_ =	swait.ge [sflag:s12], $0xC40  }
0x3f: {  	[sflag:s12] =	ssyncset.done $0x0  }
0x40: {  	s19 =	simm.s32 $0x0;
	[sflag:s12] =	ssyncadd.s32 $0xFFFFF3C0  }
.LBB2_4:
0x41: {  	s20 =	sshra.s32 s19, $0x2  }
0x42: {  	v2 =	vld [tilespmem:s20+$0xC80];
	_ =	sdelay $0x1  }
0x43: {  	v3 =	vld [tilespmem:s20+$0x1900];
	_ =	sdelay $0x2  }
0x44: {  	v4 =	vld [tilespmem:s20+$0x2580];
	v2 =	vmul.f32 $1.300000000e+01, v2;
	_ =	sdelay $0x1  }
0x45: {  	v3 =	vmul.f32 $1.300000000e+01, v3;
	v2 =	vtrunc.f32 v2  }
0x46: {  	v2 =	vcvt.f32.s32 v2  }
0x47: {  	v3 =	vtrunc.f32 v3  }
0x48: {  	v4 =	vmul.f32 $1.300000000e+01, v4;
	v3 =	vcvt.f32.s32 v3;
	vm0 =	vgt.s32 v2, $0x0  }
0x49: {  	v2 =	vnsel vm0, $0x0, v2  }
0x4a: {  	v4 =	vtrunc.f32 v4;
	vm5 =	vgt.s32 v3, $0x0;
	v2 =	vmin.u32 v2, $0xC  }
0x4b: {  	v4 =	vcvt.f32.s32 v4;
	v3 =	vnsel vm5, $0x0, v3;
	v2 =	vmul.u32 $0xD, v2  }
0x4c: {  	v3 =	vmin.u32 v3, $0xC  }
0x4d: {  	vm6 =	vgt.s32 v4, $0x0;
	v2 =	vadd.s32 v3, v2  }
0x4e: {  	v3 =	vnsel vm6, $0x0, v4;
	v2 =	vmul.u32 $0xD, v2  }
0x4f: {  	v3 =	vmin.u32 v3, $0xC  }
0x50: {  	v2 =	vadd.s32 v3, v2  }
0x51: {  	v2 =	vadd.s32 v1, v2;
	_ =	sdelay $0x3  }
0x52: {  	v3 =	vld [tilespmem:s20+$0x0]  }
0x53: {  	v49 =	vld.idx.msk [tilespmem:v2+s13+$0x0], $0xffff;
	_ =	sdelay $0x4  }
0x54: {  	v3 =	vmax.f32 v49, v3  }
0x55: {  	[tilespmem:v2+s13+$0x0] =	vst.idx.msk $0xffff, v3  }
0x56: {  	v2 =	vld [tilespmem:s20+$0xC90];
	_ =	sdelay $0x1  }
0x57: {  	v3 =	vld [tilespmem:s20+$0x1910];
	_ =	sdelay $0x2  }
0x58: {  	v50 =	vld [tilespmem:s20+$0x2590];
	v2 =	vmul.f32 $1.300000000e+01, v2;
	_ =	sdelay $0x1  }
0x59: {  	v3 =	vmul.f32 $1.300000000e+01, v3;
	v2 =	vtrunc.f32 v2  }
0x5a: {  	v2 =	vcvt.f32.s32 v2  }
0x5b: {  	v3 =	vtrunc.f32 v3  }
0x5c: {  	v4 =	vmul.f32 $1.300000000e+01, v50;
	v3 =	vcvt.f32.s32 v3;
	vm7 =	vgt.s32 v2, $0x0  }
0x5d: {  	v2 =	vnsel vm7, $0x0, v2  }
0x5e: {  	v4 =	vtrunc.f32 v4;
	vm8 =	vgt.s32 v3, $0x0;
	v2 =	vmin.u32 v2, $0xC  }
0x5f: {  	v4 =	vcvt.f32.s32 v4;
	v3 =	vnsel vm8, $0x0, v3;
	v2 =	vmul.u32 $0xD, v2  }
0x60: {  	v3 =	vmin.u32 v3, $0xC  }
0x61: {  	vm9 =	vgt.s32 v4, $0x0;
	v2 =	vadd.s32 v3, v2  }
0x62: {  	v3 =	vnsel vm9, $0x0, v4;
	v2 =	vmul.u32 $0xD, v2  }
0x63: {  	v3 =	vmin.u32 v3, $0xC  }
0x64: {  	v2 =	vadd.s32 v3, v2  }
0x65: {  	v2 =	vadd.s32 v1, v2;
	_ =	sdelay $0x3  }
0x66: {  	v3 =	vld [tilespmem:s20+$0x10]  }
0x67: {  	v51 =	vld.idx.msk [tilespmem:v2+s13+$0x0], $0xffff;
	_ =	sdelay $0x4  }
0x68: {  	v3 =	vmax.f32 v51, v3  }
0x69: {  	[tilespmem:v2+s13+$0x0] =	vst.idx.msk $0xffff, v3  }
0x6a: {  	v2 =	vld [tilespmem:s20+$0xCA0];
	_ =	sdelay $0x1  }
0x6b: {  	v3 =	vld [tilespmem:s20+$0x1920];
	_ =	sdelay $0x2  }
0x6c: {  	v52 =	vld [tilespmem:s20+$0x25A0];
	v2 =	vmul.f32 $1.300000000e+01, v2;
	_ =	sdelay $0x1  }
0x6d: {  	v3 =	vmul.f32 $1.300000000e+01, v3;
	v2 =	vtrunc.f32 v2  }
0x6e: {  	v2 =	vcvt.f32.s32 v2  }
0x6f: {  	v3 =	vtrunc.f32 v3  }
0x70: {  	v4 =	vmul.f32 $1.300000000e+01, v52;
	v3 =	vcvt.f32.s32 v3;
	vm10 =	vgt.s32 v2, $0x0  }
0x71: {  	v2 =	vnsel vm10, $0x0, v2  }
0x72: {  	v4 =	vtrunc.f32 v4;
	vm11 =	vgt.s32 v3, $0x0;
	v2 =	vmin.u32 v2, $0xC  }
0x73: {  	v4 =	vcvt.f32.s32 v4;
	v3 =	vnsel vm11, $0x0, v3;
	v2 =	vmul.u32 $0xD, v2  }
0x74: {  	v3 =	vmin.u32 v3, $0xC  }
0x75: {  	vm12 =	vgt.s32 v4, $0x0;
	v2 =	vadd.s32 v3, v2  }
0x76: {  	v3 =	vnsel vm12, $0x0, v4;
	v2 =	vmul.u32 $0xD, v2  }
0x77: {  	v3 =	vmin.u32 v3, $0xC  }
0x78: {  	v2 =	vadd.s32 v3, v2  }
0x79: {  	v2 =	vadd.s32 v1, v2;
	_ =	sdelay $0x3  }
0x7a: {  	v3 =	vld [tilespmem:s20+$0x20]  }
0x7b: {  	v53 =	vld.idx.msk [tilespmem:v2+s13+$0x0], $0xffff;
	_ =	sdelay $0x4  }
0x7c: {  	v3 =	vmax.f32 v53, v3  }
0x7d: {  	[tilespmem:v2+s13+$0x0] =	vst.idx.msk $0xffff, v3  }
0x7e: {  	v2 =	vld [tilespmem:s20+$0xCB0];
	_ =	sdelay $0x1  }
0x7f: {  	v3 =	vld [tilespmem:s20+$0x1930];
	_ =	sdelay $0x2  }
0x80: {  	v54 =	vld [tilespmem:s20+$0x25B0];
	v2 =	vmul.f32 $1.300000000e+01, v2;
	_ =	sdelay $0x1  }
0x81: {  	v3 =	vmul.f32 $1.300000000e+01, v3;
	v2 =	vtrunc.f32 v2  }
0x82: {  	v2 =	vcvt.f32.s32 v2  }
0x83: {  	v3 =	vtrunc.f32 v3  }
0x84: {  	v4 =	vmul.f32 $1.300000000e+01, v54;
	v3 =	vcvt.f32.s32 v3;
	vm13 =	vgt.s32 v2, $0x0  }
0x85: {  	v2 =	vnsel vm13, $0x0, v2  }
0x86: {  	v4 =	vtrunc.f32 v4;
	vm14 =	vgt.s32 v3, $0x0;
	v2 =	vmin.u32 v2, $0xC  }
0x87: {  	v4 =	vcvt.f32.s32 v4;
	v3 =	vnsel vm14, $0x0, v3;
	v2 =	vmul.u32 $0xD, v2  }
0x88: {  	v3 =	vmin.u32 v3, $0xC  }
0x89: {  	vm15 =	vgt.s32 v4, $0x0;
	v2 =	vadd.s32 v3, v2  }
0x8a: {  	v3 =	vnsel vm15, $0x0, v4;
	v2 =	vmul.u32 $0xD, v2  }
0x8b: {  	v3 =	vmin.u32 v3, $0xC  }
0x8c: {  	v2 =	vadd.s32 v3, v2  }
0x8d: {  	v2 =	vadd.s32 v1, v2;
	_ =	sdelay $0x3  }
0x8e: {  	v3 =	vld [tilespmem:s20+$0x30]  }
0x8f: {  	v55 =	vld.idx.msk [tilespmem:v2+s13+$0x0], $0xffff;
	_ =	sdelay $0x4  }
0x90: {  	v3 =	vmax.f32 v55, v3  }
0x91: {  	[tilespmem:v2+s13+$0x0] =	vst.idx.msk $0xffff, v3  }
0x92: {  	v2 =	vld [tilespmem:s20+$0xCC0];
	_ =	sdelay $0x1  }
0x93: {  	v3 =	vld [tilespmem:s20+$0x1940];
	_ =	sdelay $0x2  }
0x94: {  	v56 =	vld [tilespmem:s20+$0x25C0];
	v2 =	vmul.f32 $1.300000000e+01, v2;
	_ =	sdelay $0x1  }
0x95: {  	v3 =	vmul.f32 $1.300000000e+01, v3;
	v2 =	vtrunc.f32 v2  }
0x96: {  	v2 =	vcvt.f32.s32 v2  }
0x97: {  	v3 =	vtrunc.f32 v3  }
0x98: {  	v4 =	vmul.f32 $1.300000000e+01, v56;
	v3 =	vcvt.f32.s32 v3;
	vm4 =	vgt.s32 v2, $0x0  }
0x99: {  	v2 =	vnsel vm4, $0x0, v2  }
0x9a: {  	v4 =	vtrunc.f32 v4;
	vm5 =	vgt.s32 v3, $0x0;
	v2 =	vmin.u32 v2, $0xC  }
0x9b: {  	v4 =	vcvt.f32.s32 v4;
	v3 =	vnsel vm5, $0x0, v3;
	v2 =	vmul.u32 $0xD, v2  }
0x9c: {  	v3 =	vmin.u32 v3, $0xC  }
0x9d: {  	vm6 =	vgt.s32 v4, $0x0;
	v2 =	vadd.s32 v3, v2  }
0x9e: {  	v3 =	vnsel vm6, $0x0, v4;
	v2 =	vmul.u32 $0xD, v2  }
0x9f: {  	v3 =	vmin.u32 v3, $0xC  }
0xa0: {  	v2 =	vadd.s32 v3, v2  }
0xa1: {  	v2 =	vadd.s32 v1, v2;
	_ =	sdelay $0x3  }
0xa2: {  	v3 =	vld [tilespmem:s20+$0x40]  }
0xa3: {  	v57 =	vld.idx.msk [tilespmem:v2+s13+$0x0], $0xffff;
	_ =	sdelay $0x4  }
0xa4: {  	v3 =	vmax.f32 v57, v3  }
0xa5: {  	[tilespmem:v2+s13+$0x0] =	vst.idx.msk $0xffff, v3  }
0xa6: {  	v2 =	vld [tilespmem:s20+$0xCD0];
	_ =	sdelay $0x1  }
0xa7: {  	v3 =	vld [tilespmem:s20+$0x1950];
	_ =	sdelay $0x2  }
0xa8: {  	v58 =	vld [tilespmem:s20+$0x25D0];
	v2 =	vmul.f32 $1.300000000e+01, v2;
	_ =	sdelay $0x1  }
0xa9: {  	v3 =	vmul.f32 $1.300000000e+01, v3;
	v2 =	vtrunc.f32 v2  }
0xaa: {  	v2 =	vcvt.f32.s32 v2  }
0xab: {  	v3 =	vtrunc.f32 v3  }
0xac: {  	v4 =	vmul.f32 $1.300000000e+01, v58;
	v3 =	vcvt.f32.s32 v3;
	vm7 =	vgt.s32 v2, $0x0  }
0xad: {  	v2 =	vnsel vm7, $0x0, v2  }
0xae: {  	v4 =	vtrunc.f32 v4;
	vm8 =	vgt.s32 v3, $0x0;
	v2 =	vmin.u32 v2, $0xC  }
0xaf: {  	v4 =	vcvt.f32.s32 v4;
	v3 =	vnsel vm8, $0x0, v3;
	v2 =	vmul.u32 $0xD, v2  }
0xb0: {  	v3 =	vmin.u32 v3, $0xC  }
0xb1: {  	vm9 =	vgt.s32 v4, $0x0;
	v2 =	vadd.s32 v3, v2  }
0xb2: {  	v3 =	vnsel vm9, $0x0, v4;
	v2 =	vmul.u32 $0xD, v2  }
0xb3: {  	v3 =	vmin.u32 v3, $0xC  }
0xb4: {  	v2 =	vadd.s32 v3, v2  }
0xb5: {  	v2 =	vadd.s32 v1, v2;
	_ =	sdelay $0x3  }
0xb6: {  	v3 =	vld [tilespmem:s20+$0x50]  }
0xb7: {  	v59 =	vld.idx.msk [tilespmem:v2+s13+$0x0], $0xffff;
	_ =	sdelay $0x4  }
0xb8: {  	v3 =	vmax.f32 v59, v3  }
0xb9: {  	[tilespmem:v2+s13+$0x0] =	vst.idx.msk $0xffff, v3  }
0xba: {  	v2 =	vld [tilespmem:s20+$0xCE0];
	_ =	sdelay $0x1  }
0xbb: {  	v3 =	vld [tilespmem:s20+$0x1960];
	_ =	sdelay $0x2  }
0xbc: {  	v60 =	vld [tilespmem:s20+$0x25E0];
	v2 =	vmul.f32 $1.300000000e+01, v2;
	_ =	sdelay $0x1  }
0xbd: {  	v3 =	vmul.f32 $1.300000000e+01, v3;
	v2 =	vtrunc.f32 v2  }
0xbe: {  	v2 =	vcvt.f32.s32 v2  }
0xbf: {  	v3 =	vtrunc.f32 v3  }
0xc0: {  	v4 =	vmul.f32 $1.300000000e+01, v60;
	v3 =	vcvt.f32.s32 v3;
	vm10 =	vgt.s32 v2, $0x0  }
0xc1: {  	v2 =	vnsel vm10, $0x0, v2  }
0xc2: {  	v4 =	vtrunc.f32 v4;
	vm11 =	vgt.s32 v3, $0x0;
	v2 =	vmin.u32 v2, $0xC  }
0xc3: {  	v4 =	vcvt.f32.s32 v4;
	v3 =	vnsel vm11, $0x0, v3;
	v2 =	vmul.u32 $0xD, v2  }
0xc4: {  	v3 =	vmin.u32 v3, $0xC  }
0xc5: {  	vm12 =	vgt.s32 v4, $0x0;
	v2 =	vadd.s32 v3, v2  }
0xc6: {  	v3 =	vnsel vm12, $0x0, v4;
	v2 =	vmul.u32 $0xD, v2  }
0xc7: {  	v3 =	vmin.u32 v3, $0xC  }
0xc8: {  	v2 =	vadd.s32 v3, v2  }
0xc9: {  	v2 =	vadd.s32 v1, v2;
	_ =	sdelay $0x3  }
0xca: {  	v3 =	vld [tilespmem:s20+$0x60]  }
0xcb: {  	v61 =	vld.idx.msk [tilespmem:v2+s13+$0x0], $0xffff;
	_ =	sdelay $0x4  }
0xcc: {  	v3 =	vmax.f32 v61, v3  }
0xcd: {  	[tilespmem:v2+s13+$0x0] =	vst.idx.msk $0xffff, v3  }
0xce: {  	v2 =	vld [tilespmem:s20+$0xCF0];
	_ =	sdelay $0x1  }
0xcf: {  	v3 =	vld [tilespmem:s20+$0x1970];
	_ =	sdelay $0x2  }
0xd0: {  	v62 =	vld [tilespmem:s20+$0x25F0];
	v2 =	vmul.f32 $1.300000000e+01, v2;
	_ =	sdelay $0x1  }
0xd1: {  	v3 =	vmul.f32 $1.300000000e+01, v3;
	v2 =	vtrunc.f32 v2  }
0xd2: {  	v2 =	vcvt.f32.s32 v2  }
0xd3: {  	v3 =	vtrunc.f32 v3  }
0xd4: {  	v4 =	vmul.f32 $1.300000000e+01, v62;
	v3 =	vcvt.f32.s32 v3;
	vm13 =	vgt.s32 v2, $0x0  }
0xd5: {  	v2 =	vnsel vm13, $0x0, v2  }
0xd6: {  	v4 =	vtrunc.f32 v4;
	vm14 =	vgt.s32 v3, $0x0;
	v2 =	vmin.u32 v2, $0xC  }
0xd7: {  	v4 =	vcvt.f32.s32 v4;
	v3 =	vnsel vm14, $0x0, v3;
	v2 =	vmul.u32 $0xD, v2  }
0xd8: {  	v3 =	vmin.u32 v3, $0xC  }
0xd9: {  	vm15 =	vgt.s32 v4, $0x0;
	v2 =	vadd.s32 v3, v2  }
0xda: {  	v3 =	vnsel vm15, $0x0, v4;
	v2 =	vmul.u32 $0xD, v2  }
0xdb: {  	v3 =	vmin.u32 v3, $0xC  }
0xdc: {  	v2 =	vadd.s32 v3, v2  }
0xdd: {  	v2 =	vadd.s32 v1, v2;
	_ =	sdelay $0x3  }
0xde: {  	v3 =	vld [tilespmem:s20+$0x70]  }
0xdf: {  	v63 =	vld.idx.msk [tilespmem:v2+s13+$0x0], $0xffff  }
0xe0: {  	p0 =	sne.s32 s19, $0x2E00  }
.Ltmp1:
0xe1: {  	_ = 	snop;
	(pc) =	sbr.rel @p0 .LBB2_4-.Ltmp1, $3  }
0xe2: {  	_ =	sdelay $0x1  }
0xe3: {  	v3 =	vmax.f32 v63, v3  }
0xe4: {  	s19 =	sadd.s32 $0x200, s19;
	[tilespmem:v2+s13+$0x0] =	vst.idx.msk $0xffff, v3  }
0xe5: {  	v2 =	vld [tilespmem:$0x1880];
	_ =	sdelay $0x1  }
0xe6: {  	v3 =	vld [tilespmem:$0x2500];
	_ =	sdelay $0x2  }
0xe7: {  	v4 =	vld [tilespmem:$0x3180];
	v2 =	vmul.f32 $1.300000000e+01, v2;
	_ =	sdelay $0x1  }
0xe8: {  	v3 =	vmul.f32 $1.300000000e+01, v3;
	v2 =	vtrunc.f32 v2  }
0xe9: {  	v2 =	vcvt.f32.s32 v2  }
0xea: {  	v3 =	vtrunc.f32 v3  }
0xeb: {  	v4 =	vmul.f32 $1.300000000e+01, v4;
	v3 =	vcvt.f32.s32 v3;
	vm0 =	vgt.s32 v2, $0x0  }
0xec: {  	v2 =	vnsel vm0, $0x0, v2  }
0xed: {  	v4 =	vtrunc.f32 v4;
	vm5 =	vgt.s32 v3, $0x0;
	v2 =	vmin.u32 v2, $0xC  }
0xee: {  	v4 =	vcvt.f32.s32 v4;
	v3 =	vnsel vm5, $0x0, v3;
	v2 =	vmul.u32 $0xD, v2  }
0xef: {  	v3 =	vmin.u32 v3, $0xC  }
0xf0: {  	vm6 =	vgt.s32 v4, $0x0;
	v2 =	vadd.s32 v3, v2  }
0xf1: {  	v3 =	vnsel vm6, $0x0, v4;
	v2 =	vmul.u32 $0xD, v2  }
0xf2: {  	v3 =	vmin.u32 v3, $0xC  }
0xf3: {  	v2 =	vadd.s32 v3, v2  }
0xf4: {  	v2 =	vadd.s32 v1, v2;
	_ =	sdelay $0x3  }
0xf5: {  	v3 =	vld [tilespmem:$0xC00]  }
0xf6: {  	v4 =	vld.idx.msk [tilespmem:v2+s13+$0x0], $0xffff;
	_ =	sdelay $0x4  }
0xf7: {  	v3 =	vmax.f32 v4, v3  }
0xf8: {  	[tilespmem:v2+s13+$0x0] =	vst.idx.msk $0xffff, v3  }
0xf9: {  	v2 =	vld [tilespmem:$0x1890];
	_ =	sdelay $0x1  }
0xfa: {  	v3 =	vld [tilespmem:$0x2510];
	_ =	sdelay $0x2  }
0xfb: {  	v4 =	vld [tilespmem:$0x3190];
	v2 =	vmul.f32 $1.300000000e+01, v2;
	_ =	sdelay $0x1  }
0xfc: {  	v3 =	vmul.f32 $1.300000000e+01, v3;
	v2 =	vtrunc.f32 v2  }
0xfd: {  	v2 =	vcvt.f32.s32 v2  }
0xfe: {  	v3 =	vtrunc.f32 v3  }
0xff: {  	v4 =	vmul.f32 $1.300000000e+01, v4;
	v3 =	vcvt.f32.s32 v3;
	vm7 =	vgt.s32 v2, $0x0  }
0x100: {  	v2 =	vnsel vm7, $0x0, v2  }
0x101: {  	v4 =	vtrunc.f32 v4;
	vm8 =	vgt.s32 v3, $0x0;
	v2 =	vmin.u32 v2, $0xC  }
0x102: {  	v4 =	vcvt.f32.s32 v4;
	v3 =	vnsel vm8, $0x0, v3;
	v2 =	vmul.u32 $0xD, v2  }
0x103: {  	v3 =	vmin.u32 v3, $0xC  }
0x104: {  	vm9 =	vgt.s32 v4, $0x0;
	v2 =	vadd.s32 v3, v2  }
0x105: {  	v3 =	vnsel vm9, $0x0, v4;
	v2 =	vmul.u32 $0xD, v2  }
0x106: {  	v3 =	vmin.u32 v3, $0xC  }
0x107: {  	v2 =	vadd.s32 v3, v2  }
0x108: {  	v2 =	vadd.s32 v1, v2;
	_ =	sdelay $0x3  }
0x109: {  	v3 =	vld [tilespmem:$0xC10]  }
0x10a: {  	v4 =	vld.idx.msk [tilespmem:v2+s13+$0x0], $0xffff;
	_ =	sdelay $0x4  }
0x10b: {  	v3 =	vmax.f32 v4, v3  }
0x10c: {  	[tilespmem:v2+s13+$0x0] =	vst.idx.msk $0xffff, v3  }
0x10d: {  	v2 =	vld [tilespmem:$0x18A0];
	_ =	sdelay $0x1  }
0x10e: {  	v3 =	vld [tilespmem:$0x2520];
	_ =	sdelay $0x2  }
0x10f: {  	v4 =	vld [tilespmem:$0x31A0];
	v2 =	vmul.f32 $1.300000000e+01, v2;
	_ =	sdelay $0x1  }
0x110: {  	v3 =	vmul.f32 $1.300000000e+01, v3;
	v2 =	vtrunc.f32 v2  }
0x111: {  	v2 =	vcvt.f32.s32 v2  }
0x112: {  	v3 =	vtrunc.f32 v3  }
0x113: {  	v4 =	vmul.f32 $1.300000000e+01, v4;
	v3 =	vcvt.f32.s32 v3;
	vm10 =	vgt.s32 v2, $0x0  }
0x114: {  	v2 =	vnsel vm10, $0x0, v2  }
0x115: {  	v4 =	vtrunc.f32 v4;
	vm11 =	vgt.s32 v3, $0x0;
	v2 =	vmin.u32 v2, $0xC  }
0x116: {  	v4 =	vcvt.f32.s32 v4;
	v3 =	vnsel vm11, $0x0, v3;
	v2 =	vmul.u32 $0xD, v2  }
0x117: {  	v3 =	vmin.u32 v3, $0xC  }
0x118: {  	vm12 =	vgt.s32 v4, $0x0;
	v2 =	vadd.s32 v3, v2  }
0x119: {  	v3 =	vnsel vm12, $0x0, v4;
	v2 =	vmul.u32 $0xD, v2  }
0x11a: {  	v3 =	vmin.u32 v3, $0xC  }
0x11b: {  	v2 =	vadd.s32 v3, v2  }
0x11c: {  	v2 =	vadd.s32 v1, v2;
	_ =	sdelay $0x3  }
0x11d: {  	v3 =	vld [tilespmem:$0xC20]  }
0x11e: {  	v4 =	vld.idx.msk [tilespmem:v2+s13+$0x0], $0xffff;
	_ =	sdelay $0x4  }
0x11f: {  	v3 =	vmax.f32 v4, v3  }
0x120: {  	[tilespmem:v2+s13+$0x0] =	vst.idx.msk $0xffff, v3  }
0x121: {  	v2 =	vld [tilespmem:$0x18B0];
	_ =	sdelay $0x1  }
0x122: {  	v3 =	vld [tilespmem:$0x2530];
	_ =	sdelay $0x2  }
0x123: {  	v4 =	vld [tilespmem:$0x31B0];
	v2 =	vmul.f32 $1.300000000e+01, v2;
	_ =	sdelay $0x1  }
0x124: {  	v3 =	vmul.f32 $1.300000000e+01, v3;
	v2 =	vtrunc.f32 v2  }
0x125: {  	v2 =	vcvt.f32.s32 v2  }
0x126: {  	v3 =	vtrunc.f32 v3  }
0x127: {  	v4 =	vmul.f32 $1.300000000e+01, v4;
	v3 =	vcvt.f32.s32 v3;
	vm13 =	vgt.s32 v2, $0x0  }
0x128: {  	v2 =	vnsel vm13, $0x0, v2  }
0x129: {  	v4 =	vtrunc.f32 v4;
	vm14 =	vgt.s32 v3, $0x0;
	v2 =	vmin.u32 v2, $0xC  }
0x12a: {  	v4 =	vcvt.f32.s32 v4;
	v3 =	vnsel vm14, $0x0, v3;
	v2 =	vmul.u32 $0xD, v2  }
0x12b: {  	v3 =	vmin.u32 v3, $0xC  }
0x12c: {  	vm15 =	vgt.s32 v4, $0x0;
	v2 =	vadd.s32 v3, v2  }
0x12d: {  	v3 =	vnsel vm15, $0x0, v4;
	v2 =	vmul.u32 $0xD, v2  }
0x12e: {  	v3 =	vmin.u32 v3, $0xC  }
0x12f: {  	v2 =	vadd.s32 v3, v2  }
0x130: {  	v2 =	vadd.s32 v1, v2;
	_ =	sdelay $0x3  }
0x131: {  	v3 =	vld [tilespmem:$0xC30]  }
0x132: {  	v4 =	vld.idx.msk [tilespmem:v2+s13+$0x0], $0xffff;
	_ =	sdelay $0x4  }
0x133: {  	v3 =	vmax.f32 v4, v3  }
0x134: {  	s19 =	simm.s32 $0x0;
	[tilespmem:v2+s13+$0x0] =	vst.idx.msk $0xffff, v3  }
0x135: {  	v2 =	vld [tilespmem:s19+$0x3200]  }
0x136: {  	v3 =	vld [tilespmem:s19+$0x3AA0]  }
0x137: {  	s20 =	simm.s32 $0x0;
	v4 =	vld [tilespmem:s19+$0x4340]  }
0x138: {  	s21 =	sand.u32 $0xFF0, s20;
	v5 =	vld [tilespmem:s19+$0x4BE0]  }
0x139: {  	v6 =	vld [tilespmem:s21+$0x5480]  }
0x13a: {  	v7 =	vld [tilespmem:s19+$0x5D20]  }
0x13b: {  	v2 =	vmax.f32 v2, v3;
	v3 =	vld [tilespmem:s19+$0x65C0]  }
0x13c: {  	v2 =	vmax.f32 v2, v4;
	v4 =	vld [tilespmem:s19+$0x6E60]  }
0x13d: {  	v2 =	vmax.f32 v2, v5;
	v5 =	vld [tilespmem:s21+$0x7700]  }
0x13e: {  	v2 =	vmax.f32 v2, v6;
	v6 =	vld [tilespmem:s19+$0x7FA0]  }
0x13f: {  	v2 =	vmax.f32 v2, v7;
	v7 =	vld [tilespmem:s19+$0x8840]  }
0x140: {  	v8 =	vld [tilespmem:s19+$0x90E0];
	v2 =	vmax.f32 v2, v3  }
0x141: {  	v9 =	vld [tilespmem:s21+$0x9980];
	v2 =	vmax.f32 v2, v4  }
0x142: {  	v2 =	vmax.f32 v2, v5;
	v5 =	vld [tilespmem:s19+$0xA220]  }
0x143: {  	v3 =	vld [tilespmem:s19+$0xAAC0];
	v2 =	vmax.f32 v2, v6  }
0x144: {  	v4 =	vld [tilespmem:s19+$0xB360];
	v2 =	vmax.f32 v2, v7  }
0x145: {  	v2 =	vmax.f32 v2, v8  }
0x146: {  	s21 =	simm.s32 $0x10;
	v6 =	vmax.f32 v2, v9  }
0x147: {  	s22 =	simm.s32 $0x80;
	v2 =	vld [tilespmem:s21+$0x3200];
	v5 =	vmax.f32 v6, v5  }
.LBB2_6:
0x148: {  	p0 =	sne.s32 s22, $0x2240;
	v6 =	vld [tilespmem:s21+$0x3AA0];
	v3 =	vmax.f32 v5, v3  }
0x149: {  	s20 =	sadd.s32 $0x10, s20;
	v5 =	vld [tilespmem:s21+$0x4340];
	v3 =	vmax.f32 v3, v4  }
0x14a: {  	s23 =	sand.u32 $0xFF0, s20;
	v4 =	vld [tilespmem:s21+$0x4BE0];
	[tilespmem:s19+$0xBC00] =	vst v3;
	s19 =	smov.u32 s21  }
0x14b: {  	v3 =	vld [tilespmem:s23+$0x5480]  }
0x14c: {  	v7 =	vld [tilespmem:s19+$0x5D20]  }
0x14d: {  	v2 =	vmax.f32 v2, v6;
	v6 =	vld [tilespmem:s19+$0x65C0]  }
0x14e: {  	v2 =	vmax.f32 v2, v5;
	v5 =	vld [tilespmem:s19+$0x6E60]  }
0x14f: {  	v2 =	vmax.f32 v2, v4;
	v4 =	vld [tilespmem:s23+$0x7700]  }
0x150: {  	v2 =	vmax.f32 v2, v3;
	v3 =	vld [tilespmem:s19+$0x7FA0]  }
0x151: {  	v2 =	vmax.f32 v2, v7;
	v7 =	vld [tilespmem:s19+$0x8840]  }
0x152: {  	v2 =	vmax.f32 v2, v6;
	v6 =	vld [tilespmem:s19+$0x90E0]  }
0x153: {  	v2 =	vmax.f32 v2, v5;
	v5 =	vld [tilespmem:s23+$0x9980]  }
0x154: {  	v2 =	vmax.f32 v2, v4;
	v8 =	vld [tilespmem:s19+$0xA220]  }
.Ltmp2:
0x155: {  	v2 =	vmax.f32 v2, v3;
	v3 =	vld [tilespmem:s19+$0xAAC0];
	(pc) =	sbr.rel @p0 .LBB2_6-.Ltmp2, $4  }
0x156: {  	v2 =	vmax.f32 v2, v7;
	v4 =	vld [tilespmem:s19+$0xB360]  }
0x157: {  	v2 =	vmax.f32 v2, v6  }
0x158: {  	s21 =	sshra.s32 s22, $0x2;
	v5 =	vmax.f32 v2, v5  }
0x159: {  	s22 =	sadd.s32 $0x40, s22;
	v2 =	vld [tilespmem:s21+$0x3200];
	v5 =	vmax.f32 v5, v8  }
0x15a: {  	v6 =	vld [tilespmem:s21+$0x3AA0];
	v3 =	vmax.f32 v5, v3  }
0x15b: {  	v54 =	vld [tilespmem:s21+$0x4340];
	s20 =	sadd.s32 $0x10, s20;
	v3 =	vmax.f32 v3, v4  }
0x15c: {  	v55 =	vld [tilespmem:s21+$0x4BE0];
	s20 =	sand.u32 $0xFF0, s20;
	[tilespmem:s19+$0xBC00] =	vst v3  }
0x15d: {  	v3 =	vld [tilespmem:s20+$0x5480]  }
0x15e: {  	v7 =	vld [tilespmem:s21+$0x5D20]  }
0x15f: {  	v56 =	vld [tilespmem:s21+$0x65C0];
	v2 =	vmax.f32 v2, v6  }
0x160: {  	v57 =	vld [tilespmem:s21+$0x6E60];
	v2 =	vmax.f32 v2, v54  }
0x161: {  	v58 =	vld [tilespmem:s20+$0x7700];
	v2 =	vmax.f32 v2, v55  }
0x162: {  	v2 =	vmax.f32 v2, v3;
	v3 =	vld [tilespmem:s21+$0x7FA0]  }
0x163: {  	v59 =	vld [tilespmem:s21+$0x8840];
	v2 =	vmax.f32 v2, v7  }
0x164: {  	v60 =	vld [tilespmem:s21+$0x90E0];
	v2 =	vmax.f32 v2, v56  }
0x165: {  	v61 =	vld [tilespmem:s20+$0x9980];
	v2 =	vmax.f32 v2, v57  }
0x166: {  	v62 =	vld [tilespmem:s21+$0xA220];
	v2 =	vmax.f32 v2, v58  }
0x167: {  	v2 =	vmax.f32 v2, v3;
	v3 =	vld [tilespmem:s21+$0xAAC0]  }
0x168: {  	v63 =	vld [tilespmem:s21+$0xB360];
	v2 =	vmax.f32 v2, v59  }
0x169: {  	v2 =	vmax.f32 v2, v60  }
0x16a: {  	v2 =	vmax.f32 v2, v61  }
0x16b: {  	v2 =	vmax.f32 v2, v62  }
0x16c: {  	s18 =	sadd.s32 $0x1, s18;
	v2 =	vmax.f32 v2, v3  }
0x16d: {  	p0 =	sne.s32 s18, s8;
	v2 =	vmax.f32 v2, v63  }
.Ltmp3:
0x16e: {  	[tilespmem:s21+$0xBC00] =	vst v2;
	(pc) =	sbr.rel @p0 .LBB2_1-.Ltmp3, $4  }
0x16f: {  	[hbm4b:s7+s14] =	stream.strided.scatter [tilespmem:s16], [sflag:$0x2], $0x900, s15, s14, $0x38;
	[tilespmem:$0xC500] =	vst v63  }
0x170: {  	_ =	swait.ge [sflag:s17], $0x900  }
0x171: {  	[sflag:s17] =	ssyncset.done $0x0  }
0x172: {  	[sflag:s17] =	ssyncadd.s32 $0xFFFFF700  }
0x173: {  	_ =	sfence.sel $0x180000  }
0x174: {  	[bflag:$0x0] =	sbarrier.arrive $0xFFFF  }
0x175: {  	p0 =	sne.s32 s0, $0x0;
	_ =	strace $0x90000047  }
0x176: {  	s0 =	sadd.s32 @!p0 $0x100000, s1;
	[bflag:$0x2] =	sbarrier.arrive $0xFFFF  }
0x177: {  	[sflag:s0] =	ssyncadd.tile.s32 @!p0 $0x1;
	_ =	shalt  }
.Lfunc_end2:
_tile_overlayer_lowered:
.L_overlay_start_2:
0x178: {  	(tag) =	ssettag $0x2  }
0x179: {  	s0 =	rddreg [dreg:$0x0];
	s2 =	stileid.u32  }
0x17a: {  	s1 =	rddreg [dreg:$0x1];
	p0 =	sne.s32 s2, $0x0  }
0x17b: {  	s3 =	rddreg [dreg:$0x2];
	[bflag:$0x3] =	sbarrier.arrive $0xFFFF;
	s2 =	simm.s32 @!p0 $0x1C02  }
0x17c: {  	[timem:s3], [sflag:s2] =	dma.local @!p0 [hbm:s0], s1  }
0x17d: {  	s0 =	simm.s32 @!p0 $0x2  }
0x17e: {  	_ =	swait.ge @!p0 [sflag:s0], s1  }
0x17f: {  	s1 =	ssub.s32 @!p0 $0x0, s1;
	[sflag:s0] =	ssyncset.done @!p0 $0x0  }
0x180: {  	[sflag:s0] =	ssyncadd.s32 @!p0 s1  }
0x181: {  	[bflag:$0x3] =	sbarrier.arrive $0xFFFF  }
0x182: {  	_ =	shalt  }

</sc_bundles>
